<compile_context>
chip_gen: v7x
topology: tpu7x:2x2x1
jax: 0.10.2.dev20260603
libtpu: 0.0.44.dev20260713+nightly
codegen_flags: <defaults>
</compile_context>

<pallas_src>
import functools

import jax
import jax.numpy as jnp
from jax import lax
from jax.experimental import pallas as pl
from jax.experimental.pallas import tpu as pltpu
from jax.experimental.pallas import tpu_sc as plsc

N = 8192
DIN = 384
DH = 128
K = 8
RB = 256
CB = 1024
RB3 = 1024
NRB3 = N // RB3
NRB = N // RB
NCB = N // CB
SCALE = DH ** -0.5
NEG = float("-inf")

_PC = pl.pallas_call


def _lrelu(t):
    return jnp.where(t >= 0, t, 0.01 * t)



def _s1_body(x_ref, w_ref, b_ref, wh_ref, wt_ref, a_ref, b2_ref, csum_ref):
    i = pl.program_id(0)
    z = jnp.dot(x_ref[...], w_ref[...], preferred_element_type=jnp.float32)
    x1 = _lrelu(z + b_ref[...])
    a_ref[...] = jnp.dot(x1, wh_ref[...], preferred_element_type=jnp.float32)
    b2_ref[...] = jnp.dot(x1, wt_ref[...], preferred_element_type=jnp.float32)

    @pl.when(i == 0)
    def _():
        csum_ref[...] = jnp.zeros_like(csum_ref)

    csum_ref[...] += jnp.sum(x1, axis=0, keepdims=True)


def _stage1(x, W1, b1, Wh, Wt):
    return _PC(
        _s1_body,
        grid=(NRB,),
        in_specs=[
            pl.BlockSpec((RB, DIN), lambda i: (i, 0)),
            pl.BlockSpec((DIN, DH), lambda i: (0, 0)),
            pl.BlockSpec((1, DH), lambda i: (0, 0)),
            pl.BlockSpec((DH, DH), lambda i: (0, 0)),
            pl.BlockSpec((DH, DH), lambda i: (0, 0)),
        ],
        out_specs=[
            pl.BlockSpec((RB, DH), lambda i: (i, 0)),
            pl.BlockSpec((RB, DH), lambda i: (i, 0)),
            pl.BlockSpec((1, DH), lambda i: (0, 0)),
        ],
        out_shape=[
            jax.ShapeDtypeStruct((N, DH), jnp.float32),
            jax.ShapeDtypeStruct((N, DH), jnp.float32),
            jax.ShapeDtypeStruct((1, DH), jnp.float32),
        ],
    )(x, W1, b1, Wh, Wt)



def _s2_body(a_ref, b_ref, csum_ref, wh_ref, bh_ref, wt_ref, bt_ref,
             eh_ref, et_ref):
    mean = csum_ref[...] * (0.5 / N)
    rh = jnp.dot(mean, wh_ref[...], preferred_element_type=jnp.float32) + bh_ref[...]
    rt = jnp.dot(mean, wt_ref[...], preferred_element_type=jnp.float32) + bt_ref[...]
    eh_ref[...] = 0.5 * a_ref[...] + rh
    et_ref[...] = 0.5 * b_ref[...] + rt


def _stage2(a, b, csum, Wh, bh, Wt, bt):
    return _PC(
        _s2_body,
        grid=(NRB,),
        in_specs=[
            pl.BlockSpec((RB, DH), lambda i: (i, 0)),
            pl.BlockSpec((RB, DH), lambda i: (i, 0)),
            pl.BlockSpec((1, DH), lambda i: (0, 0)),
            pl.BlockSpec((DH, DH), lambda i: (0, 0)),
            pl.BlockSpec((1, DH), lambda i: (0, 0)),
            pl.BlockSpec((DH, DH), lambda i: (0, 0)),
            pl.BlockSpec((1, DH), lambda i: (0, 0)),
        ],
        out_specs=[
            pl.BlockSpec((RB, DH), lambda i: (i, 0)),
            pl.BlockSpec((RB, DH), lambda i: (i, 0)),
        ],
        out_shape=[
            jax.ShapeDtypeStruct((N, DH), jnp.float32),
            jax.ShapeDtypeStruct((N, DH), jnp.float32),
        ],
    )(a, b, csum, Wh, bh, Wt, bt)



def _s3_body(eh_ref, et_ref, tw_ref, ti_ref):
    ehs = eh_ref[...] * SCALE
    iota_s = lax.broadcasted_iota(jnp.int32, (CB, RB3), 0)
    iota_k = lax.broadcasted_iota(jnp.int32, (K, RB3), 0)

    def col_step(c, carry):
        vals, ids = carry
        et_t = et_ref[pl.ds(c * CB, CB), :]
        logits = lax.dot_general(
            et_t, ehs, (((1,), (1,)), ((), ())),
            preferred_element_type=jnp.float32)

        def round_cond(st):
            r, work, m, vals, ids = st
            return jnp.logical_and(r < K, jnp.any(m > vals[K - 1:K, :]))

        def round_body(st):
            r, work, m, vals, ids = st
            cand = work == m
            pos = jnp.min(jnp.where(cand, iota_s, CB), axis=0, keepdims=True)
            work = jnp.where(iota_s == pos, NEG, work)
            cval = m
            cidx = pos + c * CB
            cnt = jnp.sum((vals >= cval).astype(jnp.int32), axis=0, keepdims=True)
            sv = jnp.concatenate(
                [jnp.full((1, RB3), NEG, jnp.float32), vals[: K - 1, :]], axis=0)
            si = jnp.concatenate(
                [jnp.zeros((1, RB3), jnp.int32), ids[: K - 1, :]], axis=0)
            newv = jnp.where(iota_k < cnt, vals,
                             jnp.where(iota_k == cnt, cval, sv))
            newi = jnp.where(iota_k < cnt, ids,
                             jnp.where(iota_k == cnt, cidx, si))
            m2 = jnp.max(work, axis=0, keepdims=True)
            return (r + 1, work, m2, newv, newi)

        m0 = jnp.max(logits, axis=0, keepdims=True)
        _, _, _, vals, ids = lax.while_loop(
            round_cond, round_body, (0, logits, m0, vals, ids))
        return (vals, ids)

    vals0 = jnp.full((K, RB3), NEG, jnp.float32)
    ids0 = jnp.zeros((K, RB3), jnp.int32)
    vals, ids = lax.fori_loop(0, NCB, col_step, (vals0, ids0))
    tw_ref[...] = vals
    ti_ref[...] = ids


def _stage3(eh, et):
    return _PC(
        _s3_body,
        grid=(NRB3,),
        in_specs=[
            pl.BlockSpec((RB3, DH), lambda i: (i, 0)),
            pl.BlockSpec((N, DH), lambda i: (0, 0)),
        ],
        out_specs=[
            pl.BlockSpec((K, RB3), lambda i: (0, i)),
            pl.BlockSpec((K, RB3), lambda i: (0, i)),
        ],
        out_shape=[
            jax.ShapeDtypeStruct((K, N), jnp.float32),
            jax.ShapeDtypeStruct((K, N), jnp.int32),
        ],
    )(eh, et)



_SC_CHUNK = 128


def _sc_gather(table, idx2d):
    info = plsc.get_sparse_core_info()
    nw = info.num_cores * info.num_subcores
    rows_per_w = (N * K // _SC_CHUNK) // nw
    nbuf = 4

    @functools.partial(
        pl.kernel,
        out_type=jax.ShapeDtypeStruct((N * K, DH), jnp.float32),
        mesh=plsc.VectorSubcoreMesh(core_axis_name="c", subcore_axis_name="s"),
        scratch_types=[
            pltpu.VMEM((rows_per_w, _SC_CHUNK), jnp.int32),
            pltpu.VMEM((nbuf, _SC_CHUNK, DH), jnp.float32),
            pltpu.SemaphoreType.DMA,
            pltpu.SemaphoreType.DMA,
            pltpu.SemaphoreType.DMA,
            pltpu.SemaphoreType.DMA,
        ],
    )
    def gather_kernel(table_hbm, idx_hbm, out_hbm, idx_v, rows_v,
                      gs0, gs1, os0, os1):
        wid = lax.axis_index("s") * info.num_cores + lax.axis_index("c")
        rbase = wid * rows_per_w
        base = rbase * _SC_CHUNK
        pltpu.sync_copy(idx_hbm.at[pl.ds(rbase, rows_per_w)], idx_v)
        gs = [gs0, gs1]
        osm = [os0, os1]
        gh = {}
        oh = {}
        for ci in range(2):
            gh[ci] = pltpu.async_copy(
                table_hbm.at[idx_v.at[ci]], rows_v.at[ci % nbuf], gs[ci % 2])
        for ci in range(rows_per_w):
            gh[ci].wait()
            oh[ci] = pltpu.async_copy(
                rows_v.at[ci % nbuf],
                out_hbm.at[pl.ds(base + ci * _SC_CHUNK, _SC_CHUNK)],
                osm[ci % 2])
            if ci - 2 >= 0:
                oh[ci - 2].wait()
            if ci + 2 < rows_per_w:
                gh[ci + 2] = pltpu.async_copy(
                    table_hbm.at[idx_v.at[ci + 2]],
                    rows_v.at[(ci + 2) % nbuf], gs[ci % 2])
        oh[rows_per_w - 2].wait()
        oh[rows_per_w - 1].wait()

    return gather_kernel(table, idx2d)



def _s5_body(eh_ref, nb_ref, tw_ref, l1_ref, l1b_ref, l2_ref, l2b_ref,
             a1_ref, a1b_ref, a2t_ref, a2b_ref, h_ref, gl_ref):
    eh = eh_ref[...]
    nb = nb_ref[...].reshape(RB, K, DH)
    tw = tw_ref[...]

    mw = jnp.max(tw, axis=1, keepdims=True)
    ew = jnp.exp(tw - mw)
    p = ew / jnp.sum(ew, axis=1, keepdims=True)

    eh3 = eh[:, None, :]
    ehr = p[:, :, None] * nb + (1.0 - p)[:, :, None] * eh3
    gate = jnp.tanh(eh3 + ehr)
    kw = jnp.sum(nb, axis=2) * jnp.sum(gate, axis=2)
    mk = jnp.max(kw, axis=1, keepdims=True)
    ek = jnp.exp(kw - mk)
    kp = ek / jnp.sum(ek, axis=1, keepdims=True)
    e_nh = jnp.sum(kp[:, :, None] * nb, axis=1)

    s_emb = _lrelu(jnp.dot(eh + e_nh, l1_ref[...],
                           preferred_element_type=jnp.float32) + l1b_ref[...])
    b_emb = _lrelu(jnp.dot(eh * e_nh, l2_ref[...],
                           preferred_element_type=jnp.float32) + l2b_ref[...])
    h = s_emb + b_emb
    h_ref[...] = h

    a = _lrelu(jnp.dot(h, a1_ref[...],
                       preferred_element_type=jnp.float32) + a1b_ref[...])
    gl = lax.dot_general(a2t_ref[...], a, (((1,), (1,)), ((), ())),
                         preferred_element_type=jnp.float32)
    gl_ref[...] = gl + a2b_ref[...]


def _stage5(eh, nb, tw, L1, l1b, L2, l2b, A1, a1b, A2t, a2b):
    return _PC(
        _s5_body,
        grid=(NRB,),
        in_specs=[
            pl.BlockSpec((RB, DH), lambda i: (i, 0)),
            pl.BlockSpec((RB * K, DH), lambda i: (i, 0)),
            pl.BlockSpec((RB, K), lambda i: (i, 0)),
            pl.BlockSpec((DH, DH), lambda i: (0, 0)),
            pl.BlockSpec((1, DH), lambda i: (0, 0)),
            pl.BlockSpec((DH, DH), lambda i: (0, 0)),
            pl.BlockSpec((1, DH), lambda i: (0, 0)),
            pl.BlockSpec((DH, DH // 2), lambda i: (0, 0)),
            pl.BlockSpec((1, DH // 2), lambda i: (0, 0)),
            pl.BlockSpec((1, DH // 2), lambda i: (0, 0)),
            pl.BlockSpec((1, 1), lambda i: (0, 0)),
        ],
        out_specs=[
            pl.BlockSpec((RB, DH), lambda i: (i, 0)),
            pl.BlockSpec((1, RB), lambda i: (0, i)),
        ],
        out_shape=[
            jax.ShapeDtypeStruct((N, DH), jnp.float32),
            jax.ShapeDtypeStruct((1, N), jnp.float32),
        ],
    )(eh, nb, tw, L1, l1b, L2, l2b, A1, a1b, A2t, a2b)



def _s6_body(gl_ref, h_ref, lng_ref, lnb_ref, wc_ref, bc_ref,
             logits_ref, prob_ref, yhat_ref):
    gl = gl_ref[...]
    m = jnp.max(gl)
    e = jnp.exp(gl - m)
    alpha = e / jnp.sum(e)
    pooled = jnp.dot(alpha, h_ref[...],
                     preferred_element_type=jnp.float32)
    mu = jnp.mean(pooled, axis=1, keepdims=True)
    var = jnp.mean((pooled - mu) ** 2, axis=1, keepdims=True)
    normed = (pooled - mu) / jnp.sqrt(var + 1e-5) * lng_ref[...] + lnb_ref[...]
    logits = jnp.dot(normed, wc_ref[...],
                     preferred_element_type=jnp.float32) + bc_ref[...]
    logits_ref[...] = logits
    ml = jnp.max(logits, axis=1, keepdims=True)
    el = jnp.exp(logits - ml)
    prob_ref[...] = el / jnp.sum(el, axis=1, keepdims=True)
    iota2 = lax.broadcasted_iota(jnp.int32, (1, 2), 1)
    yhat_ref[...] = jnp.min(jnp.where(logits == ml, iota2, 2),
                            axis=1, keepdims=True)


def _stage6(gl, h, ln_g, ln_b, Wc, bc):
    return _PC(
        _s6_body,
        grid=(1,),
        in_specs=[
            pl.BlockSpec((1, N), lambda i: (0, 0)),
            pl.BlockSpec((N, DH), lambda i: (0, 0)),
            pl.BlockSpec((1, DH), lambda i: (0, 0)),
            pl.BlockSpec((1, DH), lambda i: (0, 0)),
            pl.BlockSpec((DH, 2), lambda i: (0, 0)),
            pl.BlockSpec((1, 2), lambda i: (0, 0)),
        ],
        out_specs=[
            pl.BlockSpec((1, 2), lambda i: (0, 0)),
            pl.BlockSpec((1, 2), lambda i: (0, 0)),
            pl.BlockSpec((1, 1), lambda i: (0, 0)),
        ],
        out_shape=[
            jax.ShapeDtypeStruct((1, 2), jnp.float32),
            jax.ShapeDtypeStruct((1, 2), jnp.float32),
            jax.ShapeDtypeStruct((1, 1), jnp.int32),
        ],
    )(gl, h, ln_g, ln_b, Wc, bc)



def kernel(x, W1, b1, Wh, bh, Wt, bt, L1, l1b, L2, l2b,
           A1, a1b, A2, a2b, ln_g, ln_b, Wc, bc):
    b1r = b1.reshape(1, DH)
    bhr = bh.reshape(1, DH)
    btr = bt.reshape(1, DH)
    l1br = l1b.reshape(1, DH)
    l2br = l2b.reshape(1, DH)
    a1br = a1b.reshape(1, DH // 2)
    a2t = A2.reshape(1, DH // 2)
    a2br = a2b.reshape(1, 1)
    lngr = ln_g.reshape(1, DH)
    lnbr = ln_b.reshape(1, DH)
    bcr = bc.reshape(1, 2)

    a, b, csum = _stage1(x, W1, b1r, Wh, Wt)
    eh, et = _stage2(a, b, csum, Wh, bhr, Wt, btr)
    tw_t, ti_t = _stage3(eh, et)
    tw = tw_t.T
    ti = ti_t.T
    nb = _sc_gather(et, ti.reshape(N * K // _SC_CHUNK, _SC_CHUNK))
    h, gl = _stage5(eh, nb, tw, L1, l1br, L2, l2br, A1, a1br, a2t, a2br)
    logits, prob, yhat = _stage6(gl, h, lngr, lnbr, Wc, bcr)
    return (logits, prob, yhat)

# --- scband reference (transcript-rebuilt; emitter-appended) ---
"""Pipeline reference for scband-wi-kg-40123584479601 (READ-ONLY COPY).

The authoritative reference and input builder live on the scoring server;
editing this copy changes nothing except your own understanding.
"""

import jax, jax.numpy as jnp
import numpy as np

DIM_IN = 384
DIM_H = 128
TOPK = 8
N_CLASSES = 2
N = 8192


def _lin(k, fan_in, fan_out):
    kw, kb = jax.random.split(k)
    lim = 1.0 / np.sqrt(fan_in)
    W = jax.random.uniform(kw, (fan_in, fan_out), minval=-lim, maxval=lim, dtype=jnp.float32)
    b = jax.random.uniform(kb, (fan_out,), minval=-lim, maxval=lim, dtype=jnp.float32)
    return W, b


def setup_inputs(seed: int = 0):
    key = jax.random.key(seed)
    ks = jax.random.split(key, 10)
    x = jax.random.normal(ks[0], (N, DIM_IN), dtype=jnp.float32)
    W1, b1 = _lin(ks[1], DIM_IN, DIM_H)
    Wh, bh = _lin(ks[2], DIM_H, DIM_H)
    Wt, bt = _lin(ks[3], DIM_H, DIM_H)
    L1, l1b = _lin(ks[4], DIM_H, DIM_H)
    L2, l2b = _lin(ks[5], DIM_H, DIM_H)
    A1, a1b = _lin(ks[6], DIM_H, DIM_H // 2)
    A2, a2b = _lin(ks[7], DIM_H // 2, 1)
    Wc, bc = _lin(ks[8], DIM_H, N_CLASSES)
    ln_g = jnp.ones((DIM_H,), dtype=jnp.float32)
    ln_b = jnp.zeros((DIM_H,), dtype=jnp.float32)
    return {"x": x, "W1": W1, "b1": b1, "Wh": Wh, "bh": bh, "Wt": Wt, "bt": bt, "L1": L1, "l1b": l1b, "L2": L2, "l2b": l2b, "A1": A1, "a1b": a1b, "A2": A2, "a2b": a2b, "ln_g": ln_g, "ln_b": ln_b, "Wc": Wc, "bc": bc}


def _forward(x, W1, b1, Wh, bh, Wt, bt, L1, l1b, L2, l2b, A1, a1b, A2, a2b, ln_g, ln_b, Wc, bc):
    lrelu = lambda t: jax.nn.leaky_relu(t, negative_slope=0.01)
    x = x[None, :, :]
    x = lrelu(x @ W1 + b1)
    x = (x + jnp.mean(x, axis=1, keepdims=True)) * 0.5
    e_h = x @ Wh + bh
    e_t = x @ Wt + bt
    scale = DIM_H ** (-0.5)
    attn_logit = (e_h * scale) @ jnp.swapaxes(e_t, -2, -1)
    topk_weight, topk_index = jax.lax.top_k(attn_logit, TOPK)
    Nb_h = jnp.take(e_t[0], topk_index[0], axis=0)[None, ...]
    topk_prob = jax.nn.softmax(topk_weight, axis=2)
    eh_r = topk_prob[..., None] * Nb_h + (1.0 - topk_prob)[..., None] * e_h[:, :, None, :]
    e_h_expand = jnp.broadcast_to(e_h[:, :, None, :], Nb_h.shape)
    gate = jnp.tanh(e_h_expand + eh_r)
    ka_weight = jnp.einsum('ijkl,ijkm->ijk', Nb_h, gate)
    ka_prob = jax.nn.softmax(ka_weight, axis=2)[:, :, None, :]
    e_Nh = jnp.squeeze(jnp.matmul(ka_prob, Nb_h), axis=2)
    sum_emb = lrelu((e_h + e_Nh) @ L1 + l1b)
    bi_emb = lrelu((e_h * e_Nh) @ L2 + l2b)
    emb = sum_emb + bi_emb
    h = emb[0]
    gate_logits = lrelu(h @ A1 + a1b) @ A2 + a2b
    alpha = jax.nn.softmax(gate_logits, axis=0)
    pooled = jnp.sum(alpha * h, axis=0, keepdims=True)
    mu = jnp.mean(pooled, axis=-1, keepdims=True)
    var = jnp.var(pooled, axis=-1, keepdims=True)
    normed = (pooled - mu) / jnp.sqrt(var + 1e-5) * ln_g + ln_b
    logits = normed @ Wc + bc
    return logits


def reference(x, W1, b1, Wh, bh, Wt, bt, L1, l1b, L2, l2b, A1, a1b, A2, a2b, ln_g, ln_b, Wc, bc):
    logits = _forward(x=x, W1=W1, b1=b1, Wh=Wh, bh=bh, Wt=Wt, bt=bt, L1=L1, l1b=l1b, L2=L2, l2b=l2b, A1=A1, a1b=a1b, A2=A2, a2b=a2b, ln_g=ln_g, ln_b=ln_b, Wc=Wc, bc=bc)
    Y_prob = jax.nn.softmax(logits, axis=1)
    Y_hat = jax.lax.top_k(logits, 1)[1]
    return (logits, Y_prob, Y_hat)

if __name__ == "__main__":
    import jax
    _d = setup_inputs()
    print(jax.jit(kernel)(*tuple(_d.values())))

</pallas_src>

<mosaic_0001>
#map = affine_map<(d0, d1) -> (0, 0)>
module attributes {stable_mosaic.version = 14 : i64} {
  func.func @gather_kernel(%arg0: i32, %arg1: i32, %arg2: memref<8192x128xf32, #tpu.memory_space<hbm>>, %arg3: memref<512x128xi32, #tpu.memory_space<hbm>>, %arg4: memref<65536x128xf32, #tpu.memory_space<hbm>>, %arg5: memref<16x128xi32, #tpu.memory_space<vmem>>, %arg6: memref<4x128x128xf32, #tpu.memory_space<vmem>>, %arg7: memref<!tpu.dma_semaphore, #tpu.memory_space<semaphore_mem>>, %arg8: memref<!tpu.dma_semaphore, #tpu.memory_space<semaphore_mem>>, %arg9: memref<!tpu.dma_semaphore, #tpu.memory_space<semaphore_mem>>, %arg10: memref<!tpu.dma_semaphore, #tpu.memory_space<semaphore_mem>>) attributes {dimension_semantics = [#tpu.dimension_semantics<core_parallel>, #tpu.dimension_semantics<subcore_parallel>], iteration_bounds = array<i64: 2, 16>, scalar_prefetch = 0 : i64, scratch_operands = 6 : i64, tpu.core_type = #tpu.core_type<sc_vector_subcore>, window_params = [{transform_indices = #map}, {transform_indices = #map}, {transform_indices = #map}]} {
    %mul3A = arith.constant 2 : i32
    %mul3A_0 = arith.muli %arg1, %mul3A : i32
    %add3A = arith.addi %mul3A_0, %arg0 : i32
    %mul3A_1 = arith.constant 16 : i32
    %mul3A_2 = arith.muli %add3A, %mul3A_1 : i32
    %mul3A_3 = arith.constant 128 : i32
    %mul3A_4 = arith.muli %mul3A_2, %mul3A_3 : i32
    "tpu.region"() ({
      %run_scoped3A = tpu.sem_alloc : memref<!tpu.dma_semaphore, #tpu.memory_space<semaphore_mem>>
      %dma_start3A_835 = arith.constant 0 : i32
      %dma_start3A_836 = tpu.memref_slice %arg3[%mul3A_2, %dma_start3A_835] : memref<512x128xi32, #tpu.memory_space<hbm>> -> memref<16x128xi32, #tpu.memory_space<hbm>>
      %dma_start3A_837 = arith.constant 0 : i32
      %dma_start3A_838 = tpu.memref_slice %arg3[%mul3A_2, %dma_start3A_837] : memref<512x128xi32, #tpu.memory_space<hbm>> -> memref<16x128xi32, #tpu.memory_space<hbm>>
      tpu.enqueue_dma source(%dma_start3A_838 : memref<16x128xi32, #tpu.memory_space<hbm>>) target(%arg5 : memref<16x128xi32, #tpu.memory_space<vmem>>) target_semaphore(%run_scoped3A : memref<!tpu.dma_semaphore, #tpu.memory_space<semaphore_mem>>)
      %dma_wait3A_839 = arith.constant 0 : i32
      %dma_wait3A_840 = tpu.memref_slice %arg3[%mul3A_2, %dma_wait3A_839] : memref<512x128xi32, #tpu.memory_space<hbm>> -> memref<16x128xi32, #tpu.memory_space<hbm>>
      %dma_wait3A_841 = arith.constant 0 : i32
      %dma_wait3A_842 = tpu.memref_slice %arg3[%mul3A_2, %dma_wait3A_841] : memref<512x128xi32, #tpu.memory_space<hbm>> -> memref<16x128xi32, #tpu.memory_space<hbm>>
      tpu.wait_dma2 semaphore(%run_scoped3A : memref<!tpu.dma_semaphore, #tpu.memory_space<semaphore_mem>>) src(%dma_wait3A_842 : memref<16x128xi32, #tpu.memory_space<hbm>>) dst(%arg5 : memref<16x128xi32, #tpu.memory_space<vmem>>)
      tpu.yield
    }) : () -> ()
    %dma_start3A = arith.constant 0 : i32
    %dma_start3A_5 = arith.constant 0 : i32
    %dma_start3A_6 = arith.constant 0 : i32
    %dma_start3A_7 = arith.constant 0 : i32
    %dma_start3A_8 = tpu.memref_slice %arg6[%dma_start3A_5, %dma_start3A_6, %dma_start3A_7] : memref<4x128x128xf32, #tpu.memory_space<vmem>> -> memref<1x128x128xf32, #tpu.memory_space<vmem>>
    %dma_start3A_9 = tpu.memref_squeeze %dma_start3A_8 : memref<1x128x128xf32, #tpu.memory_space<vmem>> -> memref<128x128xf32, #tpu.memory_space<vmem>>
    %dma_start3A_10 = arith.constant 0 : i32
    %dma_start3A_11 = tpu.memref_slice %arg5[%dma_start3A, %dma_start3A_10] : memref<16x128xi32, #tpu.memory_space<vmem>> -> memref<1x128xi32, #tpu.memory_space<vmem>>
    %dma_start3A_12 = tpu.memref_squeeze %dma_start3A_11 : memref<1x128xi32, #tpu.memory_space<vmem>> -> memref<128xi32, #tpu.memory_space<vmem>>
    %dma_start3A_13 = arith.constant 0 : i32
    %dma_start3A_14 = arith.constant 0 : i32
    %dma_start3A_15 = tpu.memref_slice %arg2[%dma_start3A_13, %dma_start3A_14] : memref<8192x128xf32, #tpu.memory_space<hbm>> -> memref<8192x128xf32, #tpu.memory_space<hbm>>
    tpu.enqueue_indirect_dma source(%dma_start3A_15 : memref<8192x128xf32, #tpu.memory_space<hbm>>) target(%dma_start3A_9 : memref<128x128xf32, #tpu.memory_space<vmem>>) offsets(%dma_start3A_12 : memref<128xi32, #tpu.memory_space<vmem>>) semaphore(%arg7 : memref<!tpu.dma_semaphore, #tpu.memory_space<semaphore_mem>>)
    %dma_start3A_16 = arith.constant 1 : i32
    %dma_start3A_17 = arith.constant 1 : i32
    %dma_start3A_18 = arith.constant 0 : i32
    %dma_start3A_19 = arith.constant 0 : i32
    %dma_start3A_20 = tpu.memref_slice %arg6[%dma_start3A_17, %dma_start3A_18, %dma_start3A_19] : memref<4x128x128xf32, #tpu.memory_space<vmem>> -> memref<1x128x128xf32, #tpu.memory_space<vmem>>
    %dma_start3A_21 = tpu.memref_squeeze %dma_start3A_20 : memref<1x128x128xf32, #tpu.memory_space<vmem>> -> memref<128x128xf32, #tpu.memory_space<vmem>>
    %dma_start3A_22 = arith.constant 0 : i32
    %dma_start3A_23 = tpu.memref_slice %arg5[%dma_start3A_16, %dma_start3A_22] : memref<16x128xi32, #tpu.memory_space<vmem>> -> memref<1x128xi32, #tpu.memory_space<vmem>>
    %dma_start3A_24 = tpu.memref_squeeze %dma_start3A_23 : memref<1x128xi32, #tpu.memory_space<vmem>> -> memref<128xi32, #tpu.memory_space<vmem>>
    %dma_start3A_25 = arith.constant 0 : i32
    %dma_start3A_26 = arith.constant 0 : i32
    %dma_start3A_27 = tpu.memref_slice %arg2[%dma_start3A_25, %dma_start3A_26] : memref<8192x128xf32, #tpu.memory_space<hbm>> -> memref<8192x128xf32, #tpu.memory_space<hbm>>
    tpu.enqueue_indirect_dma source(%dma_start3A_27 : memref<8192x128xf32, #tpu.memory_space<hbm>>) target(%dma_start3A_21 : memref<128x128xf32, #tpu.memory_space<vmem>>) offsets(%dma_start3A_24 : memref<128xi32, #tpu.memory_space<vmem>>) semaphore(%arg8 : memref<!tpu.dma_semaphore, #tpu.memory_space<semaphore_mem>>)
    %dma_wait3A = arith.constant 0 : i32
    %dma_wait3A_28 = arith.constant 0 : i32
    %dma_wait3A_29 = arith.constant 0 : i32
    %dma_wait3A_30 = arith.constant 0 : i32
    %dma_wait3A_31 = tpu.memref_slice %arg6[%dma_wait3A_28, %dma_wait3A_29, %dma_wait3A_30] : memref<4x128x128xf32, #tpu.memory_space<vmem>> -> memref<1x128x128xf32, #tpu.memory_space<vmem>>
    %dma_wait3A_32 = tpu.memref_squeeze %dma_wait3A_31 : memref<1x128x128xf32, #tpu.memory_space<vmem>> -> memref<128x128xf32, #tpu.memory_space<vmem>>
    %dma_wait3A_33 = arith.constant 0 : i32
    %dma_wait3A_34 = tpu.memref_slice %arg5[%dma_wait3A, %dma_wait3A_33] : memref<16x128xi32, #tpu.memory_space<vmem>> -> memref<1x128xi32, #tpu.memory_space<vmem>>
    %dma_wait3A_35 = tpu.memref_squeeze %dma_wait3A_34 : memref<1x128xi32, #tpu.memory_space<vmem>> -> memref<128xi32, #tpu.memory_space<vmem>>
    %dma_wait3A_36 = arith.constant 0 : i32
    %dma_wait3A_37 = arith.constant 0 : i32
    %dma_wait3A_38 = tpu.memref_slice %arg2[%dma_wait3A_36, %dma_wait3A_37] : memref<8192x128xf32, #tpu.memory_space<hbm>> -> memref<8192x128xf32, #tpu.memory_space<hbm>>
    tpu.wait_indirect_dma semaphore(%arg7 : memref<!tpu.dma_semaphore, #tpu.memory_space<semaphore_mem>>) src(%dma_wait3A_38 : memref<8192x128xf32, #tpu.memory_space<hbm>>) dst(%dma_wait3A_32 : memref<128x128xf32, #tpu.memory_space<vmem>>)
    %add3A_39 = arith.constant 0 : i32
    %add3A_40 = arith.addi %mul3A_4, %add3A_39 : i32
    %dma_start3A_41 = arith.constant 0 : i32
    %dma_start3A_42 = arith.constant 0 : i32
    %dma_start3A_43 = arith.constant 0 : i32
    %dma_start3A_44 = tpu.memref_slice %arg6[%dma_start3A_41, %dma_start3A_42, %dma_start3A_43] : memref<4x128x128xf32, #tpu.memory_space<vmem>> -> memref<1x128x128xf32, #tpu.memory_space<vmem>>
    %dma_start3A_45 = tpu.memref_squeeze %dma_start3A_44 : memref<1x128x128xf32, #tpu.memory_space<vmem>> -> memref<128x128xf32, #tpu.memory_space<vmem>>
    %dma_start3A_46 = arith.constant 0 : i32
    %dma_start3A_47 = tpu.memref_slice %arg4[%add3A_40, %dma_start3A_46] : memref<65536x128xf32, #tpu.memory_space<hbm>> -> memref<128x128xf32, #tpu.memory_space<hbm>>
    %dma_start3A_48 = arith.constant 0 : i32
    %dma_start3A_49 = tpu.memref_slice %arg4[%add3A_40, %dma_start3A_48] : memref<65536x128xf32, #tpu.memory_space<hbm>> -> memref<128x128xf32, #tpu.memory_space<hbm>>
    %dma_start3A_50 = arith.constant 0 : i32
    %dma_start3A_51 = arith.constant 0 : i32
    %dma_start3A_52 = tpu.memref_slice %arg6[%dma_start3A_41, %dma_start3A_50, %dma_start3A_51] : memref<4x128x128xf32, #tpu.memory_space<vmem>> -> memref<1x128x128xf32, #tpu.memory_space<vmem>>
    %dma_start3A_53 = tpu.memref_squeeze %dma_start3A_52 : memref<1x128x128xf32, #tpu.memory_space<vmem>> -> memref<128x128xf32, #tpu.memory_space<vmem>>
    tpu.enqueue_dma source(%dma_start3A_53 : memref<128x128xf32, #tpu.memory_space<vmem>>) target(%dma_start3A_49 : memref<128x128xf32, #tpu.memory_space<hbm>>) target_semaphore(%arg9 : memref<!tpu.dma_semaphore, #tpu.memory_space<semaphore_mem>>)
    %dma_start3A_54 = arith.constant 2 : i32
    %dma_start3A_55 = arith.constant 2 : i32
    %dma_start3A_56 = arith.constant 0 : i32
    %dma_start3A_57 = arith.constant 0 : i32
    %dma_start3A_58 = tpu.memref_slice %arg6[%dma_start3A_55, %dma_start3A_56, %dma_start3A_57] : memref<4x128x128xf32, #tpu.memory_space<vmem>> -> memref<1x128x128xf32, #tpu.memory_space<vmem>>
    %dma_start3A_59 = tpu.memref_squeeze %dma_start3A_58 : memref<1x128x128xf32, #tpu.memory_space<vmem>> -> memref<128x128xf32, #tpu.memory_space<vmem>>
    %dma_start3A_60 = arith.constant 0 : i32
    %dma_start3A_61 = tpu.memref_slice %arg5[%dma_start3A_54, %dma_start3A_60] : memref<16x128xi32, #tpu.memory_space<vmem>> -> memref<1x128xi32, #tpu.memory_space<vmem>>
    %dma_start3A_62 = tpu.memref_squeeze %dma_start3A_61 : memref<1x128xi32, #tpu.memory_space<vmem>> -> memref<128xi32, #tpu.memory_space<vmem>>
    %dma_start3A_63 = arith.constant 0 : i32
    %dma_start3A_64 = arith.constant 0 : i32
    %dma_start3A_65 = tpu.memref_slice %arg2[%dma_start3A_63, %dma_start3A_64] : memref<8192x128xf32, #tpu.memory_space<hbm>> -> memref<8192x128xf32, #tpu.memory_space<hbm>>
    tpu.enqueue_indirect_dma source(%dma_start3A_65 : memref<8192x128xf32, #tpu.memory_space<hbm>>) target(%dma_start3A_59 : memref<128x128xf32, #tpu.memory_space<vmem>>) offsets(%dma_start3A_62 : memref<128xi32, #tpu.memory_space<vmem>>) semaphore(%arg7 : memref<!tpu.dma_semaphore, #tpu.memory_space<semaphore_mem>>)
    %dma_wait3A_66 = arith.constant 1 : i32
    %dma_wait3A_67 = arith.constant 1 : i32
    %dma_wait3A_68 = arith.constant 0 : i32
    %dma_wait3A_69 = arith.constant 0 : i32
    %dma_wait3A_70 = tpu.memref_slice %arg6[%dma_wait3A_67, %dma_wait3A_68, %dma_wait3A_69] : memref<4x128x128xf32, #tpu.memory_space<vmem>> -> memref<1x128x128xf32, #tpu.memory_space<vmem>>
    %dma_wait3A_71 = tpu.memref_squeeze %dma_wait3A_70 : memref<1x128x128xf32, #tpu.memory_space<vmem>> -> memref<128x128xf32, #tpu.memory_space<vmem>>
    %dma_wait3A_72 = arith.constant 0 : i32
    %dma_wait3A_73 = tpu.memref_slice %arg5[%dma_wait3A_66, %dma_wait3A_72] : memref<16x128xi32, #tpu.memory_space<vmem>> -> memref<1x128xi32, #tpu.memory_space<vmem>>
    %dma_wait3A_74 = tpu.memref_squeeze %dma_wait3A_73 : memref<1x128xi32, #tpu.memory_space<vmem>> -> memref<128xi32, #tpu.memory_space<vmem>>
    %dma_wait3A_75 = arith.constant 0 : i32
    %dma_wait3A_76 = arith.constant 0 : i32
    %dma_wait3A_77 = tpu.memref_slice %arg2[%dma_wait3A_75, %dma_wait3A_76] : memref<8192x128xf32, #tpu.memory_space<hbm>> -> memref<8192x128xf32, #tpu.memory_space<hbm>>
    tpu.wait_indirect_dma semaphore(%arg8 : memref<!tpu.dma_semaphore, #tpu.memory_space<semaphore_mem>>) src(%dma_wait3A_77 : memref<8192x128xf32, #tpu.memory_space<hbm>>) dst(%dma_wait3A_71 : memref<128x128xf32, #tpu.memory_space<vmem>>)
    %add3A_78 = arith.constant 128 : i32
    %add3A_79 = arith.addi %mul3A_4, %add3A_78 : i32
    %dma_start3A_80 = arith.constant 1 : i32
    %dma_start3A_81 = arith.constant 0 : i32
    %dma_start3A_82 = arith.constant 0 : i32
    %dma_start3A_83 = tpu.memref_slice %arg6[%dma_start3A_80, %dma_start3A_81, %dma_start3A_82] : memref<4x128x128xf32, #tpu.memory_space<vmem>> -> memref<1x128x128xf32, #tpu.memory_space<vmem>>
    %dma_start3A_84 = tpu.memref_squeeze %dma_start3A_83 : memref<1x128x128xf32, #tpu.memory_space<vmem>> -> memref<128x128xf32, #tpu.memory_space<vmem>>
    %dma_start3A_85 = arith.constant 0 : i32
    %dma_start3A_86 = tpu.memref_slice %arg4[%add3A_79, %dma_start3A_85] : memref<65536x128xf32, #tpu.memory_space<hbm>> -> memref<128x128xf32, #tpu.memory_space<hbm>>
    %dma_start3A_87 = arith.constant 0 : i32
    %dma_start3A_88 = tpu.memref_slice %arg4[%add3A_79, %dma_start3A_87] : memref<65536x128xf32, #tpu.memory_space<hbm>> -> memref<128x128xf32, #tpu.memory_space<hbm>>
    %dma_start3A_89 = arith.constant 0 : i32
    %dma_start3A_90 = arith.constant 0 : i32
    %dma_start3A_91 = tpu.memref_slice %arg6[%dma_start3A_80, %dma_start3A_89, %dma_start3A_90] : memref<4x128x128xf32, #tpu.memory_space<vmem>> -> memref<1x128x128xf32, #tpu.memory_space<vmem>>
    %dma_start3A_92 = tpu.memref_squeeze %dma_start3A_91 : memref<1x128x128xf32, #tpu.memory_space<vmem>> -> memref<128x128xf32, #tpu.memory_space<vmem>>
    tpu.enqueue_dma source(%dma_start3A_92 : memref<128x128xf32, #tpu.memory_space<vmem>>) target(%dma_start3A_88 : memref<128x128xf32, #tpu.memory_space<hbm>>) target_semaphore(%arg10 : memref<!tpu.dma_semaphore, #tpu.memory_space<semaphore_mem>>)
    %dma_start3A_93 = arith.constant 3 : i32
    %dma_start3A_94 = arith.constant 3 : i32
    %dma_start3A_95 = arith.constant 0 : i32
    %dma_start3A_96 = arith.constant 0 : i32
    %dma_start3A_97 = tpu.memref_slice %arg6[%dma_start3A_94, %dma_start3A_95, %dma_start3A_96] : memref<4x128x128xf32, #tpu.memory_space<vmem>> -> memref<1x128x128xf32, #tpu.memory_space<vmem>>
    %dma_start3A_98 = tpu.memref_squeeze %dma_start3A_97 : memref<1x128x128xf32, #tpu.memory_space<vmem>> -> memref<128x128xf32, #tpu.memory_space<vmem>>
    %dma_start3A_99 = arith.constant 0 : i32
    %dma_start3A_100 = tpu.memref_slice %arg5[%dma_start3A_93, %dma_start3A_99] : memref<16x128xi32, #tpu.memory_space<vmem>> -> memref<1x128xi32, #tpu.memory_space<vmem>>
    %dma_start3A_101 = tpu.memref_squeeze %dma_start3A_100 : memref<1x128xi32, #tpu.memory_space<vmem>> -> memref<128xi32, #tpu.memory_space<vmem>>
    %dma_start3A_102 = arith.constant 0 : i32
    %dma_start3A_103 = arith.constant 0 : i32
    %dma_start3A_104 = tpu.memref_slice %arg2[%dma_start3A_102, %dma_start3A_103] : memref<8192x128xf32, #tpu.memory_space<hbm>> -> memref<8192x128xf32, #tpu.memory_space<hbm>>
    tpu.enqueue_indirect_dma source(%dma_start3A_104 : memref<8192x128xf32, #tpu.memory_space<hbm>>) target(%dma_start3A_98 : memref<128x128xf32, #tpu.memory_space<vmem>>) offsets(%dma_start3A_101 : memref<128xi32, #tpu.memory_space<vmem>>) semaphore(%arg8 : memref<!tpu.dma_semaphore, #tpu.memory_space<semaphore_mem>>)
    %dma_wait3A_105 = arith.constant 2 : i32
    %dma_wait3A_106 = arith.constant 2 : i32
    %dma_wait3A_107 = arith.constant 0 : i32
    %dma_wait3A_108 = arith.constant 0 : i32
    %dma_wait3A_109 = tpu.memref_slice %arg6[%dma_wait3A_106, %dma_wait3A_107, %dma_wait3A_108] : memref<4x128x128xf32, #tpu.memory_space<vmem>> -> memref<1x128x128xf32, #tpu.memory_space<vmem>>
    %dma_wait3A_110 = tpu.memref_squeeze %dma_wait3A_109 : memref<1x128x128xf32, #tpu.memory_space<vmem>> -> memref<128x128xf32, #tpu.memory_space<vmem>>
    %dma_wait3A_111 = arith.constant 0 : i32
    %dma_wait3A_112 = tpu.memref_slice %arg5[%dma_wait3A_105, %dma_wait3A_111] : memref<16x128xi32, #tpu.memory_space<vmem>> -> memref<1x128xi32, #tpu.memory_space<vmem>>
    %dma_wait3A_113 = tpu.memref_squeeze %dma_wait3A_112 : memref<1x128xi32, #tpu.memory_space<vmem>> -> memref<128xi32, #tpu.memory_space<vmem>>
    %dma_wait3A_114 = arith.constant 0 : i32
    %dma_wait3A_115 = arith.constant 0 : i32
    %dma_wait3A_116 = tpu.memref_slice %arg2[%dma_wait3A_114, %dma_wait3A_115] : memref<8192x128xf32, #tpu.memory_space<hbm>> -> memref<8192x128xf32, #tpu.memory_space<hbm>>
    tpu.wait_indirect_dma semaphore(%arg7 : memref<!tpu.dma_semaphore, #tpu.memory_space<semaphore_mem>>) src(%dma_wait3A_116 : memref<8192x128xf32, #tpu.memory_space<hbm>>) dst(%dma_wait3A_110 : memref<128x128xf32, #tpu.memory_space<vmem>>)
    %add3A_117 = arith.constant 256 : i32
    %add3A_118 = arith.addi %mul3A_4, %add3A_117 : i32
    %dma_start3A_119 = arith.constant 2 : i32
    %dma_start3A_120 = arith.constant 0 : i32
    %dma_start3A_121 = arith.constant 0 : i32
    %dma_start3A_122 = tpu.memref_slice %arg6[%dma_start3A_119, %dma_start3A_120, %dma_start3A_121] : memref<4x128x128xf32, #tpu.memory_space<vmem>> -> memref<1x128x128xf32, #tpu.memory_space<vmem>>
    %dma_start3A_123 = tpu.memref_squeeze %dma_start3A_122 : memref<1x128x128xf32, #tpu.memory_space<vmem>> -> memref<128x128xf32, #tpu.memory_space<vmem>>
    %dma_start3A_124 = arith.constant 0 : i32
    %dma_start3A_125 = tpu.memref_slice %arg4[%add3A_118, %dma_start3A_124] : memref<65536x128xf32, #tpu.memory_space<hbm>> -> memref<128x128xf32, #tpu.memory_space<hbm>>
    %dma_start3A_126 = arith.constant 0 : i32
    %dma_start3A_127 = tpu.memref_slice %arg4[%add3A_118, %dma_start3A_126] : memref<65536x128xf32, #tpu.memory_space<hbm>> -> memref<128x128xf32, #tpu.memory_space<hbm>>
    %dma_start3A_128 = arith.constant 0 : i32
    %dma_start3A_129 = arith.constant 0 : i32
    %dma_start3A_130 = tpu.memref_slice %arg6[%dma_start3A_119, %dma_start3A_128, %dma_start3A_129] : memref<4x128x128xf32, #tpu.memory_space<vmem>> -> memref<1x128x128xf32, #tpu.memory_space<vmem>>
    %dma_start3A_131 = tpu.memref_squeeze %dma_start3A_130 : memref<1x128x128xf32, #tpu.memory_space<vmem>> -> memref<128x128xf32, #tpu.memory_space<vmem>>
    tpu.enqueue_dma source(%dma_start3A_131 : memref<128x128xf32, #tpu.memory_space<vmem>>) target(%dma_start3A_127 : memref<128x128xf32, #tpu.memory_space<hbm>>) target_semaphore(%arg9 : memref<!tpu.dma_semaphore, #tpu.memory_space<semaphore_mem>>)
    %dma_wait3A_132 = arith.constant 0 : i32
    %dma_wait3A_133 = arith.constant 0 : i32
    %dma_wait3A_134 = arith.constant 0 : i32
    %dma_wait3A_135 = tpu.memref_slice %arg6[%dma_wait3A_132, %dma_wait3A_133, %dma_wait3A_134] : memref<4x128x128xf32, #tpu.memory_space<vmem>> -> memref<1x128x128xf32, #tpu.memory_space<vmem>>
    %dma_wait3A_136 = tpu.memref_squeeze %dma_wait3A_135 : memref<1x128x128xf32, #tpu.memory_space<vmem>> -> memref<128x128xf32, #tpu.memory_space<vmem>>
    %dma_wait3A_137 = arith.constant 0 : i32
    %dma_wait3A_138 = tpu.memref_slice %arg4[%add3A_40, %dma_wait3A_137] : memref<65536x128xf32, #tpu.memory_space<hbm>> -> memref<128x128xf32, #tpu.memory_space<hbm>>
    %dma_wait3A_139 = arith.constant 0 : i32
    %dma_wait3A_140 = tpu.memref_slice %arg4[%add3A_40, %dma_wait3A_139] : memref<65536x128xf32, #tpu.memory_space<hbm>> -> memref<128x128xf32, #tpu.memory_space<hbm>>
    %dma_wait3A_141 = arith.constant 0 : i32
    %dma_wait3A_142 = arith.constant 0 : i32
    %dma_wait3A_143 = tpu.memref_slice %arg6[%dma_wait3A_132, %dma_wait3A_141, %dma_wait3A_142] : memref<4x128x128xf32, #tpu.memory_space<vmem>> -> memref<1x128x128xf32, #tpu.memory_space<vmem>>
    %dma_wait3A_144 = tpu.memref_squeeze %dma_wait3A_143 : memref<1x128x128xf32, #tpu.memory_space<vmem>> -> memref<128x128xf32, #tpu.memory_space<vmem>>
    tpu.wait_dma2 semaphore(%arg9 : memref<!tpu.dma_semaphore, #tpu.memory_space<semaphore_mem>>) src(%dma_wait3A_144 : memref<128x128xf32, #tpu.memory_space<vmem>>) dst(%dma_wait3A_140 : memref<128x128xf32, #tpu.memory_space<hbm>>)
    %dma_start3A_145 = arith.constant 4 : i32
    %dma_start3A_146 = arith.constant 0 : i32
    %dma_start3A_147 = arith.constant 0 : i32
    %dma_start3A_148 = arith.constant 0 : i32
    %dma_start3A_149 = tpu.memref_slice %arg6[%dma_start3A_146, %dma_start3A_147, %dma_start3A_148] : memref<4x128x128xf32, #tpu.memory_space<vmem>> -> memref<1x128x128xf32, #tpu.memory_space<vmem>>
    %dma_start3A_150 = tpu.memref_squeeze %dma_start3A_149 : memref<1x128x128xf32, #tpu.memory_space<vmem>> -> memref<128x128xf32, #tpu.memory_space<vmem>>
    %dma_start3A_151 = arith.constant 0 : i32
    %dma_start3A_152 = tpu.memref_slice %arg5[%dma_start3A_145, %dma_start3A_151] : memref<16x128xi32, #tpu.memory_space<vmem>> -> memref<1x128xi32, #tpu.memory_space<vmem>>
    %dma_start3A_153 = tpu.memref_squeeze %dma_start3A_152 : memref<1x128xi32, #tpu.memory_space<vmem>> -> memref<128xi32, #tpu.memory_space<vmem>>
    %dma_start3A_154 = arith.constant 0 : i32
    %dma_start3A_155 = arith.constant 0 : i32
    %dma_start3A_156 = tpu.memref_slice %arg2[%dma_start3A_154, %dma_start3A_155] : memref<8192x128xf32, #tpu.memory_space<hbm>> -> memref<8192x128xf32, #tpu.memory_space<hbm>>
    tpu.enqueue_indirect_dma source(%dma_start3A_156 : memref<8192x128xf32, #tpu.memory_space<hbm>>) target(%dma_start3A_150 : memref<128x128xf32, #tpu.memory_space<vmem>>) offsets(%dma_start3A_153 : memref<128xi32, #tpu.memory_space<vmem>>) semaphore(%arg7 : memref<!tpu.dma_semaphore, #tpu.memory_space<semaphore_mem>>)
    %dma_wait3A_157 = arith.constant 3 : i32
    %dma_wait3A_158 = arith.constant 3 : i32
    %dma_wait3A_159 = arith.constant 0 : i32
    %dma_wait3A_160 = arith.constant 0 : i32
    %dma_wait3A_161 = tpu.memref_slice %arg6[%dma_wait3A_158, %dma_wait3A_159, %dma_wait3A_160] : memref<4x128x128xf32, #tpu.memory_space<vmem>> -> memref<1x128x128xf32, #tpu.memory_space<vmem>>
    %dma_wait3A_162 = tpu.memref_squeeze %dma_wait3A_161 : memref<1x128x128xf32, #tpu.memory_space<vmem>> -> memref<128x128xf32, #tpu.memory_space<vmem>>
    %dma_wait3A_163 = arith.constant 0 : i32
    %dma_wait3A_164 = tpu.memref_slice %arg5[%dma_wait3A_157, %dma_wait3A_163] : memref<16x128xi32, #tpu.memory_space<vmem>> -> memref<1x128xi32, #tpu.memory_space<vmem>>
    %dma_wait3A_165 = tpu.memref_squeeze %dma_wait3A_164 : memref<1x128xi32, #tpu.memory_space<vmem>> -> memref<128xi32, #tpu.memory_space<vmem>>
    %dma_wait3A_166 = arith.constant 0 : i32
    %dma_wait3A_167 = arith.constant 0 : i32
    %dma_wait3A_168 = tpu.memref_slice %arg2[%dma_wait3A_166, %dma_wait3A_167] : memref<8192x128xf32, #tpu.memory_space<hbm>> -> memref<8192x128xf32, #tpu.memory_space<hbm>>
    tpu.wait_indirect_dma semaphore(%arg8 : memref<!tpu.dma_semaphore, #tpu.memory_space<semaphore_mem>>) src(%dma_wait3A_168 : memref<8192x128xf32, #tpu.memory_space<hbm>>) dst(%dma_wait3A_162 : memref<128x128xf32, #tpu.memory_space<vmem>>)
    %add3A_169 = arith.constant 384 : i32
    %add3A_170 = arith.addi %mul3A_4, %add3A_169 : i32
    %dma_start3A_171 = arith.constant 3 : i32
    %dma_start3A_172 = arith.constant 0 : i32
    %dma_start3A_173 = arith.constant 0 : i32
    %dma_start3A_174 = tpu.memref_slice %arg6[%dma_start3A_171, %dma_start3A_172, %dma_start3A_173] : memref<4x128x128xf32, #tpu.memory_space<vmem>> -> memref<1x128x128xf32, #tpu.memory_space<vmem>>
    %dma_start3A_175 = tpu.memref_squeeze %dma_start3A_174 : memref<1x128x128xf32, #tpu.memory_space<vmem>> -> memref<128x128xf32, #tpu.memory_space<vmem>>
    %dma_start3A_176 = arith.constant 0 : i32
    %dma_start3A_177 = tpu.memref_slice %arg4[%add3A_170, %dma_start3A_176] : memref<65536x128xf32, #tpu.memory_space<hbm>> -> memref<128x128xf32, #tpu.memory_space<hbm>>
    %dma_start3A_178 = arith.constant 0 : i32
    %dma_start3A_179 = tpu.memref_slice %arg4[%add3A_170, %dma_start3A_178] : memref<65536x128xf32, #tpu.memory_space<hbm>> -> memref<128x128xf32, #tpu.memory_space<hbm>>
    %dma_start3A_180 = arith.constant 0 : i32
    %dma_start3A_181 = arith.constant 0 : i32
    %dma_start3A_182 = tpu.memref_slice %arg6[%dma_start3A_171, %dma_start3A_180, %dma_start3A_181] : memref<4x128x128xf32, #tpu.memory_space<vmem>> -> memref<1x128x128xf32, #tpu.memory_space<vmem>>
    %dma_start3A_183 = tpu.memref_squeeze %dma_start3A_182 : memref<1x128x128xf32, #tpu.memory_space<vmem>> -> memref<128x128xf32, #tpu.memory_space<vmem>>
    tpu.enqueue_dma source(%dma_start3A_183 : memref<128x128xf32, #tpu.memory_space<vmem>>) target(%dma_start3A_179 : memref<128x128xf32, #tpu.memory_space<hbm>>) target_semaphore(%arg10 : memref<!tpu.dma_semaphore, #tpu.memory_space<semaphore_mem>>)
    %dma_wait3A_184 = arith.constant 1 : i32
    %dma_wait3A_185 = arith.constant 0 : i32
    %dma_wait3A_186 = arith.constant 0 : i32
    %dma_wait3A_187 = tpu.memref_slice %arg6[%dma_wait3A_184, %dma_wait3A_185, %dma_wait3A_186] : memref<4x128x128xf32, #tpu.memory_space<vmem>> -> memref<1x128x128xf32, #tpu.memory_space<vmem>>
    %dma_wait3A_188 = tpu.memref_squeeze %dma_wait3A_187 : memref<1x128x128xf32, #tpu.memory_space<vmem>> -> memref<128x128xf32, #tpu.memory_space<vmem>>
    %dma_wait3A_189 = arith.constant 0 : i32
    %dma_wait3A_190 = tpu.memref_slice %arg4[%add3A_79, %dma_wait3A_189] : memref<65536x128xf32, #tpu.memory_space<hbm>> -> memref<128x128xf32, #tpu.memory_space<hbm>>
    %dma_wait3A_191 = arith.constant 0 : i32
    %dma_wait3A_192 = tpu.memref_slice %arg4[%add3A_79, %dma_wait3A_191] : memref<65536x128xf32, #tpu.memory_space<hbm>> -> memref<128x128xf32, #tpu.memory_space<hbm>>
    %dma_wait3A_193 = arith.constant 0 : i32
    %dma_wait3A_194 = arith.constant 0 : i32
    %dma_wait3A_195 = tpu.memref_slice %arg6[%dma_wait3A_184, %dma_wait3A_193, %dma_wait3A_194] : memref<4x128x128xf32, #tpu.memory_space<vmem>> -> memref<1x128x128xf32, #tpu.memory_space<vmem>>
    %dma_wait3A_196 = tpu.memref_squeeze %dma_wait3A_195 : memref<1x128x128xf32, #tpu.memory_space<vmem>> -> memref<128x128xf32, #tpu.memory_space<vmem>>
    tpu.wait_dma2 semaphore(%arg10 : memref<!tpu.dma_semaphore, #tpu.memory_space<semaphore_mem>>) src(%dma_wait3A_196 : memref<128x128xf32, #tpu.memory_space<vmem>>) dst(%dma_wait3A_192 : memref<128x128xf32, #tpu.memory_space<hbm>>)
    %dma_start3A_197 = arith.constant 5 : i32
    %dma_start3A_198 = arith.constant 1 : i32
    %dma_start3A_199 = arith.constant 0 : i32
    %dma_start3A_200 = arith.constant 0 : i32
    %dma_start3A_201 = tpu.memref_slice %arg6[%dma_start3A_198, %dma_start3A_199, %dma_start3A_200] : memref<4x128x128xf32, #tpu.memory_space<vmem>> -> memref<1x128x128xf32, #tpu.memory_space<vmem>>
    %dma_start3A_202 = tpu.memref_squeeze %dma_start3A_201 : memref<1x128x128xf32, #tpu.memory_space<vmem>> -> memref<128x128xf32, #tpu.memory_space<vmem>>
    %dma_start3A_203 = arith.constant 0 : i32
    %dma_start3A_204 = tpu.memref_slice %arg5[%dma_start3A_197, %dma_start3A_203] : memref<16x128xi32, #tpu.memory_space<vmem>> -> memref<1x128xi32, #tpu.memory_space<vmem>>
    %dma_start3A_205 = tpu.memref_squeeze %dma_start3A_204 : memref<1x128xi32, #tpu.memory_space<vmem>> -> memref<128xi32, #tpu.memory_space<vmem>>
    %dma_start3A_206 = arith.constant 0 : i32
    %dma_start3A_207 = arith.constant 0 : i32
    %dma_start3A_208 = tpu.memref_slice %arg2[%dma_start3A_206, %dma_start3A_207] : memref<8192x128xf32, #tpu.memory_space<hbm>> -> memref<8192x128xf32, #tpu.memory_space<hbm>>
    tpu.enqueue_indirect_dma source(%dma_start3A_208 : memref<8192x128xf32, #tpu.memory_space<hbm>>) target(%dma_start3A_202 : memref<128x128xf32, #tpu.memory_space<vmem>>) offsets(%dma_start3A_205 : memref<128xi32, #tpu.memory_space<vmem>>) semaphore(%arg8 : memref<!tpu.dma_semaphore, #tpu.memory_space<semaphore_mem>>)
    %dma_wait3A_209 = arith.constant 4 : i32
    %dma_wait3A_210 = arith.constant 0 : i32
    %dma_wait3A_211 = arith.constant 0 : i32
    %dma_wait3A_212 = arith.constant 0 : i32
    %dma_wait3A_213 = tpu.memref_slice %arg6[%dma_wait3A_210, %dma_wait3A_211, %dma_wait3A_212] : memref<4x128x128xf32, #tpu.memory_space<vmem>> -> memref<1x128x128xf32, #tpu.memory_space<vmem>>
    %dma_wait3A_214 = tpu.memref_squeeze %dma_wait3A_213 : memref<1x128x128xf32, #tpu.memory_space<vmem>> -> memref<128x128xf32, #tpu.memory_space<vmem>>
    %dma_wait3A_215 = arith.constant 0 : i32
    %dma_wait3A_216 = tpu.memref_slice %arg5[%dma_wait3A_209, %dma_wait3A_215] : memref<16x128xi32, #tpu.memory_space<vmem>> -> memref<1x128xi32, #tpu.memory_space<vmem>>
    %dma_wait3A_217 = tpu.memref_squeeze %dma_wait3A_216 : memref<1x128xi32, #tpu.memory_space<vmem>> -> memref<128xi32, #tpu.memory_space<vmem>>
    %dma_wait3A_218 = arith.constant 0 : i32
    %dma_wait3A_219 = arith.constant 0 : i32
    %dma_wait3A_220 = tpu.memref_slice %arg2[%dma_wait3A_218, %dma_wait3A_219] : memref<8192x128xf32, #tpu.memory_space<hbm>> -> memref<8192x128xf32, #tpu.memory_space<hbm>>
    tpu.wait_indirect_dma semaphore(%arg7 : memref<!tpu.dma_semaphore, #tpu.memory_space<semaphore_mem>>) src(%dma_wait3A_220 : memref<8192x128xf32, #tpu.memory_space<hbm>>) dst(%dma_wait3A_214 : memref<128x128xf32, #tpu.memory_space<vmem>>)
    %add3A_221 = arith.constant 512 : i32
    %add3A_222 = arith.addi %mul3A_4, %add3A_221 : i32
    %dma_start3A_223 = arith.constant 0 : i32
    %dma_start3A_224 = arith.constant 0 : i32
    %dma_start3A_225 = arith.constant 0 : i32
    %dma_start3A_226 = tpu.memref_slice %arg6[%dma_start3A_223, %dma_start3A_224, %dma_start3A_225] : memref<4x128x128xf32, #tpu.memory_space<vmem>> -> memref<1x128x128xf32, #tpu.memory_space<vmem>>
    %dma_start3A_227 = tpu.memref_squeeze %dma_start3A_226 : memref<1x128x128xf32, #tpu.memory_space<vmem>> -> memref<128x128xf32, #tpu.memory_space<vmem>>
    %dma_start3A_228 = arith.constant 0 : i32
    %dma_start3A_229 = tpu.memref_slice %arg4[%add3A_222, %dma_start3A_228] : memref<65536x128xf32, #tpu.memory_space<hbm>> -> memref<128x128xf32, #tpu.memory_space<hbm>>
    %dma_start3A_230 = arith.constant 0 : i32
    %dma_start3A_231 = tpu.memref_slice %arg4[%add3A_222, %dma_start3A_230] : memref<65536x128xf32, #tpu.memory_space<hbm>> -> memref<128x128xf32, #tpu.memory_space<hbm>>
    %dma_start3A_232 = arith.constant 0 : i32
    %dma_start3A_233 = arith.constant 0 : i32
    %dma_start3A_234 = tpu.memref_slice %arg6[%dma_start3A_223, %dma_start3A_232, %dma_start3A_233] : memref<4x128x128xf32, #tpu.memory_space<vmem>> -> memref<1x128x128xf32, #tpu.memory_space<vmem>>
    %dma_start3A_235 = tpu.memref_squeeze %dma_start3A_234 : memref<1x128x128xf32, #tpu.memory_space<vmem>> -> memref<128x128xf32, #tpu.memory_space<vmem>>
    tpu.enqueue_dma source(%dma_start3A_235 : memref<128x128xf32, #tpu.memory_space<vmem>>) target(%dma_start3A_231 : memref<128x128xf32, #tpu.memory_space<hbm>>) target_semaphore(%arg9 : memref<!tpu.dma_semaphore, #tpu.memory_space<semaphore_mem>>)
    %dma_wait3A_236 = arith.constant 2 : i32
    %dma_wait3A_237 = arith.constant 0 : i32
    %dma_wait3A_238 = arith.constant 0 : i32
    %dma_wait3A_239 = tpu.memref_slice %arg6[%dma_wait3A_236, %dma_wait3A_237, %dma_wait3A_238] : memref<4x128x128xf32, #tpu.memory_space<vmem>> -> memref<1x128x128xf32, #tpu.memory_space<vmem>>
    %dma_wait3A_240 = tpu.memref_squeeze %dma_wait3A_239 : memref<1x128x128xf32, #tpu.memory_space<vmem>> -> memref<128x128xf32, #tpu.memory_space<vmem>>
    %dma_wait3A_241 = arith.constant 0 : i32
    %dma_wait3A_242 = tpu.memref_slice %arg4[%add3A_118, %dma_wait3A_241] : memref<65536x128xf32, #tpu.memory_space<hbm>> -> memref<128x128xf32, #tpu.memory_space<hbm>>
    %dma_wait3A_243 = arith.constant 0 : i32
    %dma_wait3A_244 = tpu.memref_slice %arg4[%add3A_118, %dma_wait3A_243] : memref<65536x128xf32, #tpu.memory_space<hbm>> -> memref<128x128xf32, #tpu.memory_space<hbm>>
    %dma_wait3A_245 = arith.constant 0 : i32
    %dma_wait3A_246 = arith.constant 0 : i32
    %dma_wait3A_247 = tpu.memref_slice %arg6[%dma_wait3A_236, %dma_wait3A_245, %dma_wait3A_246] : memref<4x128x128xf32, #tpu.memory_space<vmem>> -> memref<1x128x128xf32, #tpu.memory_space<vmem>>
    %dma_wait3A_248 = tpu.memref_squeeze %dma_wait3A_247 : memref<1x128x128xf32, #tpu.memory_space<vmem>> -> memref<128x128xf32, #tpu.memory_space<vmem>>
    tpu.wait_dma2 semaphore(%arg9 : memref<!tpu.dma_semaphore, #tpu.memory_space<semaphore_mem>>) src(%dma_wait3A_248 : memref<128x128xf32, #tpu.memory_space<vmem>>) dst(%dma_wait3A_244 : memref<128x128xf32, #tpu.memory_space<hbm>>)
    %dma_start3A_249 = arith.constant 6 : i32
    %dma_start3A_250 = arith.constant 2 : i32
    %dma_start3A_251 = arith.constant 0 : i32
    %dma_start3A_252 = arith.constant 0 : i32
    %dma_start3A_253 = tpu.memref_slice %arg6[%dma_start3A_250, %dma_start3A_251, %dma_start3A_252] : memref<4x128x128xf32, #tpu.memory_space<vmem>> -> memref<1x128x128xf32, #tpu.memory_space<vmem>>
    %dma_start3A_254 = tpu.memref_squeeze %dma_start3A_253 : memref<1x128x128xf32, #tpu.memory_space<vmem>> -> memref<128x128xf32, #tpu.memory_space<vmem>>
    %dma_start3A_255 = arith.constant 0 : i32
    %dma_start3A_256 = tpu.memref_slice %arg5[%dma_start3A_249, %dma_start3A_255] : memref<16x128xi32, #tpu.memory_space<vmem>> -> memref<1x128xi32, #tpu.memory_space<vmem>>
    %dma_start3A_257 = tpu.memref_squeeze %dma_start3A_256 : memref<1x128xi32, #tpu.memory_space<vmem>> -> memref<128xi32, #tpu.memory_space<vmem>>
    %dma_start3A_258 = arith.constant 0 : i32
    %dma_start3A_259 = arith.constant 0 : i32
    %dma_start3A_260 = tpu.memref_slice %arg2[%dma_start3A_258, %dma_start3A_259] : memref<8192x128xf32, #tpu.memory_space<hbm>> -> memref<8192x128xf32, #tpu.memory_space<hbm>>
    tpu.enqueue_indirect_dma source(%dma_start3A_260 : memref<8192x128xf32, #tpu.memory_space<hbm>>) target(%dma_start3A_254 : memref<128x128xf32, #tpu.memory_space<vmem>>) offsets(%dma_start3A_257 : memref<128xi32, #tpu.memory_space<vmem>>) semaphore(%arg7 : memref<!tpu.dma_semaphore, #tpu.memory_space<semaphore_mem>>)
    %dma_wait3A_261 = arith.constant 5 : i32
    %dma_wait3A_262 = arith.constant 1 : i32
    %dma_wait3A_263 = arith.constant 0 : i32
    %dma_wait3A_264 = arith.constant 0 : i32
    %dma_wait3A_265 = tpu.memref_slice %arg6[%dma_wait3A_262, %dma_wait3A_263, %dma_wait3A_264] : memref<4x128x128xf32, #tpu.memory_space<vmem>> -> memref<1x128x128xf32, #tpu.memory_space<vmem>>
    %dma_wait3A_266 = tpu.memref_squeeze %dma_wait3A_265 : memref<1x128x128xf32, #tpu.memory_space<vmem>> -> memref<128x128xf32, #tpu.memory_space<vmem>>
    %dma_wait3A_267 = arith.constant 0 : i32
    %dma_wait3A_268 = tpu.memref_slice %arg5[%dma_wait3A_261, %dma_wait3A_267] : memref<16x128xi32, #tpu.memory_space<vmem>> -> memref<1x128xi32, #tpu.memory_space<vmem>>
    %dma_wait3A_269 = tpu.memref_squeeze %dma_wait3A_268 : memref<1x128xi32, #tpu.memory_space<vmem>> -> memref<128xi32, #tpu.memory_space<vmem>>
    %dma_wait3A_270 = arith.constant 0 : i32
    %dma_wait3A_271 = arith.constant 0 : i32
    %dma_wait3A_272 = tpu.memref_slice %arg2[%dma_wait3A_270, %dma_wait3A_271] : memref<8192x128xf32, #tpu.memory_space<hbm>> -> memref<8192x128xf32, #tpu.memory_space<hbm>>
    tpu.wait_indirect_dma semaphore(%arg8 : memref<!tpu.dma_semaphore, #tpu.memory_space<semaphore_mem>>) src(%dma_wait3A_272 : memref<8192x128xf32, #tpu.memory_space<hbm>>) dst(%dma_wait3A_266 : memref<128x128xf32, #tpu.memory_space<vmem>>)
    %add3A_273 = arith.constant 640 : i32
    %add3A_274 = arith.addi %mul3A_4, %add3A_273 : i32
    %dma_start3A_275 = arith.constant 1 : i32
    %dma_start3A_276 = arith.constant 0 : i32
    %dma_start3A_277 = arith.constant 0 : i32
    %dma_start3A_278 = tpu.memref_slice %arg6[%dma_start3A_275, %dma_start3A_276, %dma_start3A_277] : memref<4x128x128xf32, #tpu.memory_space<vmem>> -> memref<1x128x128xf32, #tpu.memory_space<vmem>>
    %dma_start3A_279 = tpu.memref_squeeze %dma_start3A_278 : memref<1x128x128xf32, #tpu.memory_space<vmem>> -> memref<128x128xf32, #tpu.memory_space<vmem>>
    %dma_start3A_280 = arith.constant 0 : i32
    %dma_start3A_281 = tpu.memref_slice %arg4[%add3A_274, %dma_start3A_280] : memref<65536x128xf32, #tpu.memory_space<hbm>> -> memref<128x128xf32, #tpu.memory_space<hbm>>
    %dma_start3A_282 = arith.constant 0 : i32
    %dma_start3A_283 = tpu.memref_slice %arg4[%add3A_274, %dma_start3A_282] : memref<65536x128xf32, #tpu.memory_space<hbm>> -> memref<128x128xf32, #tpu.memory_space<hbm>>
    %dma_start3A_284 = arith.constant 0 : i32
    %dma_start3A_285 = arith.constant 0 : i32
    %dma_start3A_286 = tpu.memref_slice %arg6[%dma_start3A_275, %dma_start3A_284, %dma_start3A_285] : memref<4x128x128xf32, #tpu.memory_space<vmem>> -> memref<1x128x128xf32, #tpu.memory_space<vmem>>
    %dma_start3A_287 = tpu.memref_squeeze %dma_start3A_286 : memref<1x128x128xf32, #tpu.memory_space<vmem>> -> memref<128x128xf32, #tpu.memory_space<vmem>>
    tpu.enqueue_dma source(%dma_start3A_287 : memref<128x128xf32, #tpu.memory_space<vmem>>) target(%dma_start3A_283 : memref<128x128xf32, #tpu.memory_space<hbm>>) target_semaphore(%arg10 : memref<!tpu.dma_semaphore, #tpu.memory_space<semaphore_mem>>)
    %dma_wait3A_288 = arith.constant 3 : i32
    %dma_wait3A_289 = arith.constant 0 : i32
    %dma_wait3A_290 = arith.constant 0 : i32
    %dma_wait3A_291 = tpu.memref_slice %arg6[%dma_wait3A_288, %dma_wait3A_289, %dma_wait3A_290] : memref<4x128x128xf32, #tpu.memory_space<vmem>> -> memref<1x128x128xf32, #tpu.memory_space<vmem>>
    %dma_wait3A_292 = tpu.memref_squeeze %dma_wait3A_291 : memref<1x128x128xf32, #tpu.memory_space<vmem>> -> memref<128x128xf32, #tpu.memory_space<vmem>>
    %dma_wait3A_293 = arith.constant 0 : i32
    %dma_wait3A_294 = tpu.memref_slice %arg4[%add3A_170, %dma_wait3A_293] : memref<65536x128xf32, #tpu.memory_space<hbm>> -> memref<128x128xf32, #tpu.memory_space<hbm>>
    %dma_wait3A_295 = arith.constant 0 : i32
    %dma_wait3A_296 = tpu.memref_slice %arg4[%add3A_170, %dma_wait3A_295] : memref<65536x128xf32, #tpu.memory_space<hbm>> -> memref<128x128xf32, #tpu.memory_space<hbm>>
    %dma_wait3A_297 = arith.constant 0 : i32
    %dma_wait3A_298 = arith.constant 0 : i32
    %dma_wait3A_299 = tpu.memref_slice %arg6[%dma_wait3A_288, %dma_wait3A_297, %dma_wait3A_298] : memref<4x128x128xf32, #tpu.memory_space<vmem>> -> memref<1x128x128xf32, #tpu.memory_space<vmem>>
    %dma_wait3A_300 = tpu.memref_squeeze %dma_wait3A_299 : memref<1x128x128xf32, #tpu.memory_space<vmem>> -> memref<128x128xf32, #tpu.memory_space<vmem>>
    tpu.wait_dma2 semaphore(%arg10 : memref<!tpu.dma_semaphore, #tpu.memory_space<semaphore_mem>>) src(%dma_wait3A_300 : memref<128x128xf32, #tpu.memory_space<vmem>>) dst(%dma_wait3A_296 : memref<128x128xf32, #tpu.memory_space<hbm>>)
    %dma_start3A_301 = arith.constant 7 : i32
    %dma_start3A_302 = arith.constant 3 : i32
    %dma_start3A_303 = arith.constant 0 : i32
    %dma_start3A_304 = arith.constant 0 : i32
    %dma_start3A_305 = tpu.memref_slice %arg6[%dma_start3A_302, %dma_start3A_303, %dma_start3A_304] : memref<4x128x128xf32, #tpu.memory_space<vmem>> -> memref<1x128x128xf32, #tpu.memory_space<vmem>>
    %dma_start3A_306 = tpu.memref_squeeze %dma_start3A_305 : memref<1x128x128xf32, #tpu.memory_space<vmem>> -> memref<128x128xf32, #tpu.memory_space<vmem>>
    %dma_start3A_307 = arith.constant 0 : i32
    %dma_start3A_308 = tpu.memref_slice %arg5[%dma_start3A_301, %dma_start3A_307] : memref<16x128xi32, #tpu.memory_space<vmem>> -> memref<1x128xi32, #tpu.memory_space<vmem>>
    %dma_start3A_309 = tpu.memref_squeeze %dma_start3A_308 : memref<1x128xi32, #tpu.memory_space<vmem>> -> memref<128xi32, #tpu.memory_space<vmem>>
    %dma_start3A_310 = arith.constant 0 : i32
    %dma_start3A_311 = arith.constant 0 : i32
    %dma_start3A_312 = tpu.memref_slice %arg2[%dma_start3A_310, %dma_start3A_311] : memref<8192x128xf32, #tpu.memory_space<hbm>> -> memref<8192x128xf32, #tpu.memory_space<hbm>>
    tpu.enqueue_indirect_dma source(%dma_start3A_312 : memref<8192x128xf32, #tpu.memory_space<hbm>>) target(%dma_start3A_306 : memref<128x128xf32, #tpu.memory_space<vmem>>) offsets(%dma_start3A_309 : memref<128xi32, #tpu.memory_space<vmem>>) semaphore(%arg8 : memref<!tpu.dma_semaphore, #tpu.memory_space<semaphore_mem>>)
    %dma_wait3A_313 = arith.constant 6 : i32
    %dma_wait3A_314 = arith.constant 2 : i32
    %dma_wait3A_315 = arith.constant 0 : i32
    %dma_wait3A_316 = arith.constant 0 : i32
    %dma_wait3A_317 = tpu.memref_slice %arg6[%dma_wait3A_314, %dma_wait3A_315, %dma_wait3A_316] : memref<4x128x128xf32, #tpu.memory_space<vmem>> -> memref<1x128x128xf32, #tpu.memory_space<vmem>>
    %dma_wait3A_318 = tpu.memref_squeeze %dma_wait3A_317 : memref<1x128x128xf32, #tpu.memory_space<vmem>> -> memref<128x128xf32, #tpu.memory_space<vmem>>
    %dma_wait3A_319 = arith.constant 0 : i32
    %dma_wait3A_320 = tpu.memref_slice %arg5[%dma_wait3A_313, %dma_wait3A_319] : memref<16x128xi32, #tpu.memory_space<vmem>> -> memref<1x128xi32, #tpu.memory_space<vmem>>
    %dma_wait3A_321 = tpu.memref_squeeze %dma_wait3A_320 : memref<1x128xi32, #tpu.memory_space<vmem>> -> memref<128xi32, #tpu.memory_space<vmem>>
    %dma_wait3A_322 = arith.constant 0 : i32
    %dma_wait3A_323 = arith.constant 0 : i32
    %dma_wait3A_324 = tpu.memref_slice %arg2[%dma_wait3A_322, %dma_wait3A_323] : memref<8192x128xf32, #tpu.memory_space<hbm>> -> memref<8192x128xf32, #tpu.memory_space<hbm>>
    tpu.wait_indirect_dma semaphore(%arg7 : memref<!tpu.dma_semaphore, #tpu.memory_space<semaphore_mem>>) src(%dma_wait3A_324 : memref<8192x128xf32, #tpu.memory_space<hbm>>) dst(%dma_wait3A_318 : memref<128x128xf32, #tpu.memory_space<vmem>>)
    %add3A_325 = arith.constant 768 : i32
    %add3A_326 = arith.addi %mul3A_4, %add3A_325 : i32
    %dma_start3A_327 = arith.constant 2 : i32
    %dma_start3A_328 = arith.constant 0 : i32
    %dma_start3A_329 = arith.constant 0 : i32
    %dma_start3A_330 = tpu.memref_slice %arg6[%dma_start3A_327, %dma_start3A_328, %dma_start3A_329] : memref<4x128x128xf32, #tpu.memory_space<vmem>> -> memref<1x128x128xf32, #tpu.memory_space<vmem>>
    %dma_start3A_331 = tpu.memref_squeeze %dma_start3A_330 : memref<1x128x128xf32, #tpu.memory_space<vmem>> -> memref<128x128xf32, #tpu.memory_space<vmem>>
    %dma_start3A_332 = arith.constant 0 : i32
    %dma_start3A_333 = tpu.memref_slice %arg4[%add3A_326, %dma_start3A_332] : memref<65536x128xf32, #tpu.memory_space<hbm>> -> memref<128x128xf32, #tpu.memory_space<hbm>>
    %dma_start3A_334 = arith.constant 0 : i32
    %dma_start3A_335 = tpu.memref_slice %arg4[%add3A_326, %dma_start3A_334] : memref<65536x128xf32, #tpu.memory_space<hbm>> -> memref<128x128xf32, #tpu.memory_space<hbm>>
    %dma_start3A_336 = arith.constant 0 : i32
    %dma_start3A_337 = arith.constant 0 : i32
    %dma_start3A_338 = tpu.memref_slice %arg6[%dma_start3A_327, %dma_start3A_336, %dma_start3A_337] : memref<4x128x128xf32, #tpu.memory_space<vmem>> -> memref<1x128x128xf32, #tpu.memory_space<vmem>>
    %dma_start3A_339 = tpu.memref_squeeze %dma_start3A_338 : memref<1x128x128xf32, #tpu.memory_space<vmem>> -> memref<128x128xf32, #tpu.memory_space<vmem>>
    tpu.enqueue_dma source(%dma_start3A_339 : memref<128x128xf32, #tpu.memory_space<vmem>>) target(%dma_start3A_335 : memref<128x128xf32, #tpu.memory_space<hbm>>) target_semaphore(%arg9 : memref<!tpu.dma_semaphore, #tpu.memory_space<semaphore_mem>>)
    %dma_wait3A_340 = arith.constant 0 : i32
    %dma_wait3A_341 = arith.constant 0 : i32
    %dma_wait3A_342 = arith.constant 0 : i32
    %dma_wait3A_343 = tpu.memref_slice %arg6[%dma_wait3A_340, %dma_wait3A_341, %dma_wait3A_342] : memref<4x128x128xf32, #tpu.memory_space<vmem>> -> memref<1x128x128xf32, #tpu.memory_space<vmem>>
    %dma_wait3A_344 = tpu.memref_squeeze %dma_wait3A_343 : memref<1x128x128xf32, #tpu.memory_space<vmem>> -> memref<128x128xf32, #tpu.memory_space<vmem>>
    %dma_wait3A_345 = arith.constant 0 : i32
    %dma_wait3A_346 = tpu.memref_slice %arg4[%add3A_222, %dma_wait3A_345] : memref<65536x128xf32, #tpu.memory_space<hbm>> -> memref<128x128xf32, #tpu.memory_space<hbm>>
    %dma_wait3A_347 = arith.constant 0 : i32
    %dma_wait3A_348 = tpu.memref_slice %arg4[%add3A_222, %dma_wait3A_347] : memref<65536x128xf32, #tpu.memory_space<hbm>> -> memref<128x128xf32, #tpu.memory_space<hbm>>
    %dma_wait3A_349 = arith.constant 0 : i32
    %dma_wait3A_350 = arith.constant 0 : i32
    %dma_wait3A_351 = tpu.memref_slice %arg6[%dma_wait3A_340, %dma_wait3A_349, %dma_wait3A_350] : memref<4x128x128xf32, #tpu.memory_space<vmem>> -> memref<1x128x128xf32, #tpu.memory_space<vmem>>
    %dma_wait3A_352 = tpu.memref_squeeze %dma_wait3A_351 : memref<1x128x128xf32, #tpu.memory_space<vmem>> -> memref<128x128xf32, #tpu.memory_space<vmem>>
    tpu.wait_dma2 semaphore(%arg9 : memref<!tpu.dma_semaphore, #tpu.memory_space<semaphore_mem>>) src(%dma_wait3A_352 : memref<128x128xf32, #tpu.memory_space<vmem>>) dst(%dma_wait3A_348 : memref<128x128xf32, #tpu.memory_space<hbm>>)
    %dma_start3A_353 = arith.constant 8 : i32
    %dma_start3A_354 = arith.constant 0 : i32
    %dma_start3A_355 = arith.constant 0 : i32
    %dma_start3A_356 = arith.constant 0 : i32
    %dma_start3A_357 = tpu.memref_slice %arg6[%dma_start3A_354, %dma_start3A_355, %dma_start3A_356] : memref<4x128x128xf32, #tpu.memory_space<vmem>> -> memref<1x128x128xf32, #tpu.memory_space<vmem>>
    %dma_start3A_358 = tpu.memref_squeeze %dma_start3A_357 : memref<1x128x128xf32, #tpu.memory_space<vmem>> -> memref<128x128xf32, #tpu.memory_space<vmem>>
    %dma_start3A_359 = arith.constant 0 : i32
    %dma_start3A_360 = tpu.memref_slice %arg5[%dma_start3A_353, %dma_start3A_359] : memref<16x128xi32, #tpu.memory_space<vmem>> -> memref<1x128xi32, #tpu.memory_space<vmem>>
    %dma_start3A_361 = tpu.memref_squeeze %dma_start3A_360 : memref<1x128xi32, #tpu.memory_space<vmem>> -> memref<128xi32, #tpu.memory_space<vmem>>
    %dma_start3A_362 = arith.constant 0 : i32
    %dma_start3A_363 = arith.constant 0 : i32
    %dma_start3A_364 = tpu.memref_slice %arg2[%dma_start3A_362, %dma_start3A_363] : memref<8192x128xf32, #tpu.memory_space<hbm>> -> memref<8192x128xf32, #tpu.memory_space<hbm>>
    tpu.enqueue_indirect_dma source(%dma_start3A_364 : memref<8192x128xf32, #tpu.memory_space<hbm>>) target(%dma_start3A_358 : memref<128x128xf32, #tpu.memory_space<vmem>>) offsets(%dma_start3A_361 : memref<128xi32, #tpu.memory_space<vmem>>) semaphore(%arg7 : memref<!tpu.dma_semaphore, #tpu.memory_space<semaphore_mem>>)
    %dma_wait3A_365 = arith.constant 7 : i32
    %dma_wait3A_366 = arith.constant 3 : i32
    %dma_wait3A_367 = arith.constant 0 : i32
    %dma_wait3A_368 = arith.constant 0 : i32
    %dma_wait3A_369 = tpu.memref_slice %arg6[%dma_wait3A_366, %dma_wait3A_367, %dma_wait3A_368] : memref<4x128x128xf32, #tpu.memory_space<vmem>> -> memref<1x128x128xf32, #tpu.memory_space<vmem>>
    %dma_wait3A_370 = tpu.memref_squeeze %dma_wait3A_369 : memref<1x128x128xf32, #tpu.memory_space<vmem>> -> memref<128x128xf32, #tpu.memory_space<vmem>>
    %dma_wait3A_371 = arith.constant 0 : i32
    %dma_wait3A_372 = tpu.memref_slice %arg5[%dma_wait3A_365, %dma_wait3A_371] : memref<16x128xi32, #tpu.memory_space<vmem>> -> memref<1x128xi32, #tpu.memory_space<vmem>>
    %dma_wait3A_373 = tpu.memref_squeeze %dma_wait3A_372 : memref<1x128xi32, #tpu.memory_space<vmem>> -> memref<128xi32, #tpu.memory_space<vmem>>
    %dma_wait3A_374 = arith.constant 0 : i32
    %dma_wait3A_375 = arith.constant 0 : i32
    %dma_wait3A_376 = tpu.memref_slice %arg2[%dma_wait3A_374, %dma_wait3A_375] : memref<8192x128xf32, #tpu.memory_space<hbm>> -> memref<8192x128xf32, #tpu.memory_space<hbm>>
    tpu.wait_indirect_dma semaphore(%arg8 : memref<!tpu.dma_semaphore, #tpu.memory_space<semaphore_mem>>) src(%dma_wait3A_376 : memref<8192x128xf32, #tpu.memory_space<hbm>>) dst(%dma_wait3A_370 : memref<128x128xf32, #tpu.memory_space<vmem>>)
    %add3A_377 = arith.constant 896 : i32
    %add3A_378 = arith.addi %mul3A_4, %add3A_377 : i32
    %dma_start3A_379 = arith.constant 3 : i32
    %dma_start3A_380 = arith.constant 0 : i32
    %dma_start3A_381 = arith.constant 0 : i32
    %dma_start3A_382 = tpu.memref_slice %arg6[%dma_start3A_379, %dma_start3A_380, %dma_start3A_381] : memref<4x128x128xf32, #tpu.memory_space<vmem>> -> memref<1x128x128xf32, #tpu.memory_space<vmem>>
    %dma_start3A_383 = tpu.memref_squeeze %dma_start3A_382 : memref<1x128x128xf32, #tpu.memory_space<vmem>> -> memref<128x128xf32, #tpu.memory_space<vmem>>
    %dma_start3A_384 = arith.constant 0 : i32
    %dma_start3A_385 = tpu.memref_slice %arg4[%add3A_378, %dma_start3A_384] : memref<65536x128xf32, #tpu.memory_space<hbm>> -> memref<128x128xf32, #tpu.memory_space<hbm>>
    %dma_start3A_386 = arith.constant 0 : i32
    %dma_start3A_387 = tpu.memref_slice %arg4[%add3A_378, %dma_start3A_386] : memref<65536x128xf32, #tpu.memory_space<hbm>> -> memref<128x128xf32, #tpu.memory_space<hbm>>
    %dma_start3A_388 = arith.constant 0 : i32
    %dma_start3A_389 = arith.constant 0 : i32
    %dma_start3A_390 = tpu.memref_slice %arg6[%dma_start3A_379, %dma_start3A_388, %dma_start3A_389] : memref<4x128x128xf32, #tpu.memory_space<vmem>> -> memref<1x128x128xf32, #tpu.memory_space<vmem>>
    %dma_start3A_391 = tpu.memref_squeeze %dma_start3A_390 : memref<1x128x128xf32, #tpu.memory_space<vmem>> -> memref<128x128xf32, #tpu.memory_space<vmem>>
    tpu.enqueue_dma source(%dma_start3A_391 : memref<128x128xf32, #tpu.memory_space<vmem>>) target(%dma_start3A_387 : memref<128x128xf32, #tpu.memory_space<hbm>>) target_semaphore(%arg10 : memref<!tpu.dma_semaphore, #tpu.memory_space<semaphore_mem>>)
    %dma_wait3A_392 = arith.constant 1 : i32
    %dma_wait3A_393 = arith.constant 0 : i32
    %dma_wait3A_394 = arith.constant 0 : i32
    %dma_wait3A_395 = tpu.memref_slice %arg6[%dma_wait3A_392, %dma_wait3A_393, %dma_wait3A_394] : memref<4x128x128xf32, #tpu.memory_space<vmem>> -> memref<1x128x128xf32, #tpu.memory_space<vmem>>
    %dma_wait3A_396 = tpu.memref_squeeze %dma_wait3A_395 : memref<1x128x128xf32, #tpu.memory_space<vmem>> -> memref<128x128xf32, #tpu.memory_space<vmem>>
    %dma_wait3A_397 = arith.constant 0 : i32
    %dma_wait3A_398 = tpu.memref_slice %arg4[%add3A_274, %dma_wait3A_397] : memref<65536x128xf32, #tpu.memory_space<hbm>> -> memref<128x128xf32, #tpu.memory_space<hbm>>
    %dma_wait3A_399 = arith.constant 0 : i32
    %dma_wait3A_400 = tpu.memref_slice %arg4[%add3A_274, %dma_wait3A_399] : memref<65536x128xf32, #tpu.memory_space<hbm>> -> memref<128x128xf32, #tpu.memory_space<hbm>>
    %dma_wait3A_401 = arith.constant 0 : i32
    %dma_wait3A_402 = arith.constant 0 : i32
    %dma_wait3A_403 = tpu.memref_slice %arg6[%dma_wait3A_392, %dma_wait3A_401, %dma_wait3A_402] : memref<4x128x128xf32, #tpu.memory_space<vmem>> -> memref<1x128x128xf32, #tpu.memory_space<vmem>>
    %dma_wait3A_404 = tpu.memref_squeeze %dma_wait3A_403 : memref<1x128x128xf32, #tpu.memory_space<vmem>> -> memref<128x128xf32, #tpu.memory_space<vmem>>
    tpu.wait_dma2 semaphore(%arg10 : memref<!tpu.dma_semaphore, #tpu.memory_space<semaphore_mem>>) src(%dma_wait3A_404 : memref<128x128xf32, #tpu.memory_space<vmem>>) dst(%dma_wait3A_400 : memref<128x128xf32, #tpu.memory_space<hbm>>)
    %dma_start3A_405 = arith.constant 9 : i32
    %dma_start3A_406 = arith.constant 1 : i32
    %dma_start3A_407 = arith.constant 0 : i32
    %dma_start3A_408 = arith.constant 0 : i32
    %dma_start3A_409 = tpu.memref_slice %arg6[%dma_start3A_406, %dma_start3A_407, %dma_start3A_408] : memref<4x128x128xf32, #tpu.memory_space<vmem>> -> memref<1x128x128xf32, #tpu.memory_space<vmem>>
    %dma_start3A_410 = tpu.memref_squeeze %dma_start3A_409 : memref<1x128x128xf32, #tpu.memory_space<vmem>> -> memref<128x128xf32, #tpu.memory_space<vmem>>
    %dma_start3A_411 = arith.constant 0 : i32
    %dma_start3A_412 = tpu.memref_slice %arg5[%dma_start3A_405, %dma_start3A_411] : memref<16x128xi32, #tpu.memory_space<vmem>> -> memref<1x128xi32, #tpu.memory_space<vmem>>
    %dma_start3A_413 = tpu.memref_squeeze %dma_start3A_412 : memref<1x128xi32, #tpu.memory_space<vmem>> -> memref<128xi32, #tpu.memory_space<vmem>>
    %dma_start3A_414 = arith.constant 0 : i32
    %dma_start3A_415 = arith.constant 0 : i32
    %dma_start3A_416 = tpu.memref_slice %arg2[%dma_start3A_414, %dma_start3A_415] : memref<8192x128xf32, #tpu.memory_space<hbm>> -> memref<8192x128xf32, #tpu.memory_space<hbm>>
    tpu.enqueue_indirect_dma source(%dma_start3A_416 : memref<8192x128xf32, #tpu.memory_space<hbm>>) target(%dma_start3A_410 : memref<128x128xf32, #tpu.memory_space<vmem>>) offsets(%dma_start3A_413 : memref<128xi32, #tpu.memory_space<vmem>>) semaphore(%arg8 : memref<!tpu.dma_semaphore, #tpu.memory_space<semaphore_mem>>)
    %dma_wait3A_417 = arith.constant 8 : i32
    %dma_wait3A_418 = arith.constant 0 : i32
    %dma_wait3A_419 = arith.constant 0 : i32
    %dma_wait3A_420 = arith.constant 0 : i32
    %dma_wait3A_421 = tpu.memref_slice %arg6[%dma_wait3A_418, %dma_wait3A_419, %dma_wait3A_420] : memref<4x128x128xf32, #tpu.memory_space<vmem>> -> memref<1x128x128xf32, #tpu.memory_space<vmem>>
    %dma_wait3A_422 = tpu.memref_squeeze %dma_wait3A_421 : memref<1x128x128xf32, #tpu.memory_space<vmem>> -> memref<128x128xf32, #tpu.memory_space<vmem>>
    %dma_wait3A_423 = arith.constant 0 : i32
    %dma_wait3A_424 = tpu.memref_slice %arg5[%dma_wait3A_417, %dma_wait3A_423] : memref<16x128xi32, #tpu.memory_space<vmem>> -> memref<1x128xi32, #tpu.memory_space<vmem>>
    %dma_wait3A_425 = tpu.memref_squeeze %dma_wait3A_424 : memref<1x128xi32, #tpu.memory_space<vmem>> -> memref<128xi32, #tpu.memory_space<vmem>>
    %dma_wait3A_426 = arith.constant 0 : i32
    %dma_wait3A_427 = arith.constant 0 : i32
    %dma_wait3A_428 = tpu.memref_slice %arg2[%dma_wait3A_426, %dma_wait3A_427] : memref<8192x128xf32, #tpu.memory_space<hbm>> -> memref<8192x128xf32, #tpu.memory_space<hbm>>
    tpu.wait_indirect_dma semaphore(%arg7 : memref<!tpu.dma_semaphore, #tpu.memory_space<semaphore_mem>>) src(%dma_wait3A_428 : memref<8192x128xf32, #tpu.memory_space<hbm>>) dst(%dma_wait3A_422 : memref<128x128xf32, #tpu.memory_space<vmem>>)
    %add3A_429 = arith.constant 1024 : i32
    %add3A_430 = arith.addi %mul3A_4, %add3A_429 : i32
    %dma_start3A_431 = arith.constant 0 : i32
    %dma_start3A_432 = arith.constant 0 : i32
    %dma_start3A_433 = arith.constant 0 : i32
    %dma_start3A_434 = tpu.memref_slice %arg6[%dma_start3A_431, %dma_start3A_432, %dma_start3A_433] : memref<4x128x128xf32, #tpu.memory_space<vmem>> -> memref<1x128x128xf32, #tpu.memory_space<vmem>>
    %dma_start3A_435 = tpu.memref_squeeze %dma_start3A_434 : memref<1x128x128xf32, #tpu.memory_space<vmem>> -> memref<128x128xf32, #tpu.memory_space<vmem>>
    %dma_start3A_436 = arith.constant 0 : i32
    %dma_start3A_437 = tpu.memref_slice %arg4[%add3A_430, %dma_start3A_436] : memref<65536x128xf32, #tpu.memory_space<hbm>> -> memref<128x128xf32, #tpu.memory_space<hbm>>
    %dma_start3A_438 = arith.constant 0 : i32
    %dma_start3A_439 = tpu.memref_slice %arg4[%add3A_430, %dma_start3A_438] : memref<65536x128xf32, #tpu.memory_space<hbm>> -> memref<128x128xf32, #tpu.memory_space<hbm>>
    %dma_start3A_440 = arith.constant 0 : i32
    %dma_start3A_441 = arith.constant 0 : i32
    %dma_start3A_442 = tpu.memref_slice %arg6[%dma_start3A_431, %dma_start3A_440, %dma_start3A_441] : memref<4x128x128xf32, #tpu.memory_space<vmem>> -> memref<1x128x128xf32, #tpu.memory_space<vmem>>
    %dma_start3A_443 = tpu.memref_squeeze %dma_start3A_442 : memref<1x128x128xf32, #tpu.memory_space<vmem>> -> memref<128x128xf32, #tpu.memory_space<vmem>>
    tpu.enqueue_dma source(%dma_start3A_443 : memref<128x128xf32, #tpu.memory_space<vmem>>) target(%dma_start3A_439 : memref<128x128xf32, #tpu.memory_space<hbm>>) target_semaphore(%arg9 : memref<!tpu.dma_semaphore, #tpu.memory_space<semaphore_mem>>)
    %dma_wait3A_444 = arith.constant 2 : i32
    %dma_wait3A_445 = arith.constant 0 : i32
    %dma_wait3A_446 = arith.constant 0 : i32
    %dma_wait3A_447 = tpu.memref_slice %arg6[%dma_wait3A_444, %dma_wait3A_445, %dma_wait3A_446] : memref<4x128x128xf32, #tpu.memory_space<vmem>> -> memref<1x128x128xf32, #tpu.memory_space<vmem>>
    %dma_wait3A_448 = tpu.memref_squeeze %dma_wait3A_447 : memref<1x128x128xf32, #tpu.memory_space<vmem>> -> memref<128x128xf32, #tpu.memory_space<vmem>>
    %dma_wait3A_449 = arith.constant 0 : i32
    %dma_wait3A_450 = tpu.memref_slice %arg4[%add3A_326, %dma_wait3A_449] : memref<65536x128xf32, #tpu.memory_space<hbm>> -> memref<128x128xf32, #tpu.memory_space<hbm>>
    %dma_wait3A_451 = arith.constant 0 : i32
    %dma_wait3A_452 = tpu.memref_slice %arg4[%add3A_326, %dma_wait3A_451] : memref<65536x128xf32, #tpu.memory_space<hbm>> -> memref<128x128xf32, #tpu.memory_space<hbm>>
    %dma_wait3A_453 = arith.constant 0 : i32
    %dma_wait3A_454 = arith.constant 0 : i32
    %dma_wait3A_455 = tpu.memref_slice %arg6[%dma_wait3A_444, %dma_wait3A_453, %dma_wait3A_454] : memref<4x128x128xf32, #tpu.memory_space<vmem>> -> memref<1x128x128xf32, #tpu.memory_space<vmem>>
    %dma_wait3A_456 = tpu.memref_squeeze %dma_wait3A_455 : memref<1x128x128xf32, #tpu.memory_space<vmem>> -> memref<128x128xf32, #tpu.memory_space<vmem>>
    tpu.wait_dma2 semaphore(%arg9 : memref<!tpu.dma_semaphore, #tpu.memory_space<semaphore_mem>>) src(%dma_wait3A_456 : memref<128x128xf32, #tpu.memory_space<vmem>>) dst(%dma_wait3A_452 : memref<128x128xf32, #tpu.memory_space<hbm>>)
    %dma_start3A_457 = arith.constant 10 : i32
    %dma_start3A_458 = arith.constant 2 : i32
    %dma_start3A_459 = arith.constant 0 : i32
    %dma_start3A_460 = arith.constant 0 : i32
    %dma_start3A_461 = tpu.memref_slice %arg6[%dma_start3A_458, %dma_start3A_459, %dma_start3A_460] : memref<4x128x128xf32, #tpu.memory_space<vmem>> -> memref<1x128x128xf32, #tpu.memory_space<vmem>>
    %dma_start3A_462 = tpu.memref_squeeze %dma_start3A_461 : memref<1x128x128xf32, #tpu.memory_space<vmem>> -> memref<128x128xf32, #tpu.memory_space<vmem>>
    %dma_start3A_463 = arith.constant 0 : i32
    %dma_start3A_464 = tpu.memref_slice %arg5[%dma_start3A_457, %dma_start3A_463] : memref<16x128xi32, #tpu.memory_space<vmem>> -> memref<1x128xi32, #tpu.memory_space<vmem>>
    %dma_start3A_465 = tpu.memref_squeeze %dma_start3A_464 : memref<1x128xi32, #tpu.memory_space<vmem>> -> memref<128xi32, #tpu.memory_space<vmem>>
    %dma_start3A_466 = arith.constant 0 : i32
    %dma_start3A_467 = arith.constant 0 : i32
    %dma_start3A_468 = tpu.memref_slice %arg2[%dma_start3A_466, %dma_start3A_467] : memref<8192x128xf32, #tpu.memory_space<hbm>> -> memref<8192x128xf32, #tpu.memory_space<hbm>>
    tpu.enqueue_indirect_dma source(%dma_start3A_468 : memref<8192x128xf32, #tpu.memory_space<hbm>>) target(%dma_start3A_462 : memref<128x128xf32, #tpu.memory_space<vmem>>) offsets(%dma_start3A_465 : memref<128xi32, #tpu.memory_space<vmem>>) semaphore(%arg7 : memref<!tpu.dma_semaphore, #tpu.memory_space<semaphore_mem>>)
    %dma_wait3A_469 = arith.constant 9 : i32
    %dma_wait3A_470 = arith.constant 1 : i32
    %dma_wait3A_471 = arith.constant 0 : i32
    %dma_wait3A_472 = arith.constant 0 : i32
    %dma_wait3A_473 = tpu.memref_slice %arg6[%dma_wait3A_470, %dma_wait3A_471, %dma_wait3A_472] : memref<4x128x128xf32, #tpu.memory_space<vmem>> -> memref<1x128x128xf32, #tpu.memory_space<vmem>>
    %dma_wait3A_474 = tpu.memref_squeeze %dma_wait3A_473 : memref<1x128x128xf32, #tpu.memory_space<vmem>> -> memref<128x128xf32, #tpu.memory_space<vmem>>
    %dma_wait3A_475 = arith.constant 0 : i32
    %dma_wait3A_476 = tpu.memref_slice %arg5[%dma_wait3A_469, %dma_wait3A_475] : memref<16x128xi32, #tpu.memory_space<vmem>> -> memref<1x128xi32, #tpu.memory_space<vmem>>
    %dma_wait3A_477 = tpu.memref_squeeze %dma_wait3A_476 : memref<1x128xi32, #tpu.memory_space<vmem>> -> memref<128xi32, #tpu.memory_space<vmem>>
    %dma_wait3A_478 = arith.constant 0 : i32
    %dma_wait3A_479 = arith.constant 0 : i32
    %dma_wait3A_480 = tpu.memref_slice %arg2[%dma_wait3A_478, %dma_wait3A_479] : memref<8192x128xf32, #tpu.memory_space<hbm>> -> memref<8192x128xf32, #tpu.memory_space<hbm>>
    tpu.wait_indirect_dma semaphore(%arg8 : memref<!tpu.dma_semaphore, #tpu.memory_space<semaphore_mem>>) src(%dma_wait3A_480 : memref<8192x128xf32, #tpu.memory_space<hbm>>) dst(%dma_wait3A_474 : memref<128x128xf32, #tpu.memory_space<vmem>>)
    %add3A_481 = arith.constant 1152 : i32
    %add3A_482 = arith.addi %mul3A_4, %add3A_481 : i32
    %dma_start3A_483 = arith.constant 1 : i32
    %dma_start3A_484 = arith.constant 0 : i32
    %dma_start3A_485 = arith.constant 0 : i32
    %dma_start3A_486 = tpu.memref_slice %arg6[%dma_start3A_483, %dma_start3A_484, %dma_start3A_485] : memref<4x128x128xf32, #tpu.memory_space<vmem>> -> memref<1x128x128xf32, #tpu.memory_space<vmem>>
    %dma_start3A_487 = tpu.memref_squeeze %dma_start3A_486 : memref<1x128x128xf32, #tpu.memory_space<vmem>> -> memref<128x128xf32, #tpu.memory_space<vmem>>
    %dma_start3A_488 = arith.constant 0 : i32
    %dma_start3A_489 = tpu.memref_slice %arg4[%add3A_482, %dma_start3A_488] : memref<65536x128xf32, #tpu.memory_space<hbm>> -> memref<128x128xf32, #tpu.memory_space<hbm>>
    %dma_start3A_490 = arith.constant 0 : i32
    %dma_start3A_491 = tpu.memref_slice %arg4[%add3A_482, %dma_start3A_490] : memref<65536x128xf32, #tpu.memory_space<hbm>> -> memref<128x128xf32, #tpu.memory_space<hbm>>
    %dma_start3A_492 = arith.constant 0 : i32
    %dma_start3A_493 = arith.constant 0 : i32
    %dma_start3A_494 = tpu.memref_slice %arg6[%dma_start3A_483, %dma_start3A_492, %dma_start3A_493] : memref<4x128x128xf32, #tpu.memory_space<vmem>> -> memref<1x128x128xf32, #tpu.memory_space<vmem>>
    %dma_start3A_495 = tpu.memref_squeeze %dma_start3A_494 : memref<1x128x128xf32, #tpu.memory_space<vmem>> -> memref<128x128xf32, #tpu.memory_space<vmem>>
    tpu.enqueue_dma source(%dma_start3A_495 : memref<128x128xf32, #tpu.memory_space<vmem>>) target(%dma_start3A_491 : memref<128x128xf32, #tpu.memory_space<hbm>>) target_semaphore(%arg10 : memref<!tpu.dma_semaphore, #tpu.memory_space<semaphore_mem>>)
    %dma_wait3A_496 = arith.constant 3 : i32
    %dma_wait3A_497 = arith.constant 0 : i32
    %dma_wait3A_498 = arith.constant 0 : i32
    %dma_wait3A_499 = tpu.memref_slice %arg6[%dma_wait3A_496, %dma_wait3A_497, %dma_wait3A_498] : memref<4x128x128xf32, #tpu.memory_space<vmem>> -> memref<1x128x128xf32, #tpu.memory_space<vmem>>
    %dma_wait3A_500 = tpu.memref_squeeze %dma_wait3A_499 : memref<1x128x128xf32, #tpu.memory_space<vmem>> -> memref<128x128xf32, #tpu.memory_space<vmem>>
    %dma_wait3A_501 = arith.constant 0 : i32
    %dma_wait3A_502 = tpu.memref_slice %arg4[%add3A_378, %dma_wait3A_501] : memref<65536x128xf32, #tpu.memory_space<hbm>> -> memref<128x128xf32, #tpu.memory_space<hbm>>
    %dma_wait3A_503 = arith.constant 0 : i32
    %dma_wait3A_504 = tpu.memref_slice %arg4[%add3A_378, %dma_wait3A_503] : memref<65536x128xf32, #tpu.memory_space<hbm>> -> memref<128x128xf32, #tpu.memory_space<hbm>>
    %dma_wait3A_505 = arith.constant 0 : i32
    %dma_wait3A_506 = arith.constant 0 : i32
    %dma_wait3A_507 = tpu.memref_slice %arg6[%dma_wait3A_496, %dma_wait3A_505, %dma_wait3A_506] : memref<4x128x128xf32, #tpu.memory_space<vmem>> -> memref<1x128x128xf32, #tpu.memory_space<vmem>>
    %dma_wait3A_508 = tpu.memref_squeeze %dma_wait3A_507 : memref<1x128x128xf32, #tpu.memory_space<vmem>> -> memref<128x128xf32, #tpu.memory_space<vmem>>
    tpu.wait_dma2 semaphore(%arg10 : memref<!tpu.dma_semaphore, #tpu.memory_space<semaphore_mem>>) src(%dma_wait3A_508 : memref<128x128xf32, #tpu.memory_space<vmem>>) dst(%dma_wait3A_504 : memref<128x128xf32, #tpu.memory_space<hbm>>)
    %dma_start3A_509 = arith.constant 11 : i32
    %dma_start3A_510 = arith.constant 3 : i32
    %dma_start3A_511 = arith.constant 0 : i32
    %dma_start3A_512 = arith.constant 0 : i32
    %dma_start3A_513 = tpu.memref_slice %arg6[%dma_start3A_510, %dma_start3A_511, %dma_start3A_512] : memref<4x128x128xf32, #tpu.memory_space<vmem>> -> memref<1x128x128xf32, #tpu.memory_space<vmem>>
    %dma_start3A_514 = tpu.memref_squeeze %dma_start3A_513 : memref<1x128x128xf32, #tpu.memory_space<vmem>> -> memref<128x128xf32, #tpu.memory_space<vmem>>
    %dma_start3A_515 = arith.constant 0 : i32
    %dma_start3A_516 = tpu.memref_slice %arg5[%dma_start3A_509, %dma_start3A_515] : memref<16x128xi32, #tpu.memory_space<vmem>> -> memref<1x128xi32, #tpu.memory_space<vmem>>
    %dma_start3A_517 = tpu.memref_squeeze %dma_start3A_516 : memref<1x128xi32, #tpu.memory_space<vmem>> -> memref<128xi32, #tpu.memory_space<vmem>>
    %dma_start3A_518 = arith.constant 0 : i32
    %dma_start3A_519 = arith.constant 0 : i32
    %dma_start3A_520 = tpu.memref_slice %arg2[%dma_start3A_518, %dma_start3A_519] : memref<8192x128xf32, #tpu.memory_space<hbm>> -> memref<8192x128xf32, #tpu.memory_space<hbm>>
    tpu.enqueue_indirect_dma source(%dma_start3A_520 : memref<8192x128xf32, #tpu.memory_space<hbm>>) target(%dma_start3A_514 : memref<128x128xf32, #tpu.memory_space<vmem>>) offsets(%dma_start3A_517 : memref<128xi32, #tpu.memory_space<vmem>>) semaphore(%arg8 : memref<!tpu.dma_semaphore, #tpu.memory_space<semaphore_mem>>)
    %dma_wait3A_521 = arith.constant 10 : i32
    %dma_wait3A_522 = arith.constant 2 : i32
    %dma_wait3A_523 = arith.constant 0 : i32
    %dma_wait3A_524 = arith.constant 0 : i32
    %dma_wait3A_525 = tpu.memref_slice %arg6[%dma_wait3A_522, %dma_wait3A_523, %dma_wait3A_524] : memref<4x128x128xf32, #tpu.memory_space<vmem>> -> memref<1x128x128xf32, #tpu.memory_space<vmem>>
    %dma_wait3A_526 = tpu.memref_squeeze %dma_wait3A_525 : memref<1x128x128xf32, #tpu.memory_space<vmem>> -> memref<128x128xf32, #tpu.memory_space<vmem>>
    %dma_wait3A_527 = arith.constant 0 : i32
    %dma_wait3A_528 = tpu.memref_slice %arg5[%dma_wait3A_521, %dma_wait3A_527] : memref<16x128xi32, #tpu.memory_space<vmem>> -> memref<1x128xi32, #tpu.memory_space<vmem>>
    %dma_wait3A_529 = tpu.memref_squeeze %dma_wait3A_528 : memref<1x128xi32, #tpu.memory_space<vmem>> -> memref<128xi32, #tpu.memory_space<vmem>>
    %dma_wait3A_530 = arith.constant 0 : i32
    %dma_wait3A_531 = arith.constant 0 : i32
    %dma_wait3A_532 = tpu.memref_slice %arg2[%dma_wait3A_530, %dma_wait3A_531] : memref<8192x128xf32, #tpu.memory_space<hbm>> -> memref<8192x128xf32, #tpu.memory_space<hbm>>
    tpu.wait_indirect_dma semaphore(%arg7 : memref<!tpu.dma_semaphore, #tpu.memory_space<semaphore_mem>>) src(%dma_wait3A_532 : memref<8192x128xf32, #tpu.memory_space<hbm>>) dst(%dma_wait3A_526 : memref<128x128xf32, #tpu.memory_space<vmem>>)
    %add3A_533 = arith.constant 1280 : i32
    %add3A_534 = arith.addi %mul3A_4, %add3A_533 : i32
    %dma_start3A_535 = arith.constant 2 : i32
    %dma_start3A_536 = arith.constant 0 : i32
    %dma_start3A_537 = arith.constant 0 : i32
    %dma_start3A_538 = tpu.memref_slice %arg6[%dma_start3A_535, %dma_start3A_536, %dma_start3A_537] : memref<4x128x128xf32, #tpu.memory_space<vmem>> -> memref<1x128x128xf32, #tpu.memory_space<vmem>>
    %dma_start3A_539 = tpu.memref_squeeze %dma_start3A_538 : memref<1x128x128xf32, #tpu.memory_space<vmem>> -> memref<128x128xf32, #tpu.memory_space<vmem>>
    %dma_start3A_540 = arith.constant 0 : i32
    %dma_start3A_541 = tpu.memref_slice %arg4[%add3A_534, %dma_start3A_540] : memref<65536x128xf32, #tpu.memory_space<hbm>> -> memref<128x128xf32, #tpu.memory_space<hbm>>
    %dma_start3A_542 = arith.constant 0 : i32
    %dma_start3A_543 = tpu.memref_slice %arg4[%add3A_534, %dma_start3A_542] : memref<65536x128xf32, #tpu.memory_space<hbm>> -> memref<128x128xf32, #tpu.memory_space<hbm>>
    %dma_start3A_544 = arith.constant 0 : i32
    %dma_start3A_545 = arith.constant 0 : i32
    %dma_start3A_546 = tpu.memref_slice %arg6[%dma_start3A_535, %dma_start3A_544, %dma_start3A_545] : memref<4x128x128xf32, #tpu.memory_space<vmem>> -> memref<1x128x128xf32, #tpu.memory_space<vmem>>
    %dma_start3A_547 = tpu.memref_squeeze %dma_start3A_546 : memref<1x128x128xf32, #tpu.memory_space<vmem>> -> memref<128x128xf32, #tpu.memory_space<vmem>>
    tpu.enqueue_dma source(%dma_start3A_547 : memref<128x128xf32, #tpu.memory_space<vmem>>) target(%dma_start3A_543 : memref<128x128xf32, #tpu.memory_space<hbm>>) target_semaphore(%arg9 : memref<!tpu.dma_semaphore, #tpu.memory_space<semaphore_mem>>)
    %dma_wait3A_548 = arith.constant 0 : i32
    %dma_wait3A_549 = arith.constant 0 : i32
    %dma_wait3A_550 = arith.constant 0 : i32
    %dma_wait3A_551 = tpu.memref_slice %arg6[%dma_wait3A_548, %dma_wait3A_549, %dma_wait3A_550] : memref<4x128x128xf32, #tpu.memory_space<vmem>> -> memref<1x128x128xf32, #tpu.memory_space<vmem>>
    %dma_wait3A_552 = tpu.memref_squeeze %dma_wait3A_551 : memref<1x128x128xf32, #tpu.memory_space<vmem>> -> memref<128x128xf32, #tpu.memory_space<vmem>>
    %dma_wait3A_553 = arith.constant 0 : i32
    %dma_wait3A_554 = tpu.memref_slice %arg4[%add3A_430, %dma_wait3A_553] : memref<65536x128xf32, #tpu.memory_space<hbm>> -> memref<128x128xf32, #tpu.memory_space<hbm>>
    %dma_wait3A_555 = arith.constant 0 : i32
    %dma_wait3A_556 = tpu.memref_slice %arg4[%add3A_430, %dma_wait3A_555] : memref<65536x128xf32, #tpu.memory_space<hbm>> -> memref<128x128xf32, #tpu.memory_space<hbm>>
    %dma_wait3A_557 = arith.constant 0 : i32
    %dma_wait3A_558 = arith.constant 0 : i32
    %dma_wait3A_559 = tpu.memref_slice %arg6[%dma_wait3A_548, %dma_wait3A_557, %dma_wait3A_558] : memref<4x128x128xf32, #tpu.memory_space<vmem>> -> memref<1x128x128xf32, #tpu.memory_space<vmem>>
    %dma_wait3A_560 = tpu.memref_squeeze %dma_wait3A_559 : memref<1x128x128xf32, #tpu.memory_space<vmem>> -> memref<128x128xf32, #tpu.memory_space<vmem>>
    tpu.wait_dma2 semaphore(%arg9 : memref<!tpu.dma_semaphore, #tpu.memory_space<semaphore_mem>>) src(%dma_wait3A_560 : memref<128x128xf32, #tpu.memory_space<vmem>>) dst(%dma_wait3A_556 : memref<128x128xf32, #tpu.memory_space<hbm>>)
    %dma_start3A_561 = arith.constant 12 : i32
    %dma_start3A_562 = arith.constant 0 : i32
    %dma_start3A_563 = arith.constant 0 : i32
    %dma_start3A_564 = arith.constant 0 : i32
    %dma_start3A_565 = tpu.memref_slice %arg6[%dma_start3A_562, %dma_start3A_563, %dma_start3A_564] : memref<4x128x128xf32, #tpu.memory_space<vmem>> -> memref<1x128x128xf32, #tpu.memory_space<vmem>>
    %dma_start3A_566 = tpu.memref_squeeze %dma_start3A_565 : memref<1x128x128xf32, #tpu.memory_space<vmem>> -> memref<128x128xf32, #tpu.memory_space<vmem>>
    %dma_start3A_567 = arith.constant 0 : i32
    %dma_start3A_568 = tpu.memref_slice %arg5[%dma_start3A_561, %dma_start3A_567] : memref<16x128xi32, #tpu.memory_space<vmem>> -> memref<1x128xi32, #tpu.memory_space<vmem>>
    %dma_start3A_569 = tpu.memref_squeeze %dma_start3A_568 : memref<1x128xi32, #tpu.memory_space<vmem>> -> memref<128xi32, #tpu.memory_space<vmem>>
    %dma_start3A_570 = arith.constant 0 : i32
    %dma_start3A_571 = arith.constant 0 : i32
    %dma_start3A_572 = tpu.memref_slice %arg2[%dma_start3A_570, %dma_start3A_571] : memref<8192x128xf32, #tpu.memory_space<hbm>> -> memref<8192x128xf32, #tpu.memory_space<hbm>>
    tpu.enqueue_indirect_dma source(%dma_start3A_572 : memref<8192x128xf32, #tpu.memory_space<hbm>>) target(%dma_start3A_566 : memref<128x128xf32, #tpu.memory_space<vmem>>) offsets(%dma_start3A_569 : memref<128xi32, #tpu.memory_space<vmem>>) semaphore(%arg7 : memref<!tpu.dma_semaphore, #tpu.memory_space<semaphore_mem>>)
    %dma_wait3A_573 = arith.constant 11 : i32
    %dma_wait3A_574 = arith.constant 3 : i32
    %dma_wait3A_575 = arith.constant 0 : i32
    %dma_wait3A_576 = arith.constant 0 : i32
    %dma_wait3A_577 = tpu.memref_slice %arg6[%dma_wait3A_574, %dma_wait3A_575, %dma_wait3A_576] : memref<4x128x128xf32, #tpu.memory_space<vmem>> -> memref<1x128x128xf32, #tpu.memory_space<vmem>>
    %dma_wait3A_578 = tpu.memref_squeeze %dma_wait3A_577 : memref<1x128x128xf32, #tpu.memory_space<vmem>> -> memref<128x128xf32, #tpu.memory_space<vmem>>
    %dma_wait3A_579 = arith.constant 0 : i32
    %dma_wait3A_580 = tpu.memref_slice %arg5[%dma_wait3A_573, %dma_wait3A_579] : memref<16x128xi32, #tpu.memory_space<vmem>> -> memref<1x128xi32, #tpu.memory_space<vmem>>
    %dma_wait3A_581 = tpu.memref_squeeze %dma_wait3A_580 : memref<1x128xi32, #tpu.memory_space<vmem>> -> memref<128xi32, #tpu.memory_space<vmem>>
    %dma_wait3A_582 = arith.constant 0 : i32
    %dma_wait3A_583 = arith.constant 0 : i32
    %dma_wait3A_584 = tpu.memref_slice %arg2[%dma_wait3A_582, %dma_wait3A_583] : memref<8192x128xf32, #tpu.memory_space<hbm>> -> memref<8192x128xf32, #tpu.memory_space<hbm>>
    tpu.wait_indirect_dma semaphore(%arg8 : memref<!tpu.dma_semaphore, #tpu.memory_space<semaphore_mem>>) src(%dma_wait3A_584 : memref<8192x128xf32, #tpu.memory_space<hbm>>) dst(%dma_wait3A_578 : memref<128x128xf32, #tpu.memory_space<vmem>>)
    %add3A_585 = arith.constant 1408 : i32
    %add3A_586 = arith.addi %mul3A_4, %add3A_585 : i32
    %dma_start3A_587 = arith.constant 3 : i32
    %dma_start3A_588 = arith.constant 0 : i32
    %dma_start3A_589 = arith.constant 0 : i32
    %dma_start3A_590 = tpu.memref_slice %arg6[%dma_start3A_587, %dma_start3A_588, %dma_start3A_589] : memref<4x128x128xf32, #tpu.memory_space<vmem>> -> memref<1x128x128xf32, #tpu.memory_space<vmem>>
    %dma_start3A_591 = tpu.memref_squeeze %dma_start3A_590 : memref<1x128x128xf32, #tpu.memory_space<vmem>> -> memref<128x128xf32, #tpu.memory_space<vmem>>
    %dma_start3A_592 = arith.constant 0 : i32
    %dma_start3A_593 = tpu.memref_slice %arg4[%add3A_586, %dma_start3A_592] : memref<65536x128xf32, #tpu.memory_space<hbm>> -> memref<128x128xf32, #tpu.memory_space<hbm>>
    %dma_start3A_594 = arith.constant 0 : i32
    %dma_start3A_595 = tpu.memref_slice %arg4[%add3A_586, %dma_start3A_594] : memref<65536x128xf32, #tpu.memory_space<hbm>> -> memref<128x128xf32, #tpu.memory_space<hbm>>
    %dma_start3A_596 = arith.constant 0 : i32
    %dma_start3A_597 = arith.constant 0 : i32
    %dma_start3A_598 = tpu.memref_slice %arg6[%dma_start3A_587, %dma_start3A_596, %dma_start3A_597] : memref<4x128x128xf32, #tpu.memory_space<vmem>> -> memref<1x128x128xf32, #tpu.memory_space<vmem>>
    %dma_start3A_599 = tpu.memref_squeeze %dma_start3A_598 : memref<1x128x128xf32, #tpu.memory_space<vmem>> -> memref<128x128xf32, #tpu.memory_space<vmem>>
    tpu.enqueue_dma source(%dma_start3A_599 : memref<128x128xf32, #tpu.memory_space<vmem>>) target(%dma_start3A_595 : memref<128x128xf32, #tpu.memory_space<hbm>>) target_semaphore(%arg10 : memref<!tpu.dma_semaphore, #tpu.memory_space<semaphore_mem>>)
    %dma_wait3A_600 = arith.constant 1 : i32
    %dma_wait3A_601 = arith.constant 0 : i32
    %dma_wait3A_602 = arith.constant 0 : i32
    %dma_wait3A_603 = tpu.memref_slice %arg6[%dma_wait3A_600, %dma_wait3A_601, %dma_wait3A_602] : memref<4x128x128xf32, #tpu.memory_space<vmem>> -> memref<1x128x128xf32, #tpu.memory_space<vmem>>
    %dma_wait3A_604 = tpu.memref_squeeze %dma_wait3A_603 : memref<1x128x128xf32, #tpu.memory_space<vmem>> -> memref<128x128xf32, #tpu.memory_space<vmem>>
    %dma_wait3A_605 = arith.constant 0 : i32
    %dma_wait3A_606 = tpu.memref_slice %arg4[%add3A_482, %dma_wait3A_605] : memref<65536x128xf32, #tpu.memory_space<hbm>> -> memref<128x128xf32, #tpu.memory_space<hbm>>
    %dma_wait3A_607 = arith.constant 0 : i32
    %dma_wait3A_608 = tpu.memref_slice %arg4[%add3A_482, %dma_wait3A_607] : memref<65536x128xf32, #tpu.memory_space<hbm>> -> memref<128x128xf32, #tpu.memory_space<hbm>>
    %dma_wait3A_609 = arith.constant 0 : i32
    %dma_wait3A_610 = arith.constant 0 : i32
    %dma_wait3A_611 = tpu.memref_slice %arg6[%dma_wait3A_600, %dma_wait3A_609, %dma_wait3A_610] : memref<4x128x128xf32, #tpu.memory_space<vmem>> -> memref<1x128x128xf32, #tpu.memory_space<vmem>>
    %dma_wait3A_612 = tpu.memref_squeeze %dma_wait3A_611 : memref<1x128x128xf32, #tpu.memory_space<vmem>> -> memref<128x128xf32, #tpu.memory_space<vmem>>
    tpu.wait_dma2 semaphore(%arg10 : memref<!tpu.dma_semaphore, #tpu.memory_space<semaphore_mem>>) src(%dma_wait3A_612 : memref<128x128xf32, #tpu.memory_space<vmem>>) dst(%dma_wait3A_608 : memref<128x128xf32, #tpu.memory_space<hbm>>)
    %dma_start3A_613 = arith.constant 13 : i32
    %dma_start3A_614 = arith.constant 1 : i32
    %dma_start3A_615 = arith.constant 0 : i32
    %dma_start3A_616 = arith.constant 0 : i32
    %dma_start3A_617 = tpu.memref_slice %arg6[%dma_start3A_614, %dma_start3A_615, %dma_start3A_616] : memref<4x128x128xf32, #tpu.memory_space<vmem>> -> memref<1x128x128xf32, #tpu.memory_space<vmem>>
    %dma_start3A_618 = tpu.memref_squeeze %dma_start3A_617 : memref<1x128x128xf32, #tpu.memory_space<vmem>> -> memref<128x128xf32, #tpu.memory_space<vmem>>
    %dma_start3A_619 = arith.constant 0 : i32
    %dma_start3A_620 = tpu.memref_slice %arg5[%dma_start3A_613, %dma_start3A_619] : memref<16x128xi32, #tpu.memory_space<vmem>> -> memref<1x128xi32, #tpu.memory_space<vmem>>
    %dma_start3A_621 = tpu.memref_squeeze %dma_start3A_620 : memref<1x128xi32, #tpu.memory_space<vmem>> -> memref<128xi32, #tpu.memory_space<vmem>>
    %dma_start3A_622 = arith.constant 0 : i32
    %dma_start3A_623 = arith.constant 0 : i32
    %dma_start3A_624 = tpu.memref_slice %arg2[%dma_start3A_622, %dma_start3A_623] : memref<8192x128xf32, #tpu.memory_space<hbm>> -> memref<8192x128xf32, #tpu.memory_space<hbm>>
    tpu.enqueue_indirect_dma source(%dma_start3A_624 : memref<8192x128xf32, #tpu.memory_space<hbm>>) target(%dma_start3A_618 : memref<128x128xf32, #tpu.memory_space<vmem>>) offsets(%dma_start3A_621 : memref<128xi32, #tpu.memory_space<vmem>>) semaphore(%arg8 : memref<!tpu.dma_semaphore, #tpu.memory_space<semaphore_mem>>)
    %dma_wait3A_625 = arith.constant 12 : i32
    %dma_wait3A_626 = arith.constant 0 : i32
    %dma_wait3A_627 = arith.constant 0 : i32
    %dma_wait3A_628 = arith.constant 0 : i32
    %dma_wait3A_629 = tpu.memref_slice %arg6[%dma_wait3A_626, %dma_wait3A_627, %dma_wait3A_628] : memref<4x128x128xf32, #tpu.memory_space<vmem>> -> memref<1x128x128xf32, #tpu.memory_space<vmem>>
    %dma_wait3A_630 = tpu.memref_squeeze %dma_wait3A_629 : memref<1x128x128xf32, #tpu.memory_space<vmem>> -> memref<128x128xf32, #tpu.memory_space<vmem>>
    %dma_wait3A_631 = arith.constant 0 : i32
    %dma_wait3A_632 = tpu.memref_slice %arg5[%dma_wait3A_625, %dma_wait3A_631] : memref<16x128xi32, #tpu.memory_space<vmem>> -> memref<1x128xi32, #tpu.memory_space<vmem>>
    %dma_wait3A_633 = tpu.memref_squeeze %dma_wait3A_632 : memref<1x128xi32, #tpu.memory_space<vmem>> -> memref<128xi32, #tpu.memory_space<vmem>>
    %dma_wait3A_634 = arith.constant 0 : i32
    %dma_wait3A_635 = arith.constant 0 : i32
    %dma_wait3A_636 = tpu.memref_slice %arg2[%dma_wait3A_634, %dma_wait3A_635] : memref<8192x128xf32, #tpu.memory_space<hbm>> -> memref<8192x128xf32, #tpu.memory_space<hbm>>
    tpu.wait_indirect_dma semaphore(%arg7 : memref<!tpu.dma_semaphore, #tpu.memory_space<semaphore_mem>>) src(%dma_wait3A_636 : memref<8192x128xf32, #tpu.memory_space<hbm>>) dst(%dma_wait3A_630 : memref<128x128xf32, #tpu.memory_space<vmem>>)
    %add3A_637 = arith.constant 1536 : i32
    %add3A_638 = arith.addi %mul3A_4, %add3A_637 : i32
    %dma_start3A_639 = arith.constant 0 : i32
    %dma_start3A_640 = arith.constant 0 : i32
    %dma_start3A_641 = arith.constant 0 : i32
    %dma_start3A_642 = tpu.memref_slice %arg6[%dma_start3A_639, %dma_start3A_640, %dma_start3A_641] : memref<4x128x128xf32, #tpu.memory_space<vmem>> -> memref<1x128x128xf32, #tpu.memory_space<vmem>>
    %dma_start3A_643 = tpu.memref_squeeze %dma_start3A_642 : memref<1x128x128xf32, #tpu.memory_space<vmem>> -> memref<128x128xf32, #tpu.memory_space<vmem>>
    %dma_start3A_644 = arith.constant 0 : i32
    %dma_start3A_645 = tpu.memref_slice %arg4[%add3A_638, %dma_start3A_644] : memref<65536x128xf32, #tpu.memory_space<hbm>> -> memref<128x128xf32, #tpu.memory_space<hbm>>
    %dma_start3A_646 = arith.constant 0 : i32
    %dma_start3A_647 = tpu.memref_slice %arg4[%add3A_638, %dma_start3A_646] : memref<65536x128xf32, #tpu.memory_space<hbm>> -> memref<128x128xf32, #tpu.memory_space<hbm>>
    %dma_start3A_648 = arith.constant 0 : i32
    %dma_start3A_649 = arith.constant 0 : i32
    %dma_start3A_650 = tpu.memref_slice %arg6[%dma_start3A_639, %dma_start3A_648, %dma_start3A_649] : memref<4x128x128xf32, #tpu.memory_space<vmem>> -> memref<1x128x128xf32, #tpu.memory_space<vmem>>
    %dma_start3A_651 = tpu.memref_squeeze %dma_start3A_650 : memref<1x128x128xf32, #tpu.memory_space<vmem>> -> memref<128x128xf32, #tpu.memory_space<vmem>>
    tpu.enqueue_dma source(%dma_start3A_651 : memref<128x128xf32, #tpu.memory_space<vmem>>) target(%dma_start3A_647 : memref<128x128xf32, #tpu.memory_space<hbm>>) target_semaphore(%arg9 : memref<!tpu.dma_semaphore, #tpu.memory_space<semaphore_mem>>)
    %dma_wait3A_652 = arith.constant 2 : i32
    %dma_wait3A_653 = arith.constant 0 : i32
    %dma_wait3A_654 = arith.constant 0 : i32
    %dma_wait3A_655 = tpu.memref_slice %arg6[%dma_wait3A_652, %dma_wait3A_653, %dma_wait3A_654] : memref<4x128x128xf32, #tpu.memory_space<vmem>> -> memref<1x128x128xf32, #tpu.memory_space<vmem>>
    %dma_wait3A_656 = tpu.memref_squeeze %dma_wait3A_655 : memref<1x128x128xf32, #tpu.memory_space<vmem>> -> memref<128x128xf32, #tpu.memory_space<vmem>>
    %dma_wait3A_657 = arith.constant 0 : i32
    %dma_wait3A_658 = tpu.memref_slice %arg4[%add3A_534, %dma_wait3A_657] : memref<65536x128xf32, #tpu.memory_space<hbm>> -> memref<128x128xf32, #tpu.memory_space<hbm>>
    %dma_wait3A_659 = arith.constant 0 : i32
    %dma_wait3A_660 = tpu.memref_slice %arg4[%add3A_534, %dma_wait3A_659] : memref<65536x128xf32, #tpu.memory_space<hbm>> -> memref<128x128xf32, #tpu.memory_space<hbm>>
    %dma_wait3A_661 = arith.constant 0 : i32
    %dma_wait3A_662 = arith.constant 0 : i32
    %dma_wait3A_663 = tpu.memref_slice %arg6[%dma_wait3A_652, %dma_wait3A_661, %dma_wait3A_662] : memref<4x128x128xf32, #tpu.memory_space<vmem>> -> memref<1x128x128xf32, #tpu.memory_space<vmem>>
    %dma_wait3A_664 = tpu.memref_squeeze %dma_wait3A_663 : memref<1x128x128xf32, #tpu.memory_space<vmem>> -> memref<128x128xf32, #tpu.memory_space<vmem>>
    tpu.wait_dma2 semaphore(%arg9 : memref<!tpu.dma_semaphore, #tpu.memory_space<semaphore_mem>>) src(%dma_wait3A_664 : memref<128x128xf32, #tpu.memory_space<vmem>>) dst(%dma_wait3A_660 : memref<128x128xf32, #tpu.memory_space<hbm>>)
    %dma_start3A_665 = arith.constant 14 : i32
    %dma_start3A_666 = arith.constant 2 : i32
    %dma_start3A_667 = arith.constant 0 : i32
    %dma_start3A_668 = arith.constant 0 : i32
    %dma_start3A_669 = tpu.memref_slice %arg6[%dma_start3A_666, %dma_start3A_667, %dma_start3A_668] : memref<4x128x128xf32, #tpu.memory_space<vmem>> -> memref<1x128x128xf32, #tpu.memory_space<vmem>>
    %dma_start3A_670 = tpu.memref_squeeze %dma_start3A_669 : memref<1x128x128xf32, #tpu.memory_space<vmem>> -> memref<128x128xf32, #tpu.memory_space<vmem>>
    %dma_start3A_671 = arith.constant 0 : i32
    %dma_start3A_672 = tpu.memref_slice %arg5[%dma_start3A_665, %dma_start3A_671] : memref<16x128xi32, #tpu.memory_space<vmem>> -> memref<1x128xi32, #tpu.memory_space<vmem>>
    %dma_start3A_673 = tpu.memref_squeeze %dma_start3A_672 : memref<1x128xi32, #tpu.memory_space<vmem>> -> memref<128xi32, #tpu.memory_space<vmem>>
    %dma_start3A_674 = arith.constant 0 : i32
    %dma_start3A_675 = arith.constant 0 : i32
    %dma_start3A_676 = tpu.memref_slice %arg2[%dma_start3A_674, %dma_start3A_675] : memref<8192x128xf32, #tpu.memory_space<hbm>> -> memref<8192x128xf32, #tpu.memory_space<hbm>>
    tpu.enqueue_indirect_dma source(%dma_start3A_676 : memref<8192x128xf32, #tpu.memory_space<hbm>>) target(%dma_start3A_670 : memref<128x128xf32, #tpu.memory_space<vmem>>) offsets(%dma_start3A_673 : memref<128xi32, #tpu.memory_space<vmem>>) semaphore(%arg7 : memref<!tpu.dma_semaphore, #tpu.memory_space<semaphore_mem>>)
    %dma_wait3A_677 = arith.constant 13 : i32
    %dma_wait3A_678 = arith.constant 1 : i32
    %dma_wait3A_679 = arith.constant 0 : i32
    %dma_wait3A_680 = arith.constant 0 : i32
    %dma_wait3A_681 = tpu.memref_slice %arg6[%dma_wait3A_678, %dma_wait3A_679, %dma_wait3A_680] : memref<4x128x128xf32, #tpu.memory_space<vmem>> -> memref<1x128x128xf32, #tpu.memory_space<vmem>>
    %dma_wait3A_682 = tpu.memref_squeeze %dma_wait3A_681 : memref<1x128x128xf32, #tpu.memory_space<vmem>> -> memref<128x128xf32, #tpu.memory_space<vmem>>
    %dma_wait3A_683 = arith.constant 0 : i32
    %dma_wait3A_684 = tpu.memref_slice %arg5[%dma_wait3A_677, %dma_wait3A_683] : memref<16x128xi32, #tpu.memory_space<vmem>> -> memref<1x128xi32, #tpu.memory_space<vmem>>
    %dma_wait3A_685 = tpu.memref_squeeze %dma_wait3A_684 : memref<1x128xi32, #tpu.memory_space<vmem>> -> memref<128xi32, #tpu.memory_space<vmem>>
    %dma_wait3A_686 = arith.constant 0 : i32
    %dma_wait3A_687 = arith.constant 0 : i32
    %dma_wait3A_688 = tpu.memref_slice %arg2[%dma_wait3A_686, %dma_wait3A_687] : memref<8192x128xf32, #tpu.memory_space<hbm>> -> memref<8192x128xf32, #tpu.memory_space<hbm>>
    tpu.wait_indirect_dma semaphore(%arg8 : memref<!tpu.dma_semaphore, #tpu.memory_space<semaphore_mem>>) src(%dma_wait3A_688 : memref<8192x128xf32, #tpu.memory_space<hbm>>) dst(%dma_wait3A_682 : memref<128x128xf32, #tpu.memory_space<vmem>>)
    %add3A_689 = arith.constant 1664 : i32
    %add3A_690 = arith.addi %mul3A_4, %add3A_689 : i32
    %dma_start3A_691 = arith.constant 1 : i32
    %dma_start3A_692 = arith.constant 0 : i32
    %dma_start3A_693 = arith.constant 0 : i32
    %dma_start3A_694 = tpu.memref_slice %arg6[%dma_start3A_691, %dma_start3A_692, %dma_start3A_693] : memref<4x128x128xf32, #tpu.memory_space<vmem>> -> memref<1x128x128xf32, #tpu.memory_space<vmem>>
    %dma_start3A_695 = tpu.memref_squeeze %dma_start3A_694 : memref<1x128x128xf32, #tpu.memory_space<vmem>> -> memref<128x128xf32, #tpu.memory_space<vmem>>
    %dma_start3A_696 = arith.constant 0 : i32
    %dma_start3A_697 = tpu.memref_slice %arg4[%add3A_690, %dma_start3A_696] : memref<65536x128xf32, #tpu.memory_space<hbm>> -> memref<128x128xf32, #tpu.memory_space<hbm>>
    %dma_start3A_698 = arith.constant 0 : i32
    %dma_start3A_699 = tpu.memref_slice %arg4[%add3A_690, %dma_start3A_698] : memref<65536x128xf32, #tpu.memory_space<hbm>> -> memref<128x128xf32, #tpu.memory_space<hbm>>
    %dma_start3A_700 = arith.constant 0 : i32
    %dma_start3A_701 = arith.constant 0 : i32
    %dma_start3A_702 = tpu.memref_slice %arg6[%dma_start3A_691, %dma_start3A_700, %dma_start3A_701] : memref<4x128x128xf32, #tpu.memory_space<vmem>> -> memref<1x128x128xf32, #tpu.memory_space<vmem>>
    %dma_start3A_703 = tpu.memref_squeeze %dma_start3A_702 : memref<1x128x128xf32, #tpu.memory_space<vmem>> -> memref<128x128xf32, #tpu.memory_space<vmem>>
    tpu.enqueue_dma source(%dma_start3A_703 : memref<128x128xf32, #tpu.memory_space<vmem>>) target(%dma_start3A_699 : memref<128x128xf32, #tpu.memory_space<hbm>>) target_semaphore(%arg10 : memref<!tpu.dma_semaphore, #tpu.memory_space<semaphore_mem>>)
    %dma_wait3A_704 = arith.constant 3 : i32
    %dma_wait3A_705 = arith.constant 0 : i32
    %dma_wait3A_706 = arith.constant 0 : i32
    %dma_wait3A_707 = tpu.memref_slice %arg6[%dma_wait3A_704, %dma_wait3A_705, %dma_wait3A_706] : memref<4x128x128xf32, #tpu.memory_space<vmem>> -> memref<1x128x128xf32, #tpu.memory_space<vmem>>
    %dma_wait3A_708 = tpu.memref_squeeze %dma_wait3A_707 : memref<1x128x128xf32, #tpu.memory_space<vmem>> -> memref<128x128xf32, #tpu.memory_space<vmem>>
    %dma_wait3A_709 = arith.constant 0 : i32
    %dma_wait3A_710 = tpu.memref_slice %arg4[%add3A_586, %dma_wait3A_709] : memref<65536x128xf32, #tpu.memory_space<hbm>> -> memref<128x128xf32, #tpu.memory_space<hbm>>
    %dma_wait3A_711 = arith.constant 0 : i32
    %dma_wait3A_712 = tpu.memref_slice %arg4[%add3A_586, %dma_wait3A_711] : memref<65536x128xf32, #tpu.memory_space<hbm>> -> memref<128x128xf32, #tpu.memory_space<hbm>>
    %dma_wait3A_713 = arith.constant 0 : i32
    %dma_wait3A_714 = arith.constant 0 : i32
    %dma_wait3A_715 = tpu.memref_slice %arg6[%dma_wait3A_704, %dma_wait3A_713, %dma_wait3A_714] : memref<4x128x128xf32, #tpu.memory_space<vmem>> -> memref<1x128x128xf32, #tpu.memory_space<vmem>>
    %dma_wait3A_716 = tpu.memref_squeeze %dma_wait3A_715 : memref<1x128x128xf32, #tpu.memory_space<vmem>> -> memref<128x128xf32, #tpu.memory_space<vmem>>
    tpu.wait_dma2 semaphore(%arg10 : memref<!tpu.dma_semaphore, #tpu.memory_space<semaphore_mem>>) src(%dma_wait3A_716 : memref<128x128xf32, #tpu.memory_space<vmem>>) dst(%dma_wait3A_712 : memref<128x128xf32, #tpu.memory_space<hbm>>)
    %dma_start3A_717 = arith.constant 15 : i32
    %dma_start3A_718 = arith.constant 3 : i32
    %dma_start3A_719 = arith.constant 0 : i32
    %dma_start3A_720 = arith.constant 0 : i32
    %dma_start3A_721 = tpu.memref_slice %arg6[%dma_start3A_718, %dma_start3A_719, %dma_start3A_720] : memref<4x128x128xf32, #tpu.memory_space<vmem>> -> memref<1x128x128xf32, #tpu.memory_space<vmem>>
    %dma_start3A_722 = tpu.memref_squeeze %dma_start3A_721 : memref<1x128x128xf32, #tpu.memory_space<vmem>> -> memref<128x128xf32, #tpu.memory_space<vmem>>
    %dma_start3A_723 = arith.constant 0 : i32
    %dma_start3A_724 = tpu.memref_slice %arg5[%dma_start3A_717, %dma_start3A_723] : memref<16x128xi32, #tpu.memory_space<vmem>> -> memref<1x128xi32, #tpu.memory_space<vmem>>
    %dma_start3A_725 = tpu.memref_squeeze %dma_start3A_724 : memref<1x128xi32, #tpu.memory_space<vmem>> -> memref<128xi32, #tpu.memory_space<vmem>>
    %dma_start3A_726 = arith.constant 0 : i32
    %dma_start3A_727 = arith.constant 0 : i32
    %dma_start3A_728 = tpu.memref_slice %arg2[%dma_start3A_726, %dma_start3A_727] : memref<8192x128xf32, #tpu.memory_space<hbm>> -> memref<8192x128xf32, #tpu.memory_space<hbm>>
    tpu.enqueue_indirect_dma source(%dma_start3A_728 : memref<8192x128xf32, #tpu.memory_space<hbm>>) target(%dma_start3A_722 : memref<128x128xf32, #tpu.memory_space<vmem>>) offsets(%dma_start3A_725 : memref<128xi32, #tpu.memory_space<vmem>>) semaphore(%arg8 : memref<!tpu.dma_semaphore, #tpu.memory_space<semaphore_mem>>)
    %dma_wait3A_729 = arith.constant 14 : i32
    %dma_wait3A_730 = arith.constant 2 : i32
    %dma_wait3A_731 = arith.constant 0 : i32
    %dma_wait3A_732 = arith.constant 0 : i32
    %dma_wait3A_733 = tpu.memref_slice %arg6[%dma_wait3A_730, %dma_wait3A_731, %dma_wait3A_732] : memref<4x128x128xf32, #tpu.memory_space<vmem>> -> memref<1x128x128xf32, #tpu.memory_space<vmem>>
    %dma_wait3A_734 = tpu.memref_squeeze %dma_wait3A_733 : memref<1x128x128xf32, #tpu.memory_space<vmem>> -> memref<128x128xf32, #tpu.memory_space<vmem>>
    %dma_wait3A_735 = arith.constant 0 : i32
    %dma_wait3A_736 = tpu.memref_slice %arg5[%dma_wait3A_729, %dma_wait3A_735] : memref<16x128xi32, #tpu.memory_space<vmem>> -> memref<1x128xi32, #tpu.memory_space<vmem>>
    %dma_wait3A_737 = tpu.memref_squeeze %dma_wait3A_736 : memref<1x128xi32, #tpu.memory_space<vmem>> -> memref<128xi32, #tpu.memory_space<vmem>>
    %dma_wait3A_738 = arith.constant 0 : i32
    %dma_wait3A_739 = arith.constant 0 : i32
    %dma_wait3A_740 = tpu.memref_slice %arg2[%dma_wait3A_738, %dma_wait3A_739] : memref<8192x128xf32, #tpu.memory_space<hbm>> -> memref<8192x128xf32, #tpu.memory_space<hbm>>
    tpu.wait_indirect_dma semaphore(%arg7 : memref<!tpu.dma_semaphore, #tpu.memory_space<semaphore_mem>>) src(%dma_wait3A_740 : memref<8192x128xf32, #tpu.memory_space<hbm>>) dst(%dma_wait3A_734 : memref<128x128xf32, #tpu.memory_space<vmem>>)
    %add3A_741 = arith.constant 1792 : i32
    %add3A_742 = arith.addi %mul3A_4, %add3A_741 : i32
    %dma_start3A_743 = arith.constant 2 : i32
    %dma_start3A_744 = arith.constant 0 : i32
    %dma_start3A_745 = arith.constant 0 : i32
    %dma_start3A_746 = tpu.memref_slice %arg6[%dma_start3A_743, %dma_start3A_744, %dma_start3A_745] : memref<4x128x128xf32, #tpu.memory_space<vmem>> -> memref<1x128x128xf32, #tpu.memory_space<vmem>>
    %dma_start3A_747 = tpu.memref_squeeze %dma_start3A_746 : memref<1x128x128xf32, #tpu.memory_space<vmem>> -> memref<128x128xf32, #tpu.memory_space<vmem>>
    %dma_start3A_748 = arith.constant 0 : i32
    %dma_start3A_749 = tpu.memref_slice %arg4[%add3A_742, %dma_start3A_748] : memref<65536x128xf32, #tpu.memory_space<hbm>> -> memref<128x128xf32, #tpu.memory_space<hbm>>
    %dma_start3A_750 = arith.constant 0 : i32
    %dma_start3A_751 = tpu.memref_slice %arg4[%add3A_742, %dma_start3A_750] : memref<65536x128xf32, #tpu.memory_space<hbm>> -> memref<128x128xf32, #tpu.memory_space<hbm>>
    %dma_start3A_752 = arith.constant 0 : i32
    %dma_start3A_753 = arith.constant 0 : i32
    %dma_start3A_754 = tpu.memref_slice %arg6[%dma_start3A_743, %dma_start3A_752, %dma_start3A_753] : memref<4x128x128xf32, #tpu.memory_space<vmem>> -> memref<1x128x128xf32, #tpu.memory_space<vmem>>
    %dma_start3A_755 = tpu.memref_squeeze %dma_start3A_754 : memref<1x128x128xf32, #tpu.memory_space<vmem>> -> memref<128x128xf32, #tpu.memory_space<vmem>>
    tpu.enqueue_dma source(%dma_start3A_755 : memref<128x128xf32, #tpu.memory_space<vmem>>) target(%dma_start3A_751 : memref<128x128xf32, #tpu.memory_space<hbm>>) target_semaphore(%arg9 : memref<!tpu.dma_semaphore, #tpu.memory_space<semaphore_mem>>)
    %dma_wait3A_756 = arith.constant 0 : i32
    %dma_wait3A_757 = arith.constant 0 : i32
    %dma_wait3A_758 = arith.constant 0 : i32
    %dma_wait3A_759 = tpu.memref_slice %arg6[%dma_wait3A_756, %dma_wait3A_757, %dma_wait3A_758] : memref<4x128x128xf32, #tpu.memory_space<vmem>> -> memref<1x128x128xf32, #tpu.memory_space<vmem>>
    %dma_wait3A_760 = tpu.memref_squeeze %dma_wait3A_759 : memref<1x128x128xf32, #tpu.memory_space<vmem>> -> memref<128x128xf32, #tpu.memory_space<vmem>>
    %dma_wait3A_761 = arith.constant 0 : i32
    %dma_wait3A_762 = tpu.memref_slice %arg4[%add3A_638, %dma_wait3A_761] : memref<65536x128xf32, #tpu.memory_space<hbm>> -> memref<128x128xf32, #tpu.memory_space<hbm>>
    %dma_wait3A_763 = arith.constant 0 : i32
    %dma_wait3A_764 = tpu.memref_slice %arg4[%add3A_638, %dma_wait3A_763] : memref<65536x128xf32, #tpu.memory_space<hbm>> -> memref<128x128xf32, #tpu.memory_space<hbm>>
    %dma_wait3A_765 = arith.constant 0 : i32
    %dma_wait3A_766 = arith.constant 0 : i32
    %dma_wait3A_767 = tpu.memref_slice %arg6[%dma_wait3A_756, %dma_wait3A_765, %dma_wait3A_766] : memref<4x128x128xf32, #tpu.memory_space<vmem>> -> memref<1x128x128xf32, #tpu.memory_space<vmem>>
    %dma_wait3A_768 = tpu.memref_squeeze %dma_wait3A_767 : memref<1x128x128xf32, #tpu.memory_space<vmem>> -> memref<128x128xf32, #tpu.memory_space<vmem>>
    tpu.wait_dma2 semaphore(%arg9 : memref<!tpu.dma_semaphore, #tpu.memory_space<semaphore_mem>>) src(%dma_wait3A_768 : memref<128x128xf32, #tpu.memory_space<vmem>>) dst(%dma_wait3A_764 : memref<128x128xf32, #tpu.memory_space<hbm>>)
    %dma_wait3A_769 = arith.constant 15 : i32
    %dma_wait3A_770 = arith.constant 3 : i32
    %dma_wait3A_771 = arith.constant 0 : i32
    %dma_wait3A_772 = arith.constant 0 : i32
    %dma_wait3A_773 = tpu.memref_slice %arg6[%dma_wait3A_770, %dma_wait3A_771, %dma_wait3A_772] : memref<4x128x128xf32, #tpu.memory_space<vmem>> -> memref<1x128x128xf32, #tpu.memory_space<vmem>>
    %dma_wait3A_774 = tpu.memref_squeeze %dma_wait3A_773 : memref<1x128x128xf32, #tpu.memory_space<vmem>> -> memref<128x128xf32, #tpu.memory_space<vmem>>
    %dma_wait3A_775 = arith.constant 0 : i32
    %dma_wait3A_776 = tpu.memref_slice %arg5[%dma_wait3A_769, %dma_wait3A_775] : memref<16x128xi32, #tpu.memory_space<vmem>> -> memref<1x128xi32, #tpu.memory_space<vmem>>
    %dma_wait3A_777 = tpu.memref_squeeze %dma_wait3A_776 : memref<1x128xi32, #tpu.memory_space<vmem>> -> memref<128xi32, #tpu.memory_space<vmem>>
    %dma_wait3A_778 = arith.constant 0 : i32
    %dma_wait3A_779 = arith.constant 0 : i32
    %dma_wait3A_780 = tpu.memref_slice %arg2[%dma_wait3A_778, %dma_wait3A_779] : memref<8192x128xf32, #tpu.memory_space<hbm>> -> memref<8192x128xf32, #tpu.memory_space<hbm>>
    tpu.wait_indirect_dma semaphore(%arg8 : memref<!tpu.dma_semaphore, #tpu.memory_space<semaphore_mem>>) src(%dma_wait3A_780 : memref<8192x128xf32, #tpu.memory_space<hbm>>) dst(%dma_wait3A_774 : memref<128x128xf32, #tpu.memory_space<vmem>>)
    %add3A_781 = arith.constant 1920 : i32
    %add3A_782 = arith.addi %mul3A_4, %add3A_781 : i32
    %dma_start3A_783 = arith.constant 3 : i32
    %dma_start3A_784 = arith.constant 0 : i32
    %dma_start3A_785 = arith.constant 0 : i32
    %dma_start3A_786 = tpu.memref_slice %arg6[%dma_start3A_783, %dma_start3A_784, %dma_start3A_785] : memref<4x128x128xf32, #tpu.memory_space<vmem>> -> memref<1x128x128xf32, #tpu.memory_space<vmem>>
    %dma_start3A_787 = tpu.memref_squeeze %dma_start3A_786 : memref<1x128x128xf32, #tpu.memory_space<vmem>> -> memref<128x128xf32, #tpu.memory_space<vmem>>
    %dma_start3A_788 = arith.constant 0 : i32
    %dma_start3A_789 = tpu.memref_slice %arg4[%add3A_782, %dma_start3A_788] : memref<65536x128xf32, #tpu.memory_space<hbm>> -> memref<128x128xf32, #tpu.memory_space<hbm>>
    %dma_start3A_790 = arith.constant 0 : i32
    %dma_start3A_791 = tpu.memref_slice %arg4[%add3A_782, %dma_start3A_790] : memref<65536x128xf32, #tpu.memory_space<hbm>> -> memref<128x128xf32, #tpu.memory_space<hbm>>
    %dma_start3A_792 = arith.constant 0 : i32
    %dma_start3A_793 = arith.constant 0 : i32
    %dma_start3A_794 = tpu.memref_slice %arg6[%dma_start3A_783, %dma_start3A_792, %dma_start3A_793] : memref<4x128x128xf32, #tpu.memory_space<vmem>> -> memref<1x128x128xf32, #tpu.memory_space<vmem>>
    %dma_start3A_795 = tpu.memref_squeeze %dma_start3A_794 : memref<1x128x128xf32, #tpu.memory_space<vmem>> -> memref<128x128xf32, #tpu.memory_space<vmem>>
    tpu.enqueue_dma source(%dma_start3A_795 : memref<128x128xf32, #tpu.memory_space<vmem>>) target(%dma_start3A_791 : memref<128x128xf32, #tpu.memory_space<hbm>>) target_semaphore(%arg10 : memref<!tpu.dma_semaphore, #tpu.memory_space<semaphore_mem>>)
    %dma_wait3A_796 = arith.constant 1 : i32
    %dma_wait3A_797 = arith.constant 0 : i32
    %dma_wait3A_798 = arith.constant 0 : i32
    %dma_wait3A_799 = tpu.memref_slice %arg6[%dma_wait3A_796, %dma_wait3A_797, %dma_wait3A_798] : memref<4x128x128xf32, #tpu.memory_space<vmem>> -> memref<1x128x128xf32, #tpu.memory_space<vmem>>
    %dma_wait3A_800 = tpu.memref_squeeze %dma_wait3A_799 : memref<1x128x128xf32, #tpu.memory_space<vmem>> -> memref<128x128xf32, #tpu.memory_space<vmem>>
    %dma_wait3A_801 = arith.constant 0 : i32
    %dma_wait3A_802 = tpu.memref_slice %arg4[%add3A_690, %dma_wait3A_801] : memref<65536x128xf32, #tpu.memory_space<hbm>> -> memref<128x128xf32, #tpu.memory_space<hbm>>
    %dma_wait3A_803 = arith.constant 0 : i32
    %dma_wait3A_804 = tpu.memref_slice %arg4[%add3A_690, %dma_wait3A_803] : memref<65536x128xf32, #tpu.memory_space<hbm>> -> memref<128x128xf32, #tpu.memory_space<hbm>>
    %dma_wait3A_805 = arith.constant 0 : i32
    %dma_wait3A_806 = arith.constant 0 : i32
    %dma_wait3A_807 = tpu.memref_slice %arg6[%dma_wait3A_796, %dma_wait3A_805, %dma_wait3A_806] : memref<4x128x128xf32, #tpu.memory_space<vmem>> -> memref<1x128x128xf32, #tpu.memory_space<vmem>>
    %dma_wait3A_808 = tpu.memref_squeeze %dma_wait3A_807 : memref<1x128x128xf32, #tpu.memory_space<vmem>> -> memref<128x128xf32, #tpu.memory_space<vmem>>
    tpu.wait_dma2 semaphore(%arg10 : memref<!tpu.dma_semaphore, #tpu.memory_space<semaphore_mem>>) src(%dma_wait3A_808 : memref<128x128xf32, #tpu.memory_space<vmem>>) dst(%dma_wait3A_804 : memref<128x128xf32, #tpu.memory_space<hbm>>)
    %dma_wait3A_809 = arith.constant 2 : i32
    %dma_wait3A_810 = arith.constant 0 : i32
    %dma_wait3A_811 = arith.constant 0 : i32
    %dma_wait3A_812 = tpu.memref_slice %arg6[%dma_wait3A_809, %dma_wait3A_810, %dma_wait3A_811] : memref<4x128x128xf32, #tpu.memory_space<vmem>> -> memref<1x128x128xf32, #tpu.memory_space<vmem>>
    %dma_wait3A_813 = tpu.memref_squeeze %dma_wait3A_812 : memref<1x128x128xf32, #tpu.memory_space<vmem>> -> memref<128x128xf32, #tpu.memory_space<vmem>>
    %dma_wait3A_814 = arith.constant 0 : i32
    %dma_wait3A_815 = tpu.memref_slice %arg4[%add3A_742, %dma_wait3A_814] : memref<65536x128xf32, #tpu.memory_space<hbm>> -> memref<128x128xf32, #tpu.memory_space<hbm>>
    %dma_wait3A_816 = arith.constant 0 : i32
    %dma_wait3A_817 = tpu.memref_slice %arg4[%add3A_742, %dma_wait3A_816] : memref<65536x128xf32, #tpu.memory_space<hbm>> -> memref<128x128xf32, #tpu.memory_space<hbm>>
    %dma_wait3A_818 = arith.constant 0 : i32
    %dma_wait3A_819 = arith.constant 0 : i32
    %dma_wait3A_820 = tpu.memref_slice %arg6[%dma_wait3A_809, %dma_wait3A_818, %dma_wait3A_819] : memref<4x128x128xf32, #tpu.memory_space<vmem>> -> memref<1x128x128xf32, #tpu.memory_space<vmem>>
    %dma_wait3A_821 = tpu.memref_squeeze %dma_wait3A_820 : memref<1x128x128xf32, #tpu.memory_space<vmem>> -> memref<128x128xf32, #tpu.memory_space<vmem>>
    tpu.wait_dma2 semaphore(%arg9 : memref<!tpu.dma_semaphore, #tpu.memory_space<semaphore_mem>>) src(%dma_wait3A_821 : memref<128x128xf32, #tpu.memory_space<vmem>>) dst(%dma_wait3A_817 : memref<128x128xf32, #tpu.memory_space<hbm>>)
    %dma_wait3A_822 = arith.constant 3 : i32
    %dma_wait3A_823 = arith.constant 0 : i32
    %dma_wait3A_824 = arith.constant 0 : i32
    %dma_wait3A_825 = tpu.memref_slice %arg6[%dma_wait3A_822, %dma_wait3A_823, %dma_wait3A_824] : memref<4x128x128xf32, #tpu.memory_space<vmem>> -> memref<1x128x128xf32, #tpu.memory_space<vmem>>
    %dma_wait3A_826 = tpu.memref_squeeze %dma_wait3A_825 : memref<1x128x128xf32, #tpu.memory_space<vmem>> -> memref<128x128xf32, #tpu.memory_space<vmem>>
    %dma_wait3A_827 = arith.constant 0 : i32
    %dma_wait3A_828 = tpu.memref_slice %arg4[%add3A_782, %dma_wait3A_827] : memref<65536x128xf32, #tpu.memory_space<hbm>> -> memref<128x128xf32, #tpu.memory_space<hbm>>
    %dma_wait3A_829 = arith.constant 0 : i32
    %dma_wait3A_830 = tpu.memref_slice %arg4[%add3A_782, %dma_wait3A_829] : memref<65536x128xf32, #tpu.memory_space<hbm>> -> memref<128x128xf32, #tpu.memory_space<hbm>>
    %dma_wait3A_831 = arith.constant 0 : i32
    %dma_wait3A_832 = arith.constant 0 : i32
    %dma_wait3A_833 = tpu.memref_slice %arg6[%dma_wait3A_822, %dma_wait3A_831, %dma_wait3A_832] : memref<4x128x128xf32, #tpu.memory_space<vmem>> -> memref<1x128x128xf32, #tpu.memory_space<vmem>>
    %dma_wait3A_834 = tpu.memref_squeeze %dma_wait3A_833 : memref<1x128x128xf32, #tpu.memory_space<vmem>> -> memref<128x128xf32, #tpu.memory_space<vmem>>
    tpu.wait_dma2 semaphore(%arg10 : memref<!tpu.dma_semaphore, #tpu.memory_space<semaphore_mem>>) src(%dma_wait3A_834 : memref<128x128xf32, #tpu.memory_space<vmem>>) dst(%dma_wait3A_830 : memref<128x128xf32, #tpu.memory_space<hbm>>)
    return
  }
}

module attributes {stable_mosaic.version = 14 : i64} {
  func.func @_s3_body(%arg0: i32, %arg1: memref<1024x128xf32, #tpu.memory_space<vmem>>, %arg2: memref<8192x128xf32, #tpu.memory_space<vmem>>, %arg3: memref<8x1024xf32, #tpu.memory_space<vmem>>, %arg4: memref<8x1024xi32, #tpu.memory_space<vmem>>) attributes {dimension_semantics = [#tpu.dimension_semantics<arbitrary>], iteration_bounds = array<i64: 8>, scalar_prefetch = 0 : i64, scratch_operands = 0 : i64, tpu.core_type = #tpu.core_type<tc>, window_params = [{transform_indices = @transform_0, window_bounds = array<i64: 1024, 128>}, {pipeline_mode = #tpu.pipeline_mode<synchronous>, transform_indices = @transform_1, window_bounds = array<i64: 8192, 128>}, {transform_indices = @transform_2, window_bounds = array<i64: 8, 1024>}, {transform_indices = @transform_3, window_bounds = array<i64: 8, 1024>}]} {
    %get3A = arith.constant 0 : index
    %get3A_0 = arith.constant 0 : index
    %get3A_1 = vector.load %arg1[%get3A, %get3A_0] : memref<1024x128xf32, #tpu.memory_space<vmem>>, vector<1024x128xf32>
    %mul3A = arith.constant 0.0883883461 : f32
    %mul3A_2 = vector.broadcast %mul3A : f32 to vector<1024x128xf32>
    %mul3A_3 = arith.mulf %get3A_1, %mul3A_2 : vector<1024x128xf32>
    %iota3A = tpu.iota {dimensions = array<i32: 0>} : vector<1024x1024xi32>
    %iota3A_4 = tpu.iota {dimensions = array<i32: 0>} : vector<8x1024xi32>
    %broadcast_in_dim3A = arith.constant 0xFF800000 : f32
    %broadcast_in_dim3A_5 = vector.broadcast %broadcast_in_dim3A : f32 to vector<8x1024xf32>
    %broadcast_in_dim3A_6 = arith.constant 0 : i32
    %broadcast_in_dim3A_7 = vector.broadcast %broadcast_in_dim3A_6 : i32 to vector<8x1024xi32>
    %scan3A = arith.constant 0 : i32
    %scan3A_8 = arith.constant 8 : i32
    %scan3A_9 = arith.addi %scan3A, %scan3A_8 : i32
    %scan3A_10 = arith.constant 1 : i32
    %scan3A_11:2 = scf.for %scan3A_18 = %scan3A to %scan3A_9 step %scan3A_10 iter_args(%scan3A_19 = %broadcast_in_dim3A_5, %scan3A_20 = %broadcast_in_dim3A_7) -> (vector<8x1024xf32>, vector<8x1024xi32>)  : i32 {
      %mul3A_21 = arith.constant 1024 : i32
      %mul3A_22 = arith.muli %scan3A_18, %mul3A_21 : i32
      %get3A_23 = arith.index_cast %mul3A_22 : i32 to index
      %get3A_24 = arith.constant 0 : index
      %get3A_25 = vector.load %arg2[%get3A_23, %get3A_24] : memref<8192x128xf32, #tpu.memory_space<vmem>>, vector<1024x128xf32>
      %dot_general3A = arith.constant dense<0.000000e+00> : vector<1024x1024xf32>
      %dot_general3A_26 = tpu.matmul %get3A_25, %mul3A_3, %dot_general3A {dimension_numbers = #tpu.dot_dimension_numbers<[1], [1], [0], [0], [0, 0, 1, 0], [], []>, transpose_lhs_hint = false} : vector<1024x128xf32>, vector<1024x128xf32>, vector<1024x1024xf32> -> vector<1024x1024xf32>
      %reduce_max3A = arith.constant dense<0xFF800000> : vector<1024xf32>
      %reduce_max3A_27 = vector.multi_reduction <maximumf>, %dot_general3A_26, %reduce_max3A [0] : vector<1024x1024xf32> to vector<1024xf32>
      %broadcast_in_dim3A_28 = vector.shape_cast %reduce_max3A_27 : vector<1024xf32> to vector<1x1024xf32>
      %while3A = arith.constant 0 : i32
      %while3A_29:5 = scf.while (%while3A_30 = %while3A, %while3A_31 = %dot_general3A_26, %while3A_32 = %broadcast_in_dim3A_28, %while3A_33 = %scan3A_19, %while3A_34 = %scan3A_20) : (i32, vector<1024x1024xf32>, vector<1x1024xf32>, vector<8x1024xf32>, vector<8x1024xi32>) -> (i32, vector<1024x1024xf32>, vector<1x1024xf32>, vector<8x1024xf32>, vector<8x1024xi32>) {
        %lt3A = arith.constant 8 : i32
        %lt3A_35 = arith.cmpi slt, %while3A_30, %lt3A : i32
        %slice3A = vector.extract_strided_slice %while3A_33 {offsets = [7, 0], sizes = [1, 1024], strides = [1, 1]} : vector<8x1024xf32> to vector<1x1024xf32>
        %gt3A = arith.cmpf ogt, %while3A_32, %slice3A : vector<1x1024xf32>
        %reduce_or3A = arith.constant 1.000000e+00 : f32
        %reduce_or3A_36 = arith.constant 0.000000e+00 : f32
        %reduce_or3A_37 = vector.broadcast %reduce_or3A : f32 to vector<1x1024xf32>
        %reduce_or3A_38 = vector.broadcast %reduce_or3A_36 : f32 to vector<1x1024xf32>
        %reduce_or3A_39 = arith.select %gt3A, %reduce_or3A_37, %reduce_or3A_38 : vector<1x1024xi1>, vector<1x1024xf32>
        %reduce_or3A_40 = vector.shape_cast %reduce_or3A_39 : vector<1x1024xf32> to vector<1x1x1024xf32>
        %reduce_or3A_41 = arith.constant dense<0xFF800000> : vector<1xf32>
        %reduce_or3A_42 = vector.multi_reduction <maximumf>, %reduce_or3A_40, %reduce_or3A_41 [1, 2] : vector<1x1x1024xf32> to vector<1xf32>
        %reduce_or3A_43 = vector.shape_cast %reduce_or3A_42 : vector<1xf32> to vector<1x1x1xf32>
        %reduce_or3A_44 = vector.extract %reduce_or3A_43[0, 0, 0] : f32 from vector<1x1x1xf32>
        %reduce_or3A_45 = arith.constant 0.000000e+00 : f32
        %reduce_or3A_46 = arith.cmpf ogt, %reduce_or3A_44, %reduce_or3A_45 : f32
        %and3A = arith.andi %lt3A_35, %reduce_or3A_46 : i1
        scf.condition(%and3A) %while3A_30, %while3A_31, %while3A_32, %while3A_33, %while3A_34 : i32, vector<1024x1024xf32>, vector<1x1024xf32>, vector<8x1024xf32>, vector<8x1024xi32>
      } do {
      ^bb0(%while3A_30: i32, %while3A_31: vector<1024x1024xf32>, %while3A_32: vector<1x1024xf32>, %while3A_33: vector<8x1024xf32>, %while3A_34: vector<8x1024xi32>):
        %eq3A = vector.broadcast %while3A_32 : vector<1x1024xf32> to vector<1024x1024xf32>
        %eq3A_35 = arith.cmpf oeq, %while3A_31, %eq3A : vector<1024x1024xf32>
        %jit3A = arith.constant 1024 : i32
        %broadcast_in_dim3A_36 = vector.broadcast %jit3A : i32 to vector<1024x1024xi32>
        %select_n3A = arith.select %eq3A_35, %iota3A, %broadcast_in_dim3A_36 : vector<1024x1024xi1>, vector<1024x1024xi32>
        %reduce_min3A = arith.constant dense<2147483647> : vector<1024xi32>
        %reduce_min3A_37 = vector.multi_reduction <minsi>, %select_n3A, %reduce_min3A [0] : vector<1024x1024xi32> to vector<1024xi32>
        %broadcast_in_dim3A_38 = vector.shape_cast %reduce_min3A_37 : vector<1024xi32> to vector<1x1024xi32>
        %eq3A_39 = vector.broadcast %broadcast_in_dim3A_38 : vector<1x1024xi32> to vector<1024x1024xi32>
        %eq3A_40 = arith.cmpi eq, %iota3A, %eq3A_39 : vector<1024x1024xi32>
        %jit3A_41 = arith.constant 0xFF800000 : f32
        %broadcast_in_dim3A_42 = vector.broadcast %jit3A_41 : f32 to vector<1024x1024xf32>
        %select_n3A_43 = arith.select %eq3A_40, %broadcast_in_dim3A_42, %while3A_31 : vector<1024x1024xi1>, vector<1024x1024xf32>
        %mul3A_44 = arith.constant 1024 : i32
        %mul3A_45 = arith.muli %scan3A_18, %mul3A_44 : i32
        %add3A = vector.broadcast %mul3A_45 : i32 to vector<1x1024xi32>
        %add3A_46 = arith.addi %broadcast_in_dim3A_38, %add3A : vector<1x1024xi32>
        %ge3A = vector.broadcast %while3A_32 : vector<1x1024xf32> to vector<8x1024xf32>
        %ge3A_47 = arith.cmpf oge, %while3A_33, %ge3A : vector<8x1024xf32>
        %convert_element_type3A = arith.extui %ge3A_47 : vector<8x1024xi1> to vector<8x1024xi32>
        %reduce_sum3A = arith.constant dense<0> : vector<1024xi32>
        %reduce_sum3A_48 = vector.multi_reduction <add>, %convert_element_type3A, %reduce_sum3A [0] : vector<8x1024xi32> to vector<1024xi32>
        %broadcast_in_dim3A_49 = vector.shape_cast %reduce_sum3A_48 : vector<1024xi32> to vector<1x1024xi32>
        %broadcast_in_dim3A_50 = arith.constant 0xFF800000 : f32
        %broadcast_in_dim3A_51 = vector.broadcast %broadcast_in_dim3A_50 : f32 to vector<1x1024xf32>
        %slice3A = vector.extract_strided_slice %while3A_33 {offsets = [0, 0], sizes = [7, 1024], strides = [1, 1]} : vector<8x1024xf32> to vector<7x1024xf32>
        %concatenate3A = tpu.concatenate %broadcast_in_dim3A_51, %slice3A in 0 : vector<1x1024xf32>, vector<7x1024xf32> -> vector<8x1024xf32>
        %broadcast_in_dim3A_52 = arith.constant 0 : i32
        %broadcast_in_dim3A_53 = vector.broadcast %broadcast_in_dim3A_52 : i32 to vector<1x1024xi32>
        %slice3A_54 = vector.extract_strided_slice %while3A_34 {offsets = [0, 0], sizes = [7, 1024], strides = [1, 1]} : vector<8x1024xi32> to vector<7x1024xi32>
        %concatenate3A_55 = tpu.concatenate %broadcast_in_dim3A_53, %slice3A_54 in 0 : vector<1x1024xi32>, vector<7x1024xi32> -> vector<8x1024xi32>
        %lt3A = vector.broadcast %broadcast_in_dim3A_49 : vector<1x1024xi32> to vector<8x1024xi32>
        %lt3A_56 = arith.cmpi slt, %iota3A_4, %lt3A : vector<8x1024xi32>
        %eq3A_57 = vector.broadcast %broadcast_in_dim3A_49 : vector<1x1024xi32> to vector<8x1024xi32>
        %eq3A_58 = arith.cmpi eq, %iota3A_4, %eq3A_57 : vector<8x1024xi32>
        %broadcast_in_dim3A_59 = vector.shape_cast %while3A_32 : vector<1x1024xf32> to vector<1x1024xf32>
        %broadcast_in_dim3A_60 = vector.broadcast %broadcast_in_dim3A_59 : vector<1x1024xf32> to vector<8x1024xf32>
        %select_n3A_61 = arith.select %eq3A_58, %broadcast_in_dim3A_60, %concatenate3A : vector<8x1024xi1>, vector<8x1024xf32>
        %select_n3A_62 = arith.select %lt3A_56, %while3A_33, %select_n3A_61 : vector<8x1024xi1>, vector<8x1024xf32>
        %lt3A_63 = vector.broadcast %broadcast_in_dim3A_49 : vector<1x1024xi32> to vector<8x1024xi32>
        %lt3A_64 = arith.cmpi slt, %iota3A_4, %lt3A_63 : vector<8x1024xi32>
        %eq3A_65 = vector.broadcast %broadcast_in_dim3A_49 : vector<1x1024xi32> to vector<8x1024xi32>
        %eq3A_66 = arith.cmpi eq, %iota3A_4, %eq3A_65 : vector<8x1024xi32>
        %broadcast_in_dim3A_67 = vector.shape_cast %add3A_46 : vector<1x1024xi32> to vector<1x1024xi32>
        %broadcast_in_dim3A_68 = vector.broadcast %broadcast_in_dim3A_67 : vector<1x1024xi32> to vector<8x1024xi32>
        %select_n3A_69 = arith.select %eq3A_66, %broadcast_in_dim3A_68, %concatenate3A_55 : vector<8x1024xi1>, vector<8x1024xi32>
        %select_n3A_70 = arith.select %lt3A_64, %while3A_34, %select_n3A_69 : vector<8x1024xi1>, vector<8x1024xi32>
        %reduce_max3A_71 = arith.constant dense<0xFF800000> : vector<1024xf32>
        %reduce_max3A_72 = vector.multi_reduction <maximumf>, %select_n3A_43, %reduce_max3A_71 [0] : vector<1024x1024xf32> to vector<1024xf32>
        %broadcast_in_dim3A_73 = vector.shape_cast %reduce_max3A_72 : vector<1024xf32> to vector<1x1024xf32>
        %add3A_74 = arith.constant 1 : i32
        %add3A_75 = arith.addi %while3A_30, %add3A_74 : i32
        scf.yield %add3A_75, %select_n3A_43, %broadcast_in_dim3A_73, %select_n3A_62, %select_n3A_70 : i32, vector<1024x1024xf32>, vector<1x1024xf32>, vector<8x1024xf32>, vector<8x1024xi32>
      }
      scf.yield %while3A_29#3, %while3A_29#4 : vector<8x1024xf32>, vector<8x1024xi32>
    }
    %scan3A_12 = arith.constant 8 : i32
    %swap3A = arith.constant 0 : index
    %swap3A_13 = arith.constant 0 : index
    %swap3A_14 = vector.load %arg3[%swap3A, %swap3A_13] : memref<8x1024xf32, #tpu.memory_space<vmem>>, vector<8x1024xf32>
    tpu.vector_store %arg3[%swap3A, %swap3A_13], %scan3A_11#0 {strides = array<i32>} : memref<8x1024xf32, #tpu.memory_space<vmem>>, vector<8x1024xf32>,
    %swap3A_15 = arith.constant 0 : index
    %swap3A_16 = arith.constant 0 : index
    %swap3A_17 = vector.load %arg4[%swap3A_15, %swap3A_16] : memref<8x1024xi32, #tpu.memory_space<vmem>>, vector<8x1024xi32>
    tpu.vector_store %arg4[%swap3A_15, %swap3A_16], %scan3A_11#1 {strides = array<i32>} : memref<8x1024xi32, #tpu.memory_space<vmem>>, vector<8x1024xi32>,
    return
  }
  func.func @transform_0(%arg0: i32) -> (i32, i32) {
    %c0_i32 = arith.constant 0 : i32
    %c0_i32_0 = arith.constant 0 : i32
    return %arg0, %c0_i32 : i32, i32
  }
  func.func @transform_1(%arg0: i32) -> (i32, i32) {
    %c0_i32 = arith.constant 0 : i32
    %c0_i32_0 = arith.constant 0 : i32
    %c0_i32_1 = arith.constant 0 : i32
    return %c0_i32, %c0_i32_0 : i32, i32
  }
  func.func @transform_2(%arg0: i32) -> (i32, i32) {
    %c0_i32 = arith.constant 0 : i32
    %c0_i32_0 = arith.constant 0 : i32
    return %c0_i32, %arg0 : i32, i32
  }
  func.func @transform_3(%arg0: i32) -> (i32, i32) {
    %c0_i32 = arith.constant 0 : i32
    %c0_i32_0 = arith.constant 0 : i32
    return %c0_i32, %arg0 : i32, i32
  }
}

module attributes {stable_mosaic.version = 14 : i64} {
  func.func @_s2_body(%arg0: i32, %arg1: memref<256x128xf32, #tpu.memory_space<vmem>>, %arg2: memref<256x128xf32, #tpu.memory_space<vmem>>, %arg3: memref<1x128xf32, #tpu.memory_space<vmem>>, %arg4: memref<128x128xf32, #tpu.memory_space<vmem>>, %arg5: memref<1x128xf32, #tpu.memory_space<vmem>>, %arg6: memref<128x128xf32, #tpu.memory_space<vmem>>, %arg7: memref<1x128xf32, #tpu.memory_space<vmem>>, %arg8: memref<256x128xf32, #tpu.memory_space<vmem>>, %arg9: memref<256x128xf32, #tpu.memory_space<vmem>>) attributes {dimension_semantics = [#tpu.dimension_semantics<arbitrary>], iteration_bounds = array<i64: 32>, scalar_prefetch = 0 : i64, scratch_operands = 0 : i64, tpu.core_type = #tpu.core_type<tc>, window_params = [{transform_indices = @transform_0, window_bounds = array<i64: 256, 128>}, {transform_indices = @transform_1, window_bounds = array<i64: 256, 128>}, {pipeline_mode = #tpu.pipeline_mode<synchronous>, transform_indices = @transform_2, window_bounds = array<i64: 1, 128>}, {pipeline_mode = #tpu.pipeline_mode<synchronous>, transform_indices = @transform_3, window_bounds = array<i64: 128, 128>}, {pipeline_mode = #tpu.pipeline_mode<synchronous>, transform_indices = @transform_4, window_bounds = array<i64: 1, 128>}, {pipeline_mode = #tpu.pipeline_mode<synchronous>, transform_indices = @transform_5, window_bounds = array<i64: 128, 128>}, {pipeline_mode = #tpu.pipeline_mode<synchronous>, transform_indices = @transform_6, window_bounds = array<i64: 1, 128>}, {transform_indices = @transform_7, window_bounds = array<i64: 256, 128>}, {transform_indices = @transform_8, window_bounds = array<i64: 256, 128>}]} {
    %get3A = arith.constant 0 : index
    %get3A_0 = arith.constant 0 : index
    %get3A_1 = vector.load %arg3[%get3A, %get3A_0] : memref<1x128xf32, #tpu.memory_space<vmem>>, vector<1x128xf32>
    %mul3A = arith.constant 6.10351563E-5 : f32
    %mul3A_2 = vector.broadcast %mul3A : f32 to vector<1x128xf32>
    %mul3A_3 = arith.mulf %get3A_1, %mul3A_2 : vector<1x128xf32>
    %get3A_4 = arith.constant 0 : index
    %get3A_5 = arith.constant 0 : index
    %get3A_6 = vector.load %arg4[%get3A_4, %get3A_5] : memref<128x128xf32, #tpu.memory_space<vmem>>, vector<128x128xf32>
    %dot_general3A = arith.constant dense<0.000000e+00> : vector<1x128xf32>
    %dot_general3A_7 = tpu.matmul %mul3A_3, %get3A_6, %dot_general3A {dimension_numbers = #tpu.dot_dimension_numbers<[1], [0], [0], [1], [0, 0, 1, 1], [], []>, transpose_lhs_hint = false} : vector<1x128xf32>, vector<128x128xf32>, vector<1x128xf32> -> vector<1x128xf32>
    %get3A_8 = arith.constant 0 : index
    %get3A_9 = arith.constant 0 : index
    %get3A_10 = vector.load %arg5[%get3A_8, %get3A_9] : memref<1x128xf32, #tpu.memory_space<vmem>>, vector<1x128xf32>
    %add3A = arith.addf %dot_general3A_7, %get3A_10 : vector<1x128xf32>
    %get3A_11 = arith.constant 0 : index
    %get3A_12 = arith.constant 0 : index
    %get3A_13 = vector.load %arg6[%get3A_11, %get3A_12] : memref<128x128xf32, #tpu.memory_space<vmem>>, vector<128x128xf32>
    %dot_general3A_14 = arith.constant dense<0.000000e+00> : vector<1x128xf32>
    %dot_general3A_15 = tpu.matmul %mul3A_3, %get3A_13, %dot_general3A_14 {dimension_numbers = #tpu.dot_dimension_numbers<[1], [0], [0], [1], [0, 0, 1, 1], [], []>, transpose_lhs_hint = false} : vector<1x128xf32>, vector<128x128xf32>, vector<1x128xf32> -> vector<1x128xf32>
    %get3A_16 = arith.constant 0 : index
    %get3A_17 = arith.constant 0 : index
    %get3A_18 = vector.load %arg7[%get3A_16, %get3A_17] : memref<1x128xf32, #tpu.memory_space<vmem>>, vector<1x128xf32>
    %add3A_19 = arith.addf %dot_general3A_15, %get3A_18 : vector<1x128xf32>
    %get3A_20 = arith.constant 0 : index
    %get3A_21 = arith.constant 0 : index
    %get3A_22 = vector.load %arg1[%get3A_20, %get3A_21] : memref<256x128xf32, #tpu.memory_space<vmem>>, vector<256x128xf32>
    %mul3A_23 = arith.constant 5.000000e-01 : f32
    %mul3A_24 = vector.broadcast %mul3A_23 : f32 to vector<256x128xf32>
    %mul3A_25 = arith.mulf %mul3A_24, %get3A_22 : vector<256x128xf32>
    %add3A_26 = vector.broadcast %add3A : vector<1x128xf32> to vector<256x128xf32>
    %add3A_27 = arith.addf %mul3A_25, %add3A_26 : vector<256x128xf32>
    %swap3A = arith.constant 0 : index
    %swap3A_28 = arith.constant 0 : index
    %swap3A_29 = vector.load %arg8[%swap3A, %swap3A_28] : memref<256x128xf32, #tpu.memory_space<vmem>>, vector<256x128xf32>
    tpu.vector_store %arg8[%swap3A, %swap3A_28], %add3A_27 {strides = array<i32>} : memref<256x128xf32, #tpu.memory_space<vmem>>, vector<256x128xf32>,
    %get3A_30 = arith.constant 0 : index
    %get3A_31 = arith.constant 0 : index
    %get3A_32 = vector.load %arg2[%get3A_30, %get3A_31] : memref<256x128xf32, #tpu.memory_space<vmem>>, vector<256x128xf32>
    %mul3A_33 = arith.constant 5.000000e-01 : f32
    %mul3A_34 = vector.broadcast %mul3A_33 : f32 to vector<256x128xf32>
    %mul3A_35 = arith.mulf %mul3A_34, %get3A_32 : vector<256x128xf32>
    %add3A_36 = vector.broadcast %add3A_19 : vector<1x128xf32> to vector<256x128xf32>
    %add3A_37 = arith.addf %mul3A_35, %add3A_36 : vector<256x128xf32>
    %swap3A_38 = arith.constant 0 : index
    %swap3A_39 = arith.constant 0 : index
    %swap3A_40 = vector.load %arg9[%swap3A_38, %swap3A_39] : memref<256x128xf32, #tpu.memory_space<vmem>>, vector<256x128xf32>
    tpu.vector_store %arg9[%swap3A_38, %swap3A_39], %add3A_37 {strides = array<i32>} : memref<256x128xf32, #tpu.memory_space<vmem>>, vector<256x128xf32>,
    return
  }
  func.func @transform_0(%arg0: i32) -> (i32, i32) {
    %c0_i32 = arith.constant 0 : i32
    %c0_i32_0 = arith.constant 0 : i32
    return %arg0, %c0_i32 : i32, i32
  }
  func.func @transform_1(%arg0: i32) -> (i32, i32) {
    %c0_i32 = arith.constant 0 : i32
    %c0_i32_0 = arith.constant 0 : i32
    return %arg0, %c0_i32 : i32, i32
  }
  func.func @transform_2(%arg0: i32) -> (i32, i32) {
    %c0_i32 = arith.constant 0 : i32
    %c0_i32_0 = arith.constant 0 : i32
    %c0_i32_1 = arith.constant 0 : i32
    return %c0_i32, %c0_i32_0 : i32, i32
  }
  func.func @transform_3(%arg0: i32) -> (i32, i32) {
    %c0_i32 = arith.constant 0 : i32
    %c0_i32_0 = arith.constant 0 : i32
    %c0_i32_1 = arith.constant 0 : i32
    return %c0_i32, %c0_i32_0 : i32, i32
  }
  func.func @transform_4(%arg0: i32) -> (i32, i32) {
    %c0_i32 = arith.constant 0 : i32
    %c0_i32_0 = arith.constant 0 : i32
    %c0_i32_1 = arith.constant 0 : i32
    return %c0_i32, %c0_i32_0 : i32, i32
  }
  func.func @transform_5(%arg0: i32) -> (i32, i32) {
    %c0_i32 = arith.constant 0 : i32
    %c0_i32_0 = arith.constant 0 : i32
    %c0_i32_1 = arith.constant 0 : i32
    return %c0_i32, %c0_i32_0 : i32, i32
  }
  func.func @transform_6(%arg0: i32) -> (i32, i32) {
    %c0_i32 = arith.constant 0 : i32
    %c0_i32_0 = arith.constant 0 : i32
    %c0_i32_1 = arith.constant 0 : i32
    return %c0_i32, %c0_i32_0 : i32, i32
  }
  func.func @transform_7(%arg0: i32) -> (i32, i32) {
    %c0_i32 = arith.constant 0 : i32
    %c0_i32_0 = arith.constant 0 : i32
    return %arg0, %c0_i32 : i32, i32
  }
  func.func @transform_8(%arg0: i32) -> (i32, i32) {
    %c0_i32 = arith.constant 0 : i32
    %c0_i32_0 = arith.constant 0 : i32
    return %arg0, %c0_i32 : i32, i32
  }
}

module attributes {stable_mosaic.version = 14 : i64} {
  func.func @_s1_body(%arg0: i32, %arg1: memref<256x384xf32, #tpu.memory_space<vmem>>, %arg2: memref<384x128xf32, #tpu.memory_space<vmem>>, %arg3: memref<1x128xf32, #tpu.memory_space<vmem>>, %arg4: memref<128x128xf32, #tpu.memory_space<vmem>>, %arg5: memref<128x128xf32, #tpu.memory_space<vmem>>, %arg6: memref<256x128xf32, #tpu.memory_space<vmem>>, %arg7: memref<256x128xf32, #tpu.memory_space<vmem>>, %arg8: memref<1x128xf32, #tpu.memory_space<vmem>>) attributes {dimension_semantics = [#tpu.dimension_semantics<arbitrary>], iteration_bounds = array<i64: 32>, scalar_prefetch = 0 : i64, scratch_operands = 0 : i64, tpu.core_type = #tpu.core_type<tc>, window_params = [{transform_indices = @transform_0, window_bounds = array<i64: 256, 384>}, {pipeline_mode = #tpu.pipeline_mode<synchronous>, transform_indices = @transform_1, window_bounds = array<i64: 384, 128>}, {pipeline_mode = #tpu.pipeline_mode<synchronous>, transform_indices = @transform_2, window_bounds = array<i64: 1, 128>}, {pipeline_mode = #tpu.pipeline_mode<synchronous>, transform_indices = @transform_3, window_bounds = array<i64: 128, 128>}, {pipeline_mode = #tpu.pipeline_mode<synchronous>, transform_indices = @transform_4, window_bounds = array<i64: 128, 128>}, {transform_indices = @transform_5, window_bounds = array<i64: 256, 128>}, {transform_indices = @transform_6, window_bounds = array<i64: 256, 128>}, {pipeline_mode = #tpu.pipeline_mode<synchronous>, transform_indices = @transform_7, window_bounds = array<i64: 1, 128>}]} {
    %get3A = arith.constant 0 : index
    %get3A_0 = arith.constant 0 : index
    %get3A_1 = vector.load %arg1[%get3A, %get3A_0] : memref<256x384xf32, #tpu.memory_space<vmem>>, vector<256x384xf32>
    %get3A_2 = arith.constant 0 : index
    %get3A_3 = arith.constant 0 : index
    %get3A_4 = vector.load %arg2[%get3A_2, %get3A_3] : memref<384x128xf32, #tpu.memory_space<vmem>>, vector<384x128xf32>
    %dot_general3A = arith.constant dense<0.000000e+00> : vector<256x128xf32>
    %dot_general3A_5 = tpu.matmul %get3A_1, %get3A_4, %dot_general3A {dimension_numbers = #tpu.dot_dimension_numbers<[1], [0], [0], [1], [0, 0, 1, 1], [], []>, transpose_lhs_hint = false} : vector<256x384xf32>, vector<384x128xf32>, vector<256x128xf32> -> vector<256x128xf32>
    %get3A_6 = arith.constant 0 : index
    %get3A_7 = arith.constant 0 : index
    %get3A_8 = vector.load %arg3[%get3A_6, %get3A_7] : memref<1x128xf32, #tpu.memory_space<vmem>>, vector<1x128xf32>
    %add3A = vector.broadcast %get3A_8 : vector<1x128xf32> to vector<256x128xf32>
    %add3A_9 = arith.addf %dot_general3A_5, %add3A : vector<256x128xf32>
    %ge3A = arith.constant 0.000000e+00 : f32
    %ge3A_10 = vector.broadcast %ge3A : f32 to vector<256x128xf32>
    %ge3A_11 = arith.cmpf oge, %add3A_9, %ge3A_10 : vector<256x128xf32>
    %mul3A = arith.constant 0.00999999977 : f32
    %mul3A_12 = vector.broadcast %mul3A : f32 to vector<256x128xf32>
    %mul3A_13 = arith.mulf %mul3A_12, %add3A_9 : vector<256x128xf32>
    %select_n3A = arith.select %ge3A_11, %add3A_9, %mul3A_13 : vector<256x128xi1>, vector<256x128xf32>
    %get3A_14 = arith.constant 0 : index
    %get3A_15 = arith.constant 0 : index
    %get3A_16 = vector.load %arg4[%get3A_14, %get3A_15] : memref<128x128xf32, #tpu.memory_space<vmem>>, vector<128x128xf32>
    %dot_general3A_17 = arith.constant dense<0.000000e+00> : vector<256x128xf32>
    %dot_general3A_18 = tpu.matmul %select_n3A, %get3A_16, %dot_general3A_17 {dimension_numbers = #tpu.dot_dimension_numbers<[1], [0], [0], [1], [0, 0, 1, 1], [], []>, transpose_lhs_hint = false} : vector<256x128xf32>, vector<128x128xf32>, vector<256x128xf32> -> vector<256x128xf32>
    %swap3A = arith.constant 0 : index
    %swap3A_19 = arith.constant 0 : index
    %swap3A_20 = vector.load %arg6[%swap3A, %swap3A_19] : memref<256x128xf32, #tpu.memory_space<vmem>>, vector<256x128xf32>
    tpu.vector_store %arg6[%swap3A, %swap3A_19], %dot_general3A_18 {strides = array<i32>} : memref<256x128xf32, #tpu.memory_space<vmem>>, vector<256x128xf32>,
    %get3A_21 = arith.constant 0 : index
    %get3A_22 = arith.constant 0 : index
    %get3A_23 = vector.load %arg5[%get3A_21, %get3A_22] : memref<128x128xf32, #tpu.memory_space<vmem>>, vector<128x128xf32>
    %dot_general3A_24 = arith.constant dense<0.000000e+00> : vector<256x128xf32>
    %dot_general3A_25 = tpu.matmul %select_n3A, %get3A_23, %dot_general3A_24 {dimension_numbers = #tpu.dot_dimension_numbers<[1], [0], [0], [1], [0, 0, 1, 1], [], []>, transpose_lhs_hint = false} : vector<256x128xf32>, vector<128x128xf32>, vector<256x128xf32> -> vector<256x128xf32>
    %swap3A_26 = arith.constant 0 : index
    %swap3A_27 = arith.constant 0 : index
    %swap3A_28 = vector.load %arg7[%swap3A_26, %swap3A_27] : memref<256x128xf32, #tpu.memory_space<vmem>>, vector<256x128xf32>
    tpu.vector_store %arg7[%swap3A_26, %swap3A_27], %dot_general3A_25 {strides = array<i32>} : memref<256x128xf32, #tpu.memory_space<vmem>>, vector<256x128xf32>,
    %eq3A = arith.constant 0 : i32
    %eq3A_29 = arith.cmpi eq, %arg0, %eq3A : i32
    %convert_element_type3A = arith.extui %eq3A_29 : i1 to i32
    %cond3A = arith.constant 0 : i32
    %cond3A_30 = arith.cmpi ne, %convert_element_type3A, %cond3A : i32
    scf.if %cond3A_30 {
      %broadcast_in_dim3A_39 = arith.constant 0.000000e+00 : f32
      %broadcast_in_dim3A_40 = vector.broadcast %broadcast_in_dim3A_39 : f32 to vector<1x128xf32>
      %swap3A_41 = arith.constant 0 : index
      %swap3A_42 = arith.constant 0 : index
      %swap3A_43 = vector.load %arg8[%swap3A_41, %swap3A_42] : memref<1x128xf32, #tpu.memory_space<vmem>>, vector<1x128xf32>
      tpu.vector_store %arg8[%swap3A_41, %swap3A_42], %broadcast_in_dim3A_40 {strides = array<i32>} : memref<1x128xf32, #tpu.memory_space<vmem>>, vector<1x128xf32>,
    } else {
    }
    %get3A_31 = arith.constant 0 : index
    %get3A_32 = arith.constant 0 : index
    %get3A_33 = vector.load %arg8[%get3A_31, %get3A_32] : memref<1x128xf32, #tpu.memory_space<vmem>>, vector<1x128xf32>
    %reduce_sum3A = arith.constant dense<0.000000e+00> : vector<128xf32>
    %reduce_sum3A_34 = vector.multi_reduction <add>, %select_n3A, %reduce_sum3A [0] : vector<256x128xf32> to vector<128xf32>
    %broadcast_in_dim3A = vector.shape_cast %reduce_sum3A_34 : vector<128xf32> to vector<1x128xf32>
    %add3A_35 = arith.addf %get3A_33, %broadcast_in_dim3A : vector<1x128xf32>
    %swap3A_36 = arith.constant 0 : index
    %swap3A_37 = arith.constant 0 : index
    %swap3A_38 = vector.load %arg8[%swap3A_36, %swap3A_37] : memref<1x128xf32, #tpu.memory_space<vmem>>, vector<1x128xf32>
    tpu.vector_store %arg8[%swap3A_36, %swap3A_37], %add3A_35 {strides = array<i32>} : memref<1x128xf32, #tpu.memory_space<vmem>>, vector<1x128xf32>,
    return
  }
  func.func @transform_0(%arg0: i32) -> (i32, i32) {
    %c0_i32 = arith.constant 0 : i32
    %c0_i32_0 = arith.constant 0 : i32
    return %arg0, %c0_i32 : i32, i32
  }
  func.func @transform_1(%arg0: i32) -> (i32, i32) {
    %c0_i32 = arith.constant 0 : i32
    %c0_i32_0 = arith.constant 0 : i32
    %c0_i32_1 = arith.constant 0 : i32
    return %c0_i32, %c0_i32_0 : i32, i32
  }
  func.func @transform_2(%arg0: i32) -> (i32, i32) {
    %c0_i32 = arith.constant 0 : i32
    %c0_i32_0 = arith.constant 0 : i32
    %c0_i32_1 = arith.constant 0 : i32
    return %c0_i32, %c0_i32_0 : i32, i32
  }
  func.func @transform_3(%arg0: i32) -> (i32, i32) {
    %c0_i32 = arith.constant 0 : i32
    %c0_i32_0 = arith.constant 0 : i32
    %c0_i32_1 = arith.constant 0 : i32
    return %c0_i32, %c0_i32_0 : i32, i32
  }
  func.func @transform_4(%arg0: i32) -> (i32, i32) {
    %c0_i32 = arith.constant 0 : i32
    %c0_i32_0 = arith.constant 0 : i32
    %c0_i32_1 = arith.constant 0 : i32
    return %c0_i32, %c0_i32_0 : i32, i32
  }
  func.func @transform_5(%arg0: i32) -> (i32, i32) {
    %c0_i32 = arith.constant 0 : i32
    %c0_i32_0 = arith.constant 0 : i32
    return %arg0, %c0_i32 : i32, i32
  }
  func.func @transform_6(%arg0: i32) -> (i32, i32) {
    %c0_i32 = arith.constant 0 : i32
    %c0_i32_0 = arith.constant 0 : i32
    return %arg0, %c0_i32 : i32, i32
  }
  func.func @transform_7(%arg0: i32) -> (i32, i32) {
    %c0_i32 = arith.constant 0 : i32
    %c0_i32_0 = arith.constant 0 : i32
    %c0_i32_1 = arith.constant 0 : i32
    return %c0_i32, %c0_i32_0 : i32, i32
  }
}

module attributes {stable_mosaic.version = 14 : i64} {
  func.func @_s5_body(%arg0: i32, %arg1: memref<256x128xf32, #tpu.memory_space<vmem>>, %arg2: memref<2048x128xf32, #tpu.memory_space<vmem>>, %arg3: memref<256x8xf32, #tpu.memory_space<vmem>>, %arg4: memref<128x128xf32, #tpu.memory_space<vmem>>, %arg5: memref<1x128xf32, #tpu.memory_space<vmem>>, %arg6: memref<128x128xf32, #tpu.memory_space<vmem>>, %arg7: memref<1x128xf32, #tpu.memory_space<vmem>>, %arg8: memref<128x64xf32, #tpu.memory_space<vmem>>, %arg9: memref<1x64xf32, #tpu.memory_space<vmem>>, %arg10: memref<1x64xf32, #tpu.memory_space<vmem>>, %arg11: memref<1x1xf32, #tpu.memory_space<vmem>>, %arg12: memref<256x128xf32, #tpu.memory_space<vmem>>, %arg13: memref<1x256xf32, #tpu.memory_space<vmem>>) attributes {dimension_semantics = [#tpu.dimension_semantics<arbitrary>], iteration_bounds = array<i64: 32>, scalar_prefetch = 0 : i64, scratch_operands = 0 : i64, tpu.core_type = #tpu.core_type<tc>, window_params = [{transform_indices = @transform_0, window_bounds = array<i64: 256, 128>}, {transform_indices = @transform_1, window_bounds = array<i64: 2048, 128>}, {transform_indices = @transform_2, window_bounds = array<i64: 256, 8>}, {pipeline_mode = #tpu.pipeline_mode<synchronous>, transform_indices = @transform_3, window_bounds = array<i64: 128, 128>}, {pipeline_mode = #tpu.pipeline_mode<synchronous>, transform_indices = @transform_4, window_bounds = array<i64: 1, 128>}, {pipeline_mode = #tpu.pipeline_mode<synchronous>, transform_indices = @transform_5, window_bounds = array<i64: 128, 128>}, {pipeline_mode = #tpu.pipeline_mode<synchronous>, transform_indices = @transform_6, window_bounds = array<i64: 1, 128>}, {pipeline_mode = #tpu.pipeline_mode<synchronous>, transform_indices = @transform_7, window_bounds = array<i64: 128, 64>}, {pipeline_mode = #tpu.pipeline_mode<synchronous>, transform_indices = @transform_8, window_bounds = array<i64: 1, 64>}, {pipeline_mode = #tpu.pipeline_mode<synchronous>, transform_indices = @transform_9, window_bounds = array<i64: 1, 64>}, {pipeline_mode = #tpu.pipeline_mode<synchronous>, transform_indices = @transform_10, window_bounds = array<i64: 1, 1>}, {transform_indices = @transform_11, window_bounds = array<i64: 256, 128>}, {transform_indices = @transform_12, window_bounds = array<i64: 1, 256>}]} {
    %get3A = arith.constant 0 : index
    %get3A_0 = arith.constant 0 : index
    %get3A_1 = vector.load %arg1[%get3A, %get3A_0] : memref<256x128xf32, #tpu.memory_space<vmem>>, vector<256x128xf32>
    %get3A_2 = arith.constant 0 : index
    %get3A_3 = arith.constant 0 : index
    %get3A_4 = vector.load %arg2[%get3A_2, %get3A_3] : memref<2048x128xf32, #tpu.memory_space<vmem>>, vector<2048x128xf32>
    %reshape3A = vector.shape_cast %get3A_4 : vector<2048x128xf32> to vector<256x8x128xf32>
    %get3A_5 = arith.constant 0 : index
    %get3A_6 = arith.constant 0 : index
    %get3A_7 = vector.load %arg3[%get3A_5, %get3A_6] : memref<256x8xf32, #tpu.memory_space<vmem>>, vector<256x8xf32>
    %reduce_max3A = arith.constant dense<0xFF800000> : vector<256xf32>
    %reduce_max3A_8 = vector.multi_reduction <maximumf>, %get3A_7, %reduce_max3A [1] : vector<256x8xf32> to vector<256xf32>
    %broadcast_in_dim3A = vector.shape_cast %reduce_max3A_8 : vector<256xf32> to vector<256x1xf32>
    %sub3A = vector.broadcast %broadcast_in_dim3A : vector<256x1xf32> to vector<256x8xf32>
    %sub3A_9 = arith.subf %get3A_7, %sub3A : vector<256x8xf32>
    %exp3A = math.exp %sub3A_9 : vector<256x8xf32>
    %reduce_sum3A = arith.constant dense<0.000000e+00> : vector<256xf32>
    %reduce_sum3A_10 = vector.multi_reduction <add>, %exp3A, %reduce_sum3A [1] : vector<256x8xf32> to vector<256xf32>
    %broadcast_in_dim3A_11 = vector.shape_cast %reduce_sum3A_10 : vector<256xf32> to vector<256x1xf32>
    %div3A = vector.broadcast %broadcast_in_dim3A_11 : vector<256x1xf32> to vector<256x8xf32>
    %div3A_12 = arith.divf %exp3A, %div3A : vector<256x8xf32>
    %broadcast_in_dim3A_13 = vector.shape_cast %get3A_1 : vector<256x128xf32> to vector<256x1x128xf32>
    %broadcast_in_dim3A_14 = vector.shape_cast %div3A_12 : vector<256x8xf32> to vector<256x8x1xf32>
    %mul3A = vector.broadcast %broadcast_in_dim3A_14 : vector<256x8x1xf32> to vector<256x8x128xf32>
    %mul3A_15 = arith.mulf %mul3A, %reshape3A : vector<256x8x128xf32>
    %sub3A_16 = arith.constant 1.000000e+00 : f32
    %sub3A_17 = vector.broadcast %sub3A_16 : f32 to vector<256x8xf32>
    %sub3A_18 = arith.subf %sub3A_17, %div3A_12 : vector<256x8xf32>
    %broadcast_in_dim3A_19 = vector.shape_cast %sub3A_18 : vector<256x8xf32> to vector<256x8x1xf32>
    %mul3A_20 = vector.broadcast %broadcast_in_dim3A_19 : vector<256x8x1xf32> to vector<256x8x128xf32>
    %mul3A_21 = vector.broadcast %broadcast_in_dim3A_13 : vector<256x1x128xf32> to vector<256x8x128xf32>
    %mul3A_22 = arith.mulf %mul3A_20, %mul3A_21 : vector<256x8x128xf32>
    %add3A = arith.addf %mul3A_15, %mul3A_22 : vector<256x8x128xf32>
    %add3A_23 = vector.broadcast %broadcast_in_dim3A_13 : vector<256x1x128xf32> to vector<256x8x128xf32>
    %add3A_24 = arith.addf %add3A_23, %add3A : vector<256x8x128xf32>
    %tanh3A = math.tanh %add3A_24 : vector<256x8x128xf32>
    %reduce_sum3A_25 = arith.constant dense<0.000000e+00> : vector<256x8xf32>
    %reduce_sum3A_26 = vector.multi_reduction <add>, %reshape3A, %reduce_sum3A_25 [2] : vector<256x8x128xf32> to vector<256x8xf32>
    %reduce_sum3A_27 = arith.constant dense<0.000000e+00> : vector<256x8xf32>
    %reduce_sum3A_28 = vector.multi_reduction <add>, %tanh3A, %reduce_sum3A_27 [2] : vector<256x8x128xf32> to vector<256x8xf32>
    %mul3A_29 = arith.mulf %reduce_sum3A_26, %reduce_sum3A_28 : vector<256x8xf32>
    %reduce_max3A_30 = arith.constant dense<0xFF800000> : vector<256xf32>
    %reduce_max3A_31 = vector.multi_reduction <maximumf>, %mul3A_29, %reduce_max3A_30 [1] : vector<256x8xf32> to vector<256xf32>
    %broadcast_in_dim3A_32 = vector.shape_cast %reduce_max3A_31 : vector<256xf32> to vector<256x1xf32>
    %sub3A_33 = vector.broadcast %broadcast_in_dim3A_32 : vector<256x1xf32> to vector<256x8xf32>
    %sub3A_34 = arith.subf %mul3A_29, %sub3A_33 : vector<256x8xf32>
    %exp3A_35 = math.exp %sub3A_34 : vector<256x8xf32>
    %reduce_sum3A_36 = arith.constant dense<0.000000e+00> : vector<256xf32>
    %reduce_sum3A_37 = vector.multi_reduction <add>, %exp3A_35, %reduce_sum3A_36 [1] : vector<256x8xf32> to vector<256xf32>
    %broadcast_in_dim3A_38 = vector.shape_cast %reduce_sum3A_37 : vector<256xf32> to vector<256x1xf32>
    %div3A_39 = vector.broadcast %broadcast_in_dim3A_38 : vector<256x1xf32> to vector<256x8xf32>
    %div3A_40 = arith.divf %exp3A_35, %div3A_39 : vector<256x8xf32>
    %broadcast_in_dim3A_41 = vector.shape_cast %div3A_40 : vector<256x8xf32> to vector<256x8x1xf32>
    %mul3A_42 = vector.broadcast %broadcast_in_dim3A_41 : vector<256x8x1xf32> to vector<256x8x128xf32>
    %mul3A_43 = arith.mulf %mul3A_42, %reshape3A : vector<256x8x128xf32>
    %reduce_sum3A_44 = arith.constant dense<0.000000e+00> : vector<256x128xf32>
    %reduce_sum3A_45 = vector.multi_reduction <add>, %mul3A_43, %reduce_sum3A_44 [1] : vector<256x8x128xf32> to vector<256x128xf32>
    %add3A_46 = arith.addf %get3A_1, %reduce_sum3A_45 : vector<256x128xf32>
    %get3A_47 = arith.constant 0 : index
    %get3A_48 = arith.constant 0 : index
    %get3A_49 = vector.load %arg4[%get3A_47, %get3A_48] : memref<128x128xf32, #tpu.memory_space<vmem>>, vector<128x128xf32>
    %dot_general3A = arith.constant dense<0.000000e+00> : vector<256x128xf32>
    %dot_general3A_50 = tpu.matmul %add3A_46, %get3A_49, %dot_general3A {dimension_numbers = #tpu.dot_dimension_numbers<[1], [0], [0], [1], [0, 0, 1, 1], [], []>, transpose_lhs_hint = false} : vector<256x128xf32>, vector<128x128xf32>, vector<256x128xf32> -> vector<256x128xf32>
    %get3A_51 = arith.constant 0 : index
    %get3A_52 = arith.constant 0 : index
    %get3A_53 = vector.load %arg5[%get3A_51, %get3A_52] : memref<1x128xf32, #tpu.memory_space<vmem>>, vector<1x128xf32>
    %add3A_54 = vector.broadcast %get3A_53 : vector<1x128xf32> to vector<256x128xf32>
    %add3A_55 = arith.addf %dot_general3A_50, %add3A_54 : vector<256x128xf32>
    %ge3A = arith.constant 0.000000e+00 : f32
    %ge3A_56 = vector.broadcast %ge3A : f32 to vector<256x128xf32>
    %ge3A_57 = arith.cmpf oge, %add3A_55, %ge3A_56 : vector<256x128xf32>
    %mul3A_58 = arith.constant 0.00999999977 : f32
    %mul3A_59 = vector.broadcast %mul3A_58 : f32 to vector<256x128xf32>
    %mul3A_60 = arith.mulf %mul3A_59, %add3A_55 : vector<256x128xf32>
    %select_n3A = arith.select %ge3A_57, %add3A_55, %mul3A_60 : vector<256x128xi1>, vector<256x128xf32>
    %mul3A_61 = arith.mulf %get3A_1, %reduce_sum3A_45 : vector<256x128xf32>
    %get3A_62 = arith.constant 0 : index
    %get3A_63 = arith.constant 0 : index
    %get3A_64 = vector.load %arg6[%get3A_62, %get3A_63] : memref<128x128xf32, #tpu.memory_space<vmem>>, vector<128x128xf32>
    %dot_general3A_65 = arith.constant dense<0.000000e+00> : vector<256x128xf32>
    %dot_general3A_66 = tpu.matmul %mul3A_61, %get3A_64, %dot_general3A_65 {dimension_numbers = #tpu.dot_dimension_numbers<[1], [0], [0], [1], [0, 0, 1, 1], [], []>, transpose_lhs_hint = false} : vector<256x128xf32>, vector<128x128xf32>, vector<256x128xf32> -> vector<256x128xf32>
    %get3A_67 = arith.constant 0 : index
    %get3A_68 = arith.constant 0 : index
    %get3A_69 = vector.load %arg7[%get3A_67, %get3A_68] : memref<1x128xf32, #tpu.memory_space<vmem>>, vector<1x128xf32>
    %add3A_70 = vector.broadcast %get3A_69 : vector<1x128xf32> to vector<256x128xf32>
    %add3A_71 = arith.addf %dot_general3A_66, %add3A_70 : vector<256x128xf32>
    %ge3A_72 = arith.constant 0.000000e+00 : f32
    %ge3A_73 = vector.broadcast %ge3A_72 : f32 to vector<256x128xf32>
    %ge3A_74 = arith.cmpf oge, %add3A_71, %ge3A_73 : vector<256x128xf32>
    %mul3A_75 = arith.constant 0.00999999977 : f32
    %mul3A_76 = vector.broadcast %mul3A_75 : f32 to vector<256x128xf32>
    %mul3A_77 = arith.mulf %mul3A_76, %add3A_71 : vector<256x128xf32>
    %select_n3A_78 = arith.select %ge3A_74, %add3A_71, %mul3A_77 : vector<256x128xi1>, vector<256x128xf32>
    %add3A_79 = arith.addf %select_n3A, %select_n3A_78 : vector<256x128xf32>
    %swap3A = arith.constant 0 : index
    %swap3A_80 = arith.constant 0 : index
    %swap3A_81 = vector.load %arg12[%swap3A, %swap3A_80] : memref<256x128xf32, #tpu.memory_space<vmem>>, vector<256x128xf32>
    tpu.vector_store %arg12[%swap3A, %swap3A_80], %add3A_79 {strides = array<i32>} : memref<256x128xf32, #tpu.memory_space<vmem>>, vector<256x128xf32>,
    %get3A_82 = arith.constant 0 : index
    %get3A_83 = arith.constant 0 : index
    %get3A_84 = vector.load %arg8[%get3A_82, %get3A_83] : memref<128x64xf32, #tpu.memory_space<vmem>>, vector<128x64xf32>
    %dot_general3A_85 = arith.constant dense<0.000000e+00> : vector<256x64xf32>
    %dot_general3A_86 = tpu.matmul %add3A_79, %get3A_84, %dot_general3A_85 {dimension_numbers = #tpu.dot_dimension_numbers<[1], [0], [0], [1], [0, 0, 1, 1], [], []>, transpose_lhs_hint = false} : vector<256x128xf32>, vector<128x64xf32>, vector<256x64xf32> -> vector<256x64xf32>
    %get3A_87 = arith.constant 0 : index
    %get3A_88 = arith.constant 0 : index
    %get3A_89 = vector.load %arg9[%get3A_87, %get3A_88] : memref<1x64xf32, #tpu.memory_space<vmem>>, vector<1x64xf32>
    %add3A_90 = vector.broadcast %get3A_89 : vector<1x64xf32> to vector<256x64xf32>
    %add3A_91 = arith.addf %dot_general3A_86, %add3A_90 : vector<256x64xf32>
    %ge3A_92 = arith.constant 0.000000e+00 : f32
    %ge3A_93 = vector.broadcast %ge3A_92 : f32 to vector<256x64xf32>
    %ge3A_94 = arith.cmpf oge, %add3A_91, %ge3A_93 : vector<256x64xf32>
    %mul3A_95 = arith.constant 0.00999999977 : f32
    %mul3A_96 = vector.broadcast %mul3A_95 : f32 to vector<256x64xf32>
    %mul3A_97 = arith.mulf %mul3A_96, %add3A_91 : vector<256x64xf32>
    %select_n3A_98 = arith.select %ge3A_94, %add3A_91, %mul3A_97 : vector<256x64xi1>, vector<256x64xf32>
    %get3A_99 = arith.constant 0 : index
    %get3A_100 = arith.constant 0 : index
    %get3A_101 = vector.load %arg10[%get3A_99, %get3A_100] : memref<1x64xf32, #tpu.memory_space<vmem>>, vector<1x64xf32>
    %dot_general3A_102 = arith.constant dense<0.000000e+00> : vector<1x256xf32>
    %dot_general3A_103 = tpu.matmul %get3A_101, %select_n3A_98, %dot_general3A_102 {dimension_numbers = #tpu.dot_dimension_numbers<[1], [1], [0], [0], [0, 0, 1, 0], [], []>, transpose_lhs_hint = false} : vector<1x64xf32>, vector<256x64xf32>, vector<1x256xf32> -> vector<1x256xf32>
    %get3A_104 = arith.constant 0 : index
    %get3A_105 = arith.constant 0 : index
    %get3A_106 = vector.load %arg11[%get3A_104, %get3A_105] : memref<1x1xf32, #tpu.memory_space<vmem>>, vector<1x1xf32>
    %add3A_107 = vector.broadcast %get3A_106 : vector<1x1xf32> to vector<1x256xf32>
    %add3A_108 = arith.addf %dot_general3A_103, %add3A_107 : vector<1x256xf32>
    %swap3A_109 = arith.constant 0 : index
    %swap3A_110 = arith.constant 0 : index
    %swap3A_111 = vector.load %arg13[%swap3A_109, %swap3A_110] : memref<1x256xf32, #tpu.memory_space<vmem>>, vector<1x256xf32>
    tpu.vector_store %arg13[%swap3A_109, %swap3A_110], %add3A_108 {strides = array<i32>} : memref<1x256xf32, #tpu.memory_space<vmem>>, vector<1x256xf32>,
    return
  }
  func.func @transform_0(%arg0: i32) -> (i32, i32) {
    %c0_i32 = arith.constant 0 : i32
    %c0_i32_0 = arith.constant 0 : i32
    return %arg0, %c0_i32 : i32, i32
  }
  func.func @transform_1(%arg0: i32) -> (i32, i32) {
    %c0_i32 = arith.constant 0 : i32
    %c0_i32_0 = arith.constant 0 : i32
    return %arg0, %c0_i32 : i32, i32
  }
  func.func @transform_2(%arg0: i32) -> (i32, i32) {
    %c0_i32 = arith.constant 0 : i32
    %c0_i32_0 = arith.constant 0 : i32
    return %arg0, %c0_i32 : i32, i32
  }
  func.func @transform_3(%arg0: i32) -> (i32, i32) {
    %c0_i32 = arith.constant 0 : i32
    %c0_i32_0 = arith.constant 0 : i32
    %c0_i32_1 = arith.constant 0 : i32
    return %c0_i32, %c0_i32_0 : i32, i32
  }
  func.func @transform_4(%arg0: i32) -> (i32, i32) {
    %c0_i32 = arith.constant 0 : i32
    %c0_i32_0 = arith.constant 0 : i32
    %c0_i32_1 = arith.constant 0 : i32
    return %c0_i32, %c0_i32_0 : i32, i32
  }
  func.func @transform_5(%arg0: i32) -> (i32, i32) {
    %c0_i32 = arith.constant 0 : i32
    %c0_i32_0 = arith.constant 0 : i32
    %c0_i32_1 = arith.constant 0 : i32
    return %c0_i32, %c0_i32_0 : i32, i32
  }
  func.func @transform_6(%arg0: i32) -> (i32, i32) {
    %c0_i32 = arith.constant 0 : i32
    %c0_i32_0 = arith.constant 0 : i32
    %c0_i32_1 = arith.constant 0 : i32
    return %c0_i32, %c0_i32_0 : i32, i32
  }
  func.func @transform_7(%arg0: i32) -> (i32, i32) {
    %c0_i32 = arith.constant 0 : i32
    %c0_i32_0 = arith.constant 0 : i32
    %c0_i32_1 = arith.constant 0 : i32
    return %c0_i32, %c0_i32_0 : i32, i32
  }
  func.func @transform_8(%arg0: i32) -> (i32, i32) {
    %c0_i32 = arith.constant 0 : i32
    %c0_i32_0 = arith.constant 0 : i32
    %c0_i32_1 = arith.constant 0 : i32
    return %c0_i32, %c0_i32_0 : i32, i32
  }
  func.func @transform_9(%arg0: i32) -> (i32, i32) {
    %c0_i32 = arith.constant 0 : i32
    %c0_i32_0 = arith.constant 0 : i32
    %c0_i32_1 = arith.constant 0 : i32
    return %c0_i32, %c0_i32_0 : i32, i32
  }
  func.func @transform_10(%arg0: i32) -> (i32, i32) {
    %c0_i32 = arith.constant 0 : i32
    %c0_i32_0 = arith.constant 0 : i32
    %c0_i32_1 = arith.constant 0 : i32
    return %c0_i32, %c0_i32_0 : i32, i32
  }
  func.func @transform_11(%arg0: i32) -> (i32, i32) {
    %c0_i32 = arith.constant 0 : i32
    %c0_i32_0 = arith.constant 0 : i32
    return %arg0, %c0_i32 : i32, i32
  }
  func.func @transform_12(%arg0: i32) -> (i32, i32) {
    %c0_i32 = arith.constant 0 : i32
    %c0_i32_0 = arith.constant 0 : i32
    return %c0_i32, %arg0 : i32, i32
  }
}

module attributes {stable_mosaic.version = 14 : i64} {
  func.func @_s6_body(%arg0: i32, %arg1: memref<1x8192xf32, #tpu.memory_space<vmem>>, %arg2: memref<8192x128xf32, #tpu.memory_space<vmem>>, %arg3: memref<1x128xf32, #tpu.memory_space<vmem>>, %arg4: memref<1x128xf32, #tpu.memory_space<vmem>>, %arg5: memref<128x2xf32, #tpu.memory_space<vmem>>, %arg6: memref<1x2xf32, #tpu.memory_space<vmem>>, %arg7: memref<1x2xf32, #tpu.memory_space<vmem>>, %arg8: memref<1x2xf32, #tpu.memory_space<vmem>>, %arg9: memref<1x1xi32, #tpu.memory_space<vmem>>) attributes {dimension_semantics = [#tpu.dimension_semantics<arbitrary>], iteration_bounds = array<i64: 1>, scalar_prefetch = 0 : i64, scratch_operands = 0 : i64, tpu.core_type = #tpu.core_type<tc>, window_params = [{pipeline_mode = #tpu.pipeline_mode<synchronous>, transform_indices = @transform_0, window_bounds = array<i64: 1, 8192>}, {pipeline_mode = #tpu.pipeline_mode<synchronous>, transform_indices = @transform_1, window_bounds = array<i64: 8192, 128>}, {pipeline_mode = #tpu.pipeline_mode<synchronous>, transform_indices = @transform_2, window_bounds = array<i64: 1, 128>}, {pipeline_mode = #tpu.pipeline_mode<synchronous>, transform_indices = @transform_3, window_bounds = array<i64: 1, 128>}, {pipeline_mode = #tpu.pipeline_mode<synchronous>, transform_indices = @transform_4, window_bounds = array<i64: 128, 2>}, {pipeline_mode = #tpu.pipeline_mode<synchronous>, transform_indices = @transform_5, window_bounds = array<i64: 1, 2>}, {pipeline_mode = #tpu.pipeline_mode<synchronous>, transform_indices = @transform_6, window_bounds = array<i64: 1, 2>}, {pipeline_mode = #tpu.pipeline_mode<synchronous>, transform_indices = @transform_7, window_bounds = array<i64: 1, 2>}, {pipeline_mode = #tpu.pipeline_mode<synchronous>, transform_indices = @transform_8, window_bounds = array<i64: 1, 1>}]} {
    %get3A = arith.constant 0 : index
    %get3A_0 = arith.constant 0 : index
    %get3A_1 = vector.load %arg1[%get3A, %get3A_0] : memref<1x8192xf32, #tpu.memory_space<vmem>>, vector<1x8192xf32>
    %reduce_max3A = vector.shape_cast %get3A_1 : vector<1x8192xf32> to vector<1x1x8192xf32>
    %reduce_max3A_2 = arith.constant dense<0xFF800000> : vector<1xf32>
    %reduce_max3A_3 = vector.multi_reduction <maximumf>, %reduce_max3A, %reduce_max3A_2 [1, 2] : vector<1x1x8192xf32> to vector<1xf32>
    %reduce_max3A_4 = vector.shape_cast %reduce_max3A_3 : vector<1xf32> to vector<1x1x1xf32>
    %reduce_max3A_5 = vector.extract %reduce_max3A_4[0, 0, 0] : f32 from vector<1x1x1xf32>
    %sub3A = vector.broadcast %reduce_max3A_5 : f32 to vector<1x8192xf32>
    %sub3A_6 = arith.subf %get3A_1, %sub3A : vector<1x8192xf32>
    %exp3A = math.exp %sub3A_6 : vector<1x8192xf32>
    %reduce_sum3A = vector.shape_cast %exp3A : vector<1x8192xf32> to vector<1x1x8192xf32>
    %reduce_sum3A_7 = arith.constant dense<0.000000e+00> : vector<1xf32>
    %reduce_sum3A_8 = vector.multi_reduction <add>, %reduce_sum3A, %reduce_sum3A_7 [1, 2] : vector<1x1x8192xf32> to vector<1xf32>
    %reduce_sum3A_9 = vector.shape_cast %reduce_sum3A_8 : vector<1xf32> to vector<1x1x1xf32>
    %reduce_sum3A_10 = vector.extract %reduce_sum3A_9[0, 0, 0] : f32 from vector<1x1x1xf32>
    %div3A = vector.broadcast %reduce_sum3A_10 : f32 to vector<1x8192xf32>
    %div3A_11 = arith.divf %exp3A, %div3A : vector<1x8192xf32>
    %get3A_12 = arith.constant 0 : index
    %get3A_13 = arith.constant 0 : index
    %get3A_14 = vector.load %arg2[%get3A_12, %get3A_13] : memref<8192x128xf32, #tpu.memory_space<vmem>>, vector<8192x128xf32>
    %dot_general3A = arith.constant dense<0.000000e+00> : vector<1x128xf32>
    %dot_general3A_15 = tpu.matmul %div3A_11, %get3A_14, %dot_general3A {dimension_numbers = #tpu.dot_dimension_numbers<[1], [0], [0], [1], [0, 0, 1, 1], [], []>, transpose_lhs_hint = false} : vector<1x8192xf32>, vector<8192x128xf32>, vector<1x128xf32> -> vector<1x128xf32>
    %reduce_sum3A_16 = arith.constant dense<0.000000e+00> : vector<1xf32>
    %reduce_sum3A_17 = vector.multi_reduction <add>, %dot_general3A_15, %reduce_sum3A_16 [1] : vector<1x128xf32> to vector<1xf32>
    %broadcast_in_dim3A = vector.shape_cast %reduce_sum3A_17 : vector<1xf32> to vector<1x1xf32>
    %div3A_18 = arith.constant 1.280000e+02 : f32
    %div3A_19 = vector.broadcast %div3A_18 : f32 to vector<1x1xf32>
    %div3A_20 = arith.divf %broadcast_in_dim3A, %div3A_19 : vector<1x1xf32>
    %sub3A_21 = vector.broadcast %div3A_20 : vector<1x1xf32> to vector<1x128xf32>
    %sub3A_22 = arith.subf %dot_general3A_15, %sub3A_21 : vector<1x128xf32>
    %integer_pow3A = arith.mulf %sub3A_22, %sub3A_22 : vector<1x128xf32>
    %reduce_sum3A_23 = arith.constant dense<0.000000e+00> : vector<1xf32>
    %reduce_sum3A_24 = vector.multi_reduction <add>, %integer_pow3A, %reduce_sum3A_23 [1] : vector<1x128xf32> to vector<1xf32>
    %broadcast_in_dim3A_25 = vector.shape_cast %reduce_sum3A_24 : vector<1xf32> to vector<1x1xf32>
    %div3A_26 = arith.constant 1.280000e+02 : f32
    %div3A_27 = vector.broadcast %div3A_26 : f32 to vector<1x1xf32>
    %div3A_28 = arith.divf %broadcast_in_dim3A_25, %div3A_27 : vector<1x1xf32>
    %sub3A_29 = vector.broadcast %div3A_20 : vector<1x1xf32> to vector<1x128xf32>
    %sub3A_30 = arith.subf %dot_general3A_15, %sub3A_29 : vector<1x128xf32>
    %add3A = arith.constant 9.99999974E-6 : f32
    %add3A_31 = vector.broadcast %add3A : f32 to vector<1x1xf32>
    %add3A_32 = arith.addf %div3A_28, %add3A_31 : vector<1x1xf32>
    %sqrt3A = math.sqrt %add3A_32 : vector<1x1xf32>
    %div3A_33 = vector.broadcast %sqrt3A : vector<1x1xf32> to vector<1x128xf32>
    %div3A_34 = arith.divf %sub3A_30, %div3A_33 : vector<1x128xf32>
    %get3A_35 = arith.constant 0 : index
    %get3A_36 = arith.constant 0 : index
    %get3A_37 = vector.load %arg3[%get3A_35, %get3A_36] : memref<1x128xf32, #tpu.memory_space<vmem>>, vector<1x128xf32>
    %mul3A = arith.mulf %div3A_34, %get3A_37 : vector<1x128xf32>
    %get3A_38 = arith.constant 0 : index
    %get3A_39 = arith.constant 0 : index
    %get3A_40 = vector.load %arg4[%get3A_38, %get3A_39] : memref<1x128xf32, #tpu.memory_space<vmem>>, vector<1x128xf32>
    %add3A_41 = arith.addf %mul3A, %get3A_40 : vector<1x128xf32>
    %get3A_42 = arith.constant 0 : index
    %get3A_43 = arith.constant 0 : index
    %get3A_44 = vector.load %arg5[%get3A_42, %get3A_43] : memref<128x2xf32, #tpu.memory_space<vmem>>, vector<128x2xf32>
    %dot_general3A_45 = arith.constant dense<0.000000e+00> : vector<1x2xf32>
    %dot_general3A_46 = tpu.matmul %add3A_41, %get3A_44, %dot_general3A_45 {dimension_numbers = #tpu.dot_dimension_numbers<[1], [0], [0], [1], [0, 0, 1, 1], [], []>, transpose_lhs_hint = false} : vector<1x128xf32>, vector<128x2xf32>, vector<1x2xf32> -> vector<1x2xf32>
    %get3A_47 = arith.constant 0 : index
    %get3A_48 = arith.constant 0 : index
    %get3A_49 = vector.load %arg6[%get3A_47, %get3A_48] : memref<1x2xf32, #tpu.memory_space<vmem>>, vector<1x2xf32>
    %add3A_50 = arith.addf %dot_general3A_46, %get3A_49 : vector<1x2xf32>
    %swap3A = arith.constant 0 : index
    %swap3A_51 = arith.constant 0 : index
    %swap3A_52 = vector.load %arg7[%swap3A, %swap3A_51] : memref<1x2xf32, #tpu.memory_space<vmem>>, vector<1x2xf32>
    tpu.vector_store %arg7[%swap3A, %swap3A_51], %add3A_50 {strides = array<i32>} : memref<1x2xf32, #tpu.memory_space<vmem>>, vector<1x2xf32>,
    %reduce_max3A_53 = arith.constant dense<0xFF800000> : vector<1xf32>
    %reduce_max3A_54 = vector.multi_reduction <maximumf>, %add3A_50, %reduce_max3A_53 [1] : vector<1x2xf32> to vector<1xf32>
    %broadcast_in_dim3A_55 = vector.shape_cast %reduce_max3A_54 : vector<1xf32> to vector<1x1xf32>
    %sub3A_56 = vector.broadcast %broadcast_in_dim3A_55 : vector<1x1xf32> to vector<1x2xf32>
    %sub3A_57 = arith.subf %add3A_50, %sub3A_56 : vector<1x2xf32>
    %exp3A_58 = math.exp %sub3A_57 : vector<1x2xf32>
    %reduce_sum3A_59 = arith.constant dense<0.000000e+00> : vector<1xf32>
    %reduce_sum3A_60 = vector.multi_reduction <add>, %exp3A_58, %reduce_sum3A_59 [1] : vector<1x2xf32> to vector<1xf32>
    %broadcast_in_dim3A_61 = vector.shape_cast %reduce_sum3A_60 : vector<1xf32> to vector<1x1xf32>
    %div3A_62 = vector.broadcast %broadcast_in_dim3A_61 : vector<1x1xf32> to vector<1x2xf32>
    %div3A_63 = arith.divf %exp3A_58, %div3A_62 : vector<1x2xf32>
    %swap3A_64 = arith.constant 0 : index
    %swap3A_65 = arith.constant 0 : index
    %swap3A_66 = vector.load %arg8[%swap3A_64, %swap3A_65] : memref<1x2xf32, #tpu.memory_space<vmem>>, vector<1x2xf32>
    tpu.vector_store %arg8[%swap3A_64, %swap3A_65], %div3A_63 {strides = array<i32>} : memref<1x2xf32, #tpu.memory_space<vmem>>, vector<1x2xf32>,
    %iota3A = tpu.iota {dimensions = array<i32: 1>} : vector<1x2xi32>
    %eq3A = vector.broadcast %broadcast_in_dim3A_55 : vector<1x1xf32> to vector<1x2xf32>
    %eq3A_67 = arith.cmpf oeq, %add3A_50, %eq3A : vector<1x2xf32>
    %jit3A = arith.constant 2 : i32
    %broadcast_in_dim3A_68 = vector.broadcast %jit3A : i32 to vector<1x2xi32>
    %select_n3A = arith.select %eq3A_67, %iota3A, %broadcast_in_dim3A_68 : vector<1x2xi1>, vector<1x2xi32>
    %reduce_min3A = arith.constant dense<2147483647> : vector<1xi32>
    %reduce_min3A_69 = vector.multi_reduction <minsi>, %select_n3A, %reduce_min3A [1] : vector<1x2xi32> to vector<1xi32>
    %broadcast_in_dim3A_70 = vector.shape_cast %reduce_min3A_69 : vector<1xi32> to vector<1x1xi32>
    %swap3A_71 = arith.constant 0 : index
    %swap3A_72 = arith.constant 0 : index
    %swap3A_73 = vector.load %arg9[%swap3A_71, %swap3A_72] : memref<1x1xi32, #tpu.memory_space<vmem>>, vector<1x1xi32>
    tpu.vector_store %arg9[%swap3A_71, %swap3A_72], %broadcast_in_dim3A_70 {strides = array<i32>} : memref<1x1xi32, #tpu.memory_space<vmem>>, vector<1x1xi32>,
    return
  }
  func.func @transform_0(%arg0: i32) -> (i32, i32) {
    %c0_i32 = arith.constant 0 : i32
    %c0_i32_0 = arith.constant 0 : i32
    %c0_i32_1 = arith.constant 0 : i32
    return %c0_i32, %c0_i32_0 : i32, i32
  }
  func.func @transform_1(%arg0: i32) -> (i32, i32) {
    %c0_i32 = arith.constant 0 : i32
    %c0_i32_0 = arith.constant 0 : i32
    %c0_i32_1 = arith.constant 0 : i32
    return %c0_i32, %c0_i32_0 : i32, i32
  }
  func.func @transform_2(%arg0: i32) -> (i32, i32) {
    %c0_i32 = arith.constant 0 : i32
    %c0_i32_0 = arith.constant 0 : i32
    %c0_i32_1 = arith.constant 0 : i32
    return %c0_i32, %c0_i32_0 : i32, i32
  }
  func.func @transform_3(%arg0: i32) -> (i32, i32) {
    %c0_i32 = arith.constant 0 : i32
    %c0_i32_0 = arith.constant 0 : i32
    %c0_i32_1 = arith.constant 0 : i32
    return %c0_i32, %c0_i32_0 : i32, i32
  }
  func.func @transform_4(%arg0: i32) -> (i32, i32) {
    %c0_i32 = arith.constant 0 : i32
    %c0_i32_0 = arith.constant 0 : i32
    %c0_i32_1 = arith.constant 0 : i32
    return %c0_i32, %c0_i32_0 : i32, i32
  }
  func.func @transform_5(%arg0: i32) -> (i32, i32) {
    %c0_i32 = arith.constant 0 : i32
    %c0_i32_0 = arith.constant 0 : i32
    %c0_i32_1 = arith.constant 0 : i32
    return %c0_i32, %c0_i32_0 : i32, i32
  }
  func.func @transform_6(%arg0: i32) -> (i32, i32) {
    %c0_i32 = arith.constant 0 : i32
    %c0_i32_0 = arith.constant 0 : i32
    %c0_i32_1 = arith.constant 0 : i32
    return %c0_i32, %c0_i32_0 : i32, i32
  }
  func.func @transform_7(%arg0: i32) -> (i32, i32) {
    %c0_i32 = arith.constant 0 : i32
    %c0_i32_0 = arith.constant 0 : i32
    %c0_i32_1 = arith.constant 0 : i32
    return %c0_i32, %c0_i32_0 : i32, i32
  }
  func.func @transform_8(%arg0: i32) -> (i32, i32) {
    %c0_i32 = arith.constant 0 : i32
    %c0_i32_0 = arith.constant 0 : i32
    %c0_i32_1 = arith.constant 0 : i32
    return %c0_i32, %c0_i32_0 : i32, i32
  }
}

</mosaic_0001>

<sc_bundles>
// kernel: kernel.8.cloned.1.call-start
scs
__scs_entry_jumppad:
0x0: {  	(pc) =	sbr.rel $0x88, $3  }
0x1: {  	(tag) =	ssettag $0x0;
	lr =	simm.s32 $0x1  }
0x2: {  	[smem:$0x3F8E] =	sst lr;
	_ =	strace $0xD0000000  }
0x3: {  	_ = 	snop  }
0x4: {  	_ = 	snop  }
0x5: {  	_ = 	snop  }
0x6: {  	_ = 	snop  }
0x7: {  	_ = 	snop  }
__scs_overlays_trampoline_lowered:
0x8: {  	[smem:$0x3F9D] =	sst s0  }
0x9: {  	[smem:$0x3F9E] =	sst s1  }
0xa: {  	[smem:$0x3F9F] =	sst s2  }
0xb: {  	[smem:$0x3FA0] =	sst s3  }
0xc: {  	[smem:$0x3FA1] =	sst s4  }
0xd: {  	[smem:$0x3FA2] =	sst s5  }
0xe: {  	[smem:$0x3FA3] =	sst s6  }
0xf: {  	[smem:$0x3FA4] =	sst s7  }
0x10: {  	[smem:$0x3FA5] =	sst s8  }
0x11: {  	[smem:$0x3FA6] =	sst s9;
	s0 =	simm.s32 @!p0 $0x0  }
0x12: {  	s1 =	sld [smem:$0x3F8C];
	s0 =	simm.s32 @p0 $0x1  }
0x13: {  	[smem:$0x3FA7] =	sst s0;
	s0 =	simm.s32 @!p1 $0x0  }
0x14: {  	s2 =	sld [smem:$0x3F8B];
	s0 =	simm.s32 @p1 $0x1  }
0x15: {  	[smem:$0x3FA8] =	sst s0;
	s0 =	simm.s32 @!p2 $0x0  }
0x16: {  	s3 =	sld [smem:$0x3FDB];
	s0 =	simm.s32 @p2 $0x1  }
0x17: {  	s4 =	simm.s32 $0x1BF5;
	[smem:$0x3FAA] =	sst s0  }
0x18: {  	s0 =	sld [smem:$0x3F8D];
	_ =	swait.ge [sflag:s4], $0x0  }
0x19: {  	s7 =	sld [smem:$0x3F8E]  }
0x1a: {  	s8 =	sadd.s32 $0xFFFFE003, lr  }
0x1b: {  	s9 =	sadd.s32 $0xFFFFFEF7, lr;
	s5 =	simm.s32 $0xFFFFFFFF;
	p2 =	slt.u32 s8, $0xFFFFF086  }
0x1c: {  	p1 =	slt.u32 s9, $0xF7A;
	s5 =	simm.s32 @!p2 $0x0  }
0x1d: {  	s5 =	simm.s32 @p1 $0x1;
	p0 =	seq.s32 s7, s2  }
0x1e: {  	s7 =	smul.u32 @!p0 $0xF7A, s2;
	p2 =	seq.s32 @!p0 s5, $0x0  }
0x1f: {  	s9 =	smul.u32 $0xF7A, s1;
	s8 =	simm.s32 @!p0 $0x1BF5;
	p2 =	por !p2, p0  }
0x20: {  	[sflag:s8] =	ssyncset.s32 @!p0 $0xFFFFF086;
	s6 =	sadd.s32 @!p0 s3, s7;
	s7 =	simm.s32 @!p0 $0x108  }
0x21: {  	s3 =	sadd.s32 s3, s9;
	s6 =	sadd.s32 @!p0 $0x88, s6;
	s7 =	simm.s32 @p2 $0x1082  }
0x22: {  	[simem:s7], [sflag:s8] =	dma.local @!p0 [hbm:s6], $0xF7A  }
0x23: {  	s9 =	sor.u32 $0xD0000000, s2;
	s6 =	simm.s32 $0x108;
	_ =	swait.ge @!p0 [sflag:s8], $0x0  }
0x24: {  	s3 =	sadd.s32 $0x88, s3;
	s6 =	simm.s32 @!p1 $0x1082;
	[sflag:s4] =	ssyncset.s32 $0xFFFFF086  }
0x25: {  	[simem:s6], [sflag:s4] =	dma.local [hbm:s3], $0xF7A  }
0x26: {  	[smem:$0x3F8E] =	sst s1;
	(tag) =	ssettag s2;
	_ =	strace s9  }
0x27: {  	s1 =	sld [smem:$0x3F9E]  }
0x28: {  	s2 =	sld [smem:$0x3F9F]  }
0x29: {  	s4 =	sld [smem:$0x3FA1]  }
0x2a: {  	p0 =	seq.s32 s5, $0x0;
	s5 =	sld [smem:$0x3FA2]  }
0x2b: {  	s6 =	sld [smem:$0x3FA3]  }
0x2c: {  	s7 =	sld [smem:$0x3FA4]  }
0x2d: {  	s3 =	simm.s32 $0x108;
	s8 =	sld [smem:$0x3FA5]  }
0x2e: {  	s3 =	simm.s32 @!p0 $0x1082;
	s9 =	sld [smem:$0x3FA6]  }
0x2f: {  	lr =	sadd.s32 s0, s3;
	s0 =	sld [smem:$0x3F9D]  }
0x30: {  	s3 =	sld [smem:$0x3FA0]  }
0x31: {  	[smem:$0x3FA9] =	sst s10  }
0x32: {  	s10 =	sld [smem:$0x3FA7];
	_ =	sdelay $0x3  }
0x33: {  	p0 =	seq.s32 s10, $0x1;
	s10 =	sld [smem:$0x3FA9];
	_ =	sdelay $0x3  }
0x34: {  	[smem:$0x3FA9] =	sst s10  }
0x35: {  	s10 =	sld [smem:$0x3FA8];
	_ =	sdelay $0x3  }
0x36: {  	p1 =	seq.s32 s10, $0x1;
	s10 =	sld [smem:$0x3FA9];
	_ =	sdelay $0x3  }
0x37: {  	[smem:$0x3FA9] =	sst s10  }
0x38: {  	s10 =	sld [smem:$0x3FAA]  }
0x39: {  	_ = 	snop;
	(pc) =	sbr.ind lr, $3  }
0x3a: {  	_ = 	snop  }
0x3b: {  	_ = 	snop  }
0x3c: {  	p2 =	seq.s32 s10, $0x1;
	s10 =	sld [smem:$0x3FA9]  }
0x3d: {  	_ =	shalt  }
0x3e: {  	_ =	shalt  }
0x3f: {  	_ =	shalt  }
0x40: {  	_ =	shalt  }
0x41: {  	_ =	shalt  }
0x42: {  	_ =	shalt  }
0x43: {  	_ =	shalt  }
0x44: {  	_ =	shalt  }
0x45: {  	_ =	shalt  }
0x46: {  	_ =	shalt  }
0x47: {  	_ =	shalt  }
0x48: {  	_ =	shalt  }
0x49: {  	_ =	shalt  }
0x4a: {  	_ =	shalt  }
0x4b: {  	_ =	shalt  }
0x4c: {  	_ =	shalt  }
0x4d: {  	_ =	shalt  }
0x4e: {  	_ =	shalt  }
0x4f: {  	_ =	shalt  }
0x50: {  	_ =	shalt  }
0x51: {  	_ =	shalt  }
0x52: {  	_ =	shalt  }
0x53: {  	_ =	shalt  }
0x54: {  	_ =	shalt  }
0x55: {  	_ =	shalt  }
0x56: {  	_ =	shalt  }
0x57: {  	_ =	shalt  }
0x58: {  	_ =	shalt  }
0x59: {  	_ =	shalt  }
0x5a: {  	_ =	shalt  }
0x5b: {  	_ =	shalt  }
0x5c: {  	_ =	shalt  }
0x5d: {  	_ =	shalt  }
0x5e: {  	_ =	shalt  }
0x5f: {  	_ =	shalt  }
0x60: {  	_ =	shalt  }
0x61: {  	_ =	shalt  }
0x62: {  	_ =	shalt  }
0x63: {  	_ =	shalt  }
0x64: {  	_ =	shalt  }
0x65: {  	_ =	shalt  }
0x66: {  	_ =	shalt  }
0x67: {  	_ =	shalt  }
0x68: {  	_ =	shalt  }
0x69: {  	_ =	shalt  }
0x6a: {  	_ =	shalt  }
0x6b: {  	_ =	shalt  }
0x6c: {  	_ =	shalt  }
0x6d: {  	_ =	shalt  }
0x6e: {  	_ =	shalt  }
0x6f: {  	_ =	shalt  }
0x70: {  	_ =	shalt  }
0x71: {  	_ =	shalt  }
0x72: {  	_ =	shalt  }
0x73: {  	_ =	shalt  }
0x74: {  	_ =	shalt  }
0x75: {  	_ =	shalt  }
0x76: {  	_ =	shalt  }
0x77: {  	_ =	shalt  }
0x78: {  	_ =	shalt  }
0x79: {  	_ =	shalt  }
0x7a: {  	_ =	shalt  }
0x7b: {  	_ =	shalt  }
0x7c: {  	_ =	shalt  }
0x7d: {  	_ =	shalt  }
0x7e: {  	_ =	shalt  }
0x7f: {  	_ =	shalt  }
0x80: {  	_ =	shalt  }
0x81: {  	_ =	shalt  }
0x82: {  	_ =	shalt  }
0x83: {  	_ =	shalt  }
0x84: {  	_ =	shalt  }
0x85: {  	_ =	shalt  }
0x86: {  	_ =	shalt  }
0x87: {  	_ =	shalt  }
.Lfunc_end0:
.L_simem_size_0:
called_computation_lowered:
.L_overlay_start_0:
0x88: {  	s2 =	sld [smem:$0x3FD9]  }
0x89: {  	s3 =	sld [smem:$0x3FFE];
	_ =	sdelay $0x1  }
0x8a: {  	s1 =	srdreg.scid  }
0x8b: {  	s0 =	sand.u32 $0x1, s1  }
0x8c: {  	s16 =	sshll.u32 s0, $0xA;
	s2 =	sadd.s32 s3, s2  }
0x8d: {  	s2 =	sadd.s32 s2, s16  }
0x8e: {  	[smem:$0x3FB5] =	sst s2  }
0x8f: {  	_ = 	snop  }
0x90: {  	(tm) =	ssettm $0x1  }
0x91: {  	s17 =	sld [smem:$0x3FFB];
	_ =	sdelay $0x3  }
0x92: {  	_ =	strace s17  }
0x93: {  	s2 =	sld [smem:$0x3FFC];
	_ =	sdelay $0x3  }
0x94: {  	_ =	strace s2  }
0x95: {  	s2 =	sld [smem:$0x3FFD];
	_ =	sdelay $0x3  }
0x96: {  	_ =	strace s2  }
0x97: {  	_ =	strace $0x8FFFFFFF  }
0x98: {  	s18 =	sld [smem:$0x3FDB];
	_ =	sdelay $0x1  }
0x99: {  	s19 =	simm.s32 $_scs_section_size  }
0x9a: {  	s4 =	simm.s32 $_size__tile_overlayer_lowered;
	s5 =	simm.s32 $_tile_overlayer_lowered  }
0x9b: {  	s22 =	simm.s32 $0x1BFF;
	s21 =	sshll.u32 s5, $0x1;
	s2 =	sadd.s32 s19, s18  }
0x9c: {  	s6 =	simm.s32 $0x0;
	s20 =	sshll.u32 s4, $0x1;
	s4 =	sadd.s32 s21, s2  }
0x9d: {  	[timem:s6], [sflag:s22] =	dma.local [hbm:s4], s20  }
0x9e: {  	_ =	swait.ge [sflag:s22], s20  }
0x9f: {  	s3 =	ssub.s32 $0x0, s20;
	[sflag:s22] =	ssyncset.done $0x0  }
0xa0: {  	[sflag:s22] =	ssyncadd.s32 s3;
	_ =	sdelay $0x1  }
0xa1: {  	s23 =	simm.s32 $0x1B8B  }
0xa2: {  	_ =	swait.ge [sflag:s23], $0x1  }
0xa3: {  	[sflag:s23] =	ssyncset.done $0x0  }
0xa4: {  	s25 =	simm.s32 $0x1B8E;
	s24 =	sld [smem:$0x3FFE];
	[sflag:s23] =	ssyncadd.s32 $0xFFFFFFFF  }
0xa5: {  	s26 =	simm.s32 $execute0_lowered;
	[smem:$0x3FD2] =	sst s25  }
0xa6: {  	s4 =	sshll.u32 s26, $0x1;
	_ =	strace $0x80000046;
	[dreg:$0x1] =	wrdreg $0xFFFFFFFF  }
0xa7: {  	s28 =	simm.s32 $_size_execute0_lowered;
	s2 =	sadd.s32 s2, s4;
	[dreg:$0x0] =	wrdreg $0x0  }
0xa8: {  	s4 =	sshll.u32 s28, $0x1;
	[dreg:$0x2] =	wrdreg s2  }
0xa9: {  	[dreg:$0x3] =	wrdreg s4  }
0xaa: {  	[dreg:$0x4] =	wrdreg $0xC0  }
0xab: {  	_ =	task [dreg:s6], $0x5FFFF  }
0xac: {  	[dreg:$0x1] =	wrdreg $0xFFFFFFFF  }
0xad: {  	[dreg:$0x0] =	wrdreg $0x60  }
0xae: {  	[dreg:$0x2] =	wrdreg s24  }
0xaf: {  	[dreg:$0x3] =	wrdreg $0x9  }
0xb0: {  	_ =	task.clear_ibuf [dreg:s6], $0x4FFFF;
	_ =	strace $0x90000046  }
0xb1: {  	s29 =	simm.s32 $0x9;
	_ =	strace $0x80000048  }
0xb2: {  	_ =	swait.ge [sflag:s29], $0x1  }
0xb3: {  	[sflag:s29] =	ssyncadd.s32 $0xFFFFFFFF  }
0xb4: {  	_ =	strace $0x90000048  }
0xb5: {  	_ =	sfence  }
0xb6: {  	s30 =	sld [smem:$0x0];
	_ =	sdelay $0x2  }
0xb7: {  	s31 =	sshll.u32 s1, $0xD;
	s1 =	sshrl.u32 s1, $0x2  }
0xb8: {  	s3 =	sand.u32 $0x4000, s31;
	s1 =	sadd.s32 s1, s30  }
0xb9: {  	s0 =	sor.u32 s3, s0;
	s1 =	sshll.u32 s1, $0x11  }
0xba: {  	s0 =	sor.u32 s1, s0  }
0xbb: {  	s0 =	sadd.s32 $0x8F2B, s0  }
0xbc: {  	[sflag:s0] =	ssyncadd.remote.s32 $0x1  }
0xbd: {  	_ =	sfence.sel $0xFFFF  }
0xbe: {  	[dreg:$0x0] =	wrdreg $0xFFFFFFFF;
	(pc) =	sbr.abs _section_cstart, $3  }
0xbf: {  	[dreg:$0x1] =	wrdreg $0xFFFFFFFF  }
0xc0: {  	_ =	task.clear_ibuf [dreg:s6], $0x2FFFF;
	_ =	strace $0x9FFFFFFF  }
0xc1: {  	(tm) =	ssettm $0x7FFFFFFF  }
tec
execute0_lowered:
.L_overlay_start_1:
0x0: {  	(tag) =	ssettag $0x1  }
0x1: {  	s0 =	srdreg.scid  }
0x2: {  	s1 =	stileid.u32;
	s3 =	rddreg [dreg:$0x0]  }
0x3: {  	s2 =	simm.s32 $0x0;
	s0 =	sand.u32 $0x1, s0;
	s1 =	sshll.u32 s1, $0x1  }
0x4: {  	s31 =	simm.s32 $0x5;
	s11 =	simm.s32 $0x80;
	s1 =	sor.u32 s0, s1  }
0x5: {  	s12 =	simm.s32 $0x1;
	s30 =	simm.s32 $0x100;
	s4 =	sshll.u32 s1, $0x8  }
0x6: {  	s13 =	simm.s32 $0x8800;
	s1 =	sshll.u32 s1, $0xF;
	s4 =	sadd.s32 s4, s3  }
0x7: {  	[smem:$0x7FF] =	sst s2;
	s1 =	sadd.s32 s1, s3;
	s4 =	sadd.s32 $0x23600, s4  }
0x8: {  	_ =	strace $0x80000047;
	s14 =	sadd.s32 $0x25600, s1;
	[dreg:$0x2] =	wrdreg s4  }
0x9: {  	s8 =	simm.s32 $0x2;
	s15 =	sadd.s32 $0x25E00, s1;
	[dreg:$0x3] =	wrdreg s14  }
0xa: {  	s29 =	simm.s32 $0x180;
	s16 =	sadd.s32 $0x26600, s1;
	[dreg:$0x4] =	wrdreg s15  }
0xb: {  	s9 =	simm.s32 $0xC800;
	s17 =	sadd.s32 $0x26E00, s1;
	[dreg:$0x5] =	wrdreg s16  }
0xc: {  	s7 =	simm.s32 $0x3;
	s18 =	sadd.s32 $0x27600, s1;
	[dreg:$0x6] =	wrdreg s17  }
0xd: {  	s28 =	simm.s32 $0x200;
	s19 =	sadd.s32 $0x27E00, s1;
	[dreg:$0x7] =	wrdreg s18  }
0xe: {  	p0 =	por $0x0, $0x0;
	s20 =	sadd.s32 $0x28600, s1;
	[dreg:$0x8] =	wrdreg s19  }
0xf: {  	s0 =	ssub.s32 $0x2, s0;
	s21 =	sadd.s32 $0x28E00, s1;
	[dreg:$0x9] =	wrdreg s20  }
0x10: {  	s5 =	sshrl.u32 s0, $0x1;
	s22 =	sadd.s32 $0x29600, s1;
	[dreg:$0xa] =	wrdreg s21  }
0x11: {  	s3 =	sadd.s32 $0x3600, s3;
	s23 =	sadd.s32 $0x29E00, s1;
	[dreg:$0xb] =	wrdreg s22  }
0x12: {  	s0 =	ssub.s32 s0, s5;
	s24 =	sadd.s32 $0x2A600, s1;
	[dreg:$0xc] =	wrdreg s23  }
0x13: {  	s5 =	simm.s32 $0x4;
	s25 =	sadd.s32 $0x2AE00, s1;
	[dreg:$0xd] =	wrdreg s24  }
0x14: {  	s26 =	sadd.s32 $0x2B600, s1;
	s10 =	sadd.s32 $0x2BE00, s1;
	[dreg:$0xe] =	wrdreg s25  }
0x15: {  	s6 =	sadd.s32 $0x2C600, s1;
	s0 =	smax.u32 s0, $0x1;
	[dreg:$0xf] =	wrdreg s26  }
0x16: {  	s4 =	sadd.s32 $0x2CE00, s1;
	s15 =	simm.s32 $0x800;
	p1 =	sne.s32 s0, $0x1  }
.Ltmp0:
0x17: {  	s14 =	simm.s32 $0x4800;
	s26 =	simm.s32 $0x280;
	(pc) =	sbr.rel @!p1 .LBB2_3-.Ltmp0, $4  }
0x18: {  	s25 =	simm.s32 $0x300;
	s24 =	simm.s32 $0x380;
	s23 =	simm.s32 $0x400  }
0x19: {  	s22 =	simm.s32 $0x480;
	s1 =	sadd.s32 $0xFFFFFFFF, s0;
	s21 =	simm.s32 $0x500  }
0x1a: {  	s20 =	simm.s32 $0x580;
	s19 =	simm.s32 $0x600;
	s18 =	simm.s32 $0x680  }
0x1b: {  	s17 =	simm.s32 $0x700;
	s16 =	simm.s32 $0x780;
	s0 =	rddreg [dreg:$0x2]  }
0x1c: {  	[tilespmem:s2], [sflag:$0x5] =	stream.linear.gather [hbm4b:s0+s2], $0x800, $0x38;
	[tilespmem:$0x10800] =	vst v63  }
0x1d: {  	_ =	swait.ge [sflag:s31], $0x800  }
0x1e: {  	[sflag:s31] =	ssyncset.done $0x0  }
0x1f: {  	[sflag:s31] =	ssyncadd.s32 $0xFFFFF800  }
0x20: {  	[tilespmem:s15], [sflag:$0x1] =	stream.indirect.gather [hbm4b:s3+s11], $0x80, s2, s11, $0xb8;
	[tilespmem:$0x10800] =	vst v63  }
0x21: {  	_ = 	snop  }
0x22: {  	[tilespmem:s14], [sflag:$0x2] =	stream.indirect.gather [hbm4b:s3+s11], $0x80, s11, s11, $0xb8;
	[tilespmem:$0x10800] =	vst v63  }
0x23: {  	_ =	swait.ge [sflag:s12], $0x4000  }
0x24: {  	[sflag:s12] =	ssyncset.done $0x0  }
0x25: {  	s0 =	rddreg [dreg:$0x3];
	[sflag:s12] =	ssyncadd.s32 $0xFFFFC000  }
0x26: {  	[hbm4b:s0+s2] =	stream.linear.scatter [tilespmem:s15], [sflag:$0x3], $0x4000, $0x38;
	[tilespmem:$0x10800] =	vst v63  }
0x27: {  	_ = 	snop  }
0x28: {  	[tilespmem:s13], [sflag:$0x1] =	stream.indirect.gather [hbm4b:s3+s11], $0x80, s30, s11, $0xb8;
	[tilespmem:$0x10800] =	vst v63  }
0x29: {  	_ =	swait.ge [sflag:s8], $0x4000  }
0x2a: {  	[sflag:s8] =	ssyncset.done $0x0  }
0x2b: {  	s0 =	rddreg [dreg:$0x4];
	[sflag:s8] =	ssyncadd.s32 $0xFFFFC000  }
0x2c: {  	[hbm4b:s0+s2] =	stream.linear.scatter [tilespmem:s14], [sflag:$0x4], $0x4000, $0x38;
	[tilespmem:$0x10800] =	vst v63  }
0x2d: {  	_ = 	snop  }
0x2e: {  	[tilespmem:s9], [sflag:$0x2] =	stream.indirect.gather [hbm4b:s3+s11], $0x80, s29, s11, $0xb8;
	[tilespmem:$0x10800] =	vst v63  }
0x2f: {  	_ =	swait.ge [sflag:s12], $0x4000  }
0x30: {  	[sflag:s12] =	ssyncset.done $0x0  }
0x31: {  	s0 =	rddreg [dreg:$0x5];
	[sflag:s12] =	ssyncadd.s32 $0xFFFFC000  }
0x32: {  	[hbm4b:s0+s2] =	stream.linear.scatter [tilespmem:s13], [sflag:$0x3], $0x4000, $0x38;
	[tilespmem:$0x10800] =	vst v63  }
0x33: {  	_ =	swait.ge [sflag:s7], $0x4000  }
0x34: {  	[sflag:s7] =	ssyncset.done $0x0  }
0x35: {  	[sflag:s7] =	ssyncadd.s32 $0xFFFFC000  }
0x36: {  	[tilespmem:s15], [sflag:$0x1] =	stream.indirect.gather [hbm4b:s3+s11], $0x80, s28, s11, $0xb8;
	[tilespmem:$0x10800] =	vst v63  }
0x37: {  	_ =	swait.ge [sflag:s8], $0x4000  }
0x38: {  	[sflag:s8] =	ssyncset.done $0x0  }
0x39: {  	s0 =	rddreg [dreg:$0x6];
	[sflag:s8] =	ssyncadd.s32 $0xFFFFC000  }
0x3a: {  	[hbm4b:s0+s2] =	stream.linear.scatter [tilespmem:s9], [sflag:$0x4], $0x4000, $0x38;
	[tilespmem:$0x10800] =	vst v63  }
0x3b: {  	_ =	swait.ge [sflag:s5], $0x4000  }
0x3c: {  	[sflag:s5] =	ssyncset.done $0x0  }
0x3d: {  	[sflag:s5] =	ssyncadd.s32 $0xFFFFC000  }
0x3e: {  	[tilespmem:s14], [sflag:$0x2] =	stream.indirect.gather [hbm4b:s3+s11], $0x80, s26, s11, $0xb8;
	[tilespmem:$0x10800] =	vst v63  }
0x3f: {  	_ =	swait.ge [sflag:s12], $0x4000  }
0x40: {  	[sflag:s12] =	ssyncset.done $0x0  }
0x41: {  	s0 =	rddreg [dreg:$0x7];
	[sflag:s12] =	ssyncadd.s32 $0xFFFFC000  }
0x42: {  	[hbm4b:s0+s2] =	stream.linear.scatter [tilespmem:s15], [sflag:$0x3], $0x4000, $0x38;
	[tilespmem:$0x10800] =	vst v63  }
0x43: {  	_ =	swait.ge [sflag:s7], $0x4000  }
0x44: {  	[sflag:s7] =	ssyncset.done $0x0  }
0x45: {  	[sflag:s7] =	ssyncadd.s32 $0xFFFFC000  }
0x46: {  	[tilespmem:s13], [sflag:$0x1] =	stream.indirect.gather [hbm4b:s3+s11], $0x80, s25, s11, $0xb8;
	[tilespmem:$0x10800] =	vst v63  }
0x47: {  	_ =	swait.ge [sflag:s8], $0x4000  }
0x48: {  	[sflag:s8] =	ssyncset.done $0x0  }
0x49: {  	s0 =	rddreg [dreg:$0x8];
	[sflag:s8] =	ssyncadd.s32 $0xFFFFC000  }
0x4a: {  	[hbm4b:s0+s2] =	stream.linear.scatter [tilespmem:s14], [sflag:$0x4], $0x4000, $0x38;
	[tilespmem:$0x10800] =	vst v63  }
0x4b: {  	_ =	swait.ge [sflag:s5], $0x4000  }
0x4c: {  	[sflag:s5] =	ssyncset.done $0x0  }
0x4d: {  	[sflag:s5] =	ssyncadd.s32 $0xFFFFC000  }
0x4e: {  	[tilespmem:s9], [sflag:$0x2] =	stream.indirect.gather [hbm4b:s3+s11], $0x80, s24, s11, $0xb8;
	[tilespmem:$0x10800] =	vst v63  }
0x4f: {  	_ =	swait.ge [sflag:s12], $0x4000  }
0x50: {  	[sflag:s12] =	ssyncset.done $0x0  }
0x51: {  	s0 =	rddreg [dreg:$0x9];
	[sflag:s12] =	ssyncadd.s32 $0xFFFFC000  }
0x52: {  	[hbm4b:s0+s2] =	stream.linear.scatter [tilespmem:s13], [sflag:$0x3], $0x4000, $0x38;
	[tilespmem:$0x10800] =	vst v63  }
0x53: {  	_ =	swait.ge [sflag:s7], $0x4000  }
0x54: {  	[sflag:s7] =	ssyncset.done $0x0  }
0x55: {  	[sflag:s7] =	ssyncadd.s32 $0xFFFFC000  }
0x56: {  	[tilespmem:s15], [sflag:$0x1] =	stream.indirect.gather [hbm4b:s3+s11], $0x80, s23, s11, $0xb8;
	[tilespmem:$0x10800] =	vst v63  }
0x57: {  	_ =	swait.ge [sflag:s8], $0x4000  }
0x58: {  	[sflag:s8] =	ssyncset.done $0x0  }
0x59: {  	s0 =	rddreg [dreg:$0xa];
	[sflag:s8] =	ssyncadd.s32 $0xFFFFC000  }
0x5a: {  	[hbm4b:s0+s2] =	stream.linear.scatter [tilespmem:s9], [sflag:$0x4], $0x4000, $0x38;
	[tilespmem:$0x10800] =	vst v63  }
0x5b: {  	_ =	swait.ge [sflag:s5], $0x4000  }
0x5c: {  	[sflag:s5] =	ssyncset.done $0x0  }
0x5d: {  	[sflag:s5] =	ssyncadd.s32 $0xFFFFC000  }
0x5e: {  	[tilespmem:s14], [sflag:$0x2] =	stream.indirect.gather [hbm4b:s3+s11], $0x80, s22, s11, $0xb8;
	[tilespmem:$0x10800] =	vst v63  }
0x5f: {  	_ =	swait.ge [sflag:s12], $0x4000  }
0x60: {  	[sflag:s12] =	ssyncset.done $0x0  }
0x61: {  	s0 =	rddreg [dreg:$0xb];
	[sflag:s12] =	ssyncadd.s32 $0xFFFFC000  }
0x62: {  	[hbm4b:s0+s2] =	stream.linear.scatter [tilespmem:s15], [sflag:$0x3], $0x4000, $0x38;
	[tilespmem:$0x10800] =	vst v63  }
0x63: {  	_ =	swait.ge [sflag:s7], $0x4000  }
0x64: {  	[sflag:s7] =	ssyncset.done $0x0  }
0x65: {  	[sflag:s7] =	ssyncadd.s32 $0xFFFFC000  }
0x66: {  	[tilespmem:s13], [sflag:$0x1] =	stream.indirect.gather [hbm4b:s3+s11], $0x80, s21, s11, $0xb8;
	[tilespmem:$0x10800] =	vst v63  }
0x67: {  	_ =	swait.ge [sflag:s8], $0x4000  }
0x68: {  	[sflag:s8] =	ssyncset.done $0x0  }
0x69: {  	s0 =	rddreg [dreg:$0xc];
	[sflag:s8] =	ssyncadd.s32 $0xFFFFC000  }
0x6a: {  	[hbm4b:s0+s2] =	stream.linear.scatter [tilespmem:s14], [sflag:$0x4], $0x4000, $0x38;
	[tilespmem:$0x10800] =	vst v63  }
0x6b: {  	_ =	swait.ge [sflag:s5], $0x4000  }
0x6c: {  	[sflag:s5] =	ssyncset.done $0x0  }
0x6d: {  	[sflag:s5] =	ssyncadd.s32 $0xFFFFC000  }
0x6e: {  	[tilespmem:s9], [sflag:$0x2] =	stream.indirect.gather [hbm4b:s3+s11], $0x80, s20, s11, $0xb8;
	[tilespmem:$0x10800] =	vst v63  }
0x6f: {  	_ =	swait.ge [sflag:s12], $0x4000  }
0x70: {  	[sflag:s12] =	ssyncset.done $0x0  }
0x71: {  	s0 =	rddreg [dreg:$0xd];
	[sflag:s12] =	ssyncadd.s32 $0xFFFFC000  }
0x72: {  	[hbm4b:s0+s2] =	stream.linear.scatter [tilespmem:s13], [sflag:$0x3], $0x4000, $0x38;
	[tilespmem:$0x10800] =	vst v63  }
0x73: {  	_ =	swait.ge [sflag:s7], $0x4000  }
0x74: {  	[sflag:s7] =	ssyncset.done $0x0  }
0x75: {  	[sflag:s7] =	ssyncadd.s32 $0xFFFFC000  }
0x76: {  	[tilespmem:s15], [sflag:$0x1] =	stream.indirect.gather [hbm4b:s3+s11], $0x80, s19, s11, $0xb8;
	[tilespmem:$0x10800] =	vst v63  }
0x77: {  	_ =	swait.ge [sflag:s8], $0x4000  }
0x78: {  	[sflag:s8] =	ssyncset.done $0x0  }
0x79: {  	s0 =	rddreg [dreg:$0xe];
	[sflag:s8] =	ssyncadd.s32 $0xFFFFC000  }
0x7a: {  	[hbm4b:s0+s2] =	stream.linear.scatter [tilespmem:s9], [sflag:$0x4], $0x4000, $0x38;
	[tilespmem:$0x10800] =	vst v63  }
0x7b: {  	_ =	swait.ge [sflag:s5], $0x4000  }
0x7c: {  	[sflag:s5] =	ssyncset.done $0x0  }
0x7d: {  	[sflag:s5] =	ssyncadd.s32 $0xFFFFC000  }
0x7e: {  	[tilespmem:s14], [sflag:$0x2] =	stream.indirect.gather [hbm4b:s3+s11], $0x80, s18, s11, $0xb8;
	[tilespmem:$0x10800] =	vst v63  }
0x7f: {  	_ =	swait.ge [sflag:s12], $0x4000  }
0x80: {  	[sflag:s12] =	ssyncset.done $0x0  }
0x81: {  	s0 =	rddreg [dreg:$0xf];
	[sflag:s12] =	ssyncadd.s32 $0xFFFFC000  }
0x82: {  	[hbm4b:s0+s2] =	stream.linear.scatter [tilespmem:s15], [sflag:$0x3], $0x4000, $0x38;
	[tilespmem:$0x10800] =	vst v63  }
0x83: {  	_ =	swait.ge [sflag:s7], $0x4000  }
0x84: {  	[sflag:s7] =	ssyncset.done $0x0  }
0x85: {  	[sflag:s7] =	ssyncadd.s32 $0xFFFFC000  }
0x86: {  	[tilespmem:s13], [sflag:$0x1] =	stream.indirect.gather [hbm4b:s3+s11], $0x80, s17, s11, $0xb8;
	[tilespmem:$0x10800] =	vst v63  }
0x87: {  	_ =	swait.ge [sflag:s8], $0x4000  }
0x88: {  	[sflag:s8] =	ssyncset.done $0x0  }
0x89: {  	[sflag:s8] =	ssyncadd.s32 $0xFFFFC000  }
0x8a: {  	[hbm4b:s10+s2] =	stream.linear.scatter [tilespmem:s14], [sflag:$0x4], $0x4000, $0x38;
	[tilespmem:$0x10800] =	vst v63  }
0x8b: {  	_ =	swait.ge [sflag:s5], $0x4000  }
0x8c: {  	[sflag:s5] =	ssyncset.done $0x0  }
0x8d: {  	[sflag:s5] =	ssyncadd.s32 $0xFFFFC000  }
0x8e: {  	[tilespmem:s9], [sflag:$0x2] =	stream.indirect.gather [hbm4b:s3+s11], $0x80, s16, s11, $0xb8;
	[tilespmem:$0x10800] =	vst v63  }
0x8f: {  	_ =	swait.ge [sflag:s12], $0x4000  }
0x90: {  	[sflag:s12] =	ssyncset.done $0x0  }
0x91: {  	[sflag:s12] =	ssyncadd.s32 $0xFFFFC000  }
0x92: {  	[hbm4b:s6+s2] =	stream.linear.scatter [tilespmem:s13], [sflag:$0x3], $0x4000, $0x38;
	[tilespmem:$0x10800] =	vst v63  }
0x93: {  	_ =	swait.ge [sflag:s7], $0x4000  }
0x94: {  	[sflag:s7] =	ssyncset.done $0x0  }
0x95: {  	[sflag:s7] =	ssyncadd.s32 $0xFFFFC000  }
0x96: {  	_ =	swait.ge [sflag:s8], $0x4000  }
0x97: {  	[sflag:s8] =	ssyncset.done $0x0  }
0x98: {  	[sflag:s8] =	ssyncadd.s32 $0xFFFFC000  }
0x99: {  	[hbm4b:s4+s2] =	stream.linear.scatter [tilespmem:s9], [sflag:$0x4], $0x4000, $0x38;
	[tilespmem:$0x10800] =	vst v63  }
0x9a: {  	_ =	swait.ge [sflag:s5], $0x4000  }
0x9b: {  	[sflag:s5] =	ssyncset.done $0x0  }
0x9c: {  	p1 =	sne.s32 s1, $0x1;
	[sflag:s5] =	ssyncadd.s32 $0xFFFFC000  }
.Ltmp1:
0x9d: {  	_ =	swait.ge [sflag:s7], $0x4000;
	(pc) =	sbr.rel @!p1 .LBB2_3-.Ltmp1, $4  }
0x9e: {  	[sflag:s7] =	ssyncset.done $0x0  }
0x9f: {  	[sflag:s7] =	ssyncadd.s32 $0xFFFFC000  }
0xa0: {  	s1 =	sadd.s32 $0xFFFFFFFF, s1;
	_ =	swait.ge [sflag:s5], $0x4000  }
0xa1: {  	p0 =	por $0x1, $0x1;
	s0 =	rddreg [dreg:$0x2];
	[sflag:s5] =	ssyncset.done $0x0  }
.LBB2_2:
0xa2: {  	[sflag:s5] =	ssyncadd.s32 $0xFFFFC000  }
0xa3: {  	[tilespmem:s2], [sflag:$0x5] =	stream.linear.gather [hbm4b:s0+s2], $0x800, $0x38;
	[tilespmem:$0x10800] =	vst v63  }
0xa4: {  	_ =	swait.ge [sflag:s31], $0x800  }
0xa5: {  	[sflag:s31] =	ssyncset.done $0x0  }
0xa6: {  	[sflag:s31] =	ssyncadd.s32 $0xFFFFF800  }
0xa7: {  	[tilespmem:s15], [sflag:$0x1] =	stream.indirect.gather [hbm4b:s3+s11], $0x80, s2, s11, $0xb8;
	[tilespmem:$0x10800] =	vst v63  }
0xa8: {  	_ = 	snop  }
0xa9: {  	[tilespmem:s14], [sflag:$0x2] =	stream.indirect.gather [hbm4b:s3+s11], $0x80, s11, s11, $0xb8;
	[tilespmem:$0x10800] =	vst v63  }
0xaa: {  	_ =	swait.ge [sflag:s12], $0x4000  }
0xab: {  	[sflag:s12] =	ssyncset.done $0x0  }
0xac: {  	s0 =	rddreg [dreg:$0x3];
	[sflag:s12] =	ssyncadd.s32 $0xFFFFC000  }
0xad: {  	[hbm4b:s0+s2] =	stream.linear.scatter [tilespmem:s15], [sflag:$0x3], $0x4000, $0x38;
	[tilespmem:$0x10800] =	vst v63  }
0xae: {  	_ = 	snop  }
0xaf: {  	[tilespmem:s13], [sflag:$0x1] =	stream.indirect.gather [hbm4b:s3+s11], $0x80, s30, s11, $0xb8;
	[tilespmem:$0x10800] =	vst v63  }
0xb0: {  	_ =	swait.ge [sflag:s8], $0x4000  }
0xb1: {  	[sflag:s8] =	ssyncset.done $0x0  }
0xb2: {  	s0 =	rddreg [dreg:$0x4];
	[sflag:s8] =	ssyncadd.s32 $0xFFFFC000  }
0xb3: {  	[hbm4b:s0+s2] =	stream.linear.scatter [tilespmem:s14], [sflag:$0x4], $0x4000, $0x38;
	[tilespmem:$0x10800] =	vst v63  }
0xb4: {  	_ = 	snop  }
0xb5: {  	[tilespmem:s9], [sflag:$0x2] =	stream.indirect.gather [hbm4b:s3+s11], $0x80, s29, s11, $0xb8;
	[tilespmem:$0x10800] =	vst v63  }
0xb6: {  	_ =	swait.ge [sflag:s12], $0x4000  }
0xb7: {  	[sflag:s12] =	ssyncset.done $0x0  }
0xb8: {  	s0 =	rddreg [dreg:$0x5];
	[sflag:s12] =	ssyncadd.s32 $0xFFFFC000  }
0xb9: {  	[hbm4b:s0+s2] =	stream.linear.scatter [tilespmem:s13], [sflag:$0x3], $0x4000, $0x38;
	[tilespmem:$0x10800] =	vst v63  }
0xba: {  	_ =	swait.ge [sflag:s7], $0x4000  }
0xbb: {  	[sflag:s7] =	ssyncset.done $0x0  }
0xbc: {  	[sflag:s7] =	ssyncadd.s32 $0xFFFFC000  }
0xbd: {  	[tilespmem:s15], [sflag:$0x1] =	stream.indirect.gather [hbm4b:s3+s11], $0x80, s28, s11, $0xb8;
	[tilespmem:$0x10800] =	vst v63  }
0xbe: {  	_ =	swait.ge [sflag:s8], $0x4000  }
0xbf: {  	[sflag:s8] =	ssyncset.done $0x0  }
0xc0: {  	s0 =	rddreg [dreg:$0x6];
	[sflag:s8] =	ssyncadd.s32 $0xFFFFC000  }
0xc1: {  	[hbm4b:s0+s2] =	stream.linear.scatter [tilespmem:s9], [sflag:$0x4], $0x4000, $0x38;
	[tilespmem:$0x10800] =	vst v63  }
0xc2: {  	_ =	swait.ge [sflag:s5], $0x4000  }
0xc3: {  	[sflag:s5] =	ssyncset.done $0x0  }
0xc4: {  	[sflag:s5] =	ssyncadd.s32 $0xFFFFC000  }
0xc5: {  	[tilespmem:s14], [sflag:$0x2] =	stream.indirect.gather [hbm4b:s3+s11], $0x80, s26, s11, $0xb8;
	[tilespmem:$0x10800] =	vst v63  }
0xc6: {  	_ =	swait.ge [sflag:s12], $0x4000  }
0xc7: {  	[sflag:s12] =	ssyncset.done $0x0  }
0xc8: {  	s0 =	rddreg [dreg:$0x7];
	[sflag:s12] =	ssyncadd.s32 $0xFFFFC000  }
0xc9: {  	[hbm4b:s0+s2] =	stream.linear.scatter [tilespmem:s15], [sflag:$0x3], $0x4000, $0x38;
	[tilespmem:$0x10800] =	vst v63  }
0xca: {  	_ =	swait.ge [sflag:s7], $0x4000  }
0xcb: {  	[sflag:s7] =	ssyncset.done $0x0  }
0xcc: {  	[sflag:s7] =	ssyncadd.s32 $0xFFFFC000  }
0xcd: {  	[tilespmem:s13], [sflag:$0x1] =	stream.indirect.gather [hbm4b:s3+s11], $0x80, s25, s11, $0xb8;
	[tilespmem:$0x10800] =	vst v63  }
0xce: {  	_ =	swait.ge [sflag:s8], $0x4000  }
0xcf: {  	[sflag:s8] =	ssyncset.done $0x0  }
0xd0: {  	s0 =	rddreg [dreg:$0x8];
	[sflag:s8] =	ssyncadd.s32 $0xFFFFC000  }
0xd1: {  	[hbm4b:s0+s2] =	stream.linear.scatter [tilespmem:s14], [sflag:$0x4], $0x4000, $0x38;
	[tilespmem:$0x10800] =	vst v63  }
0xd2: {  	_ =	swait.ge [sflag:s5], $0x4000  }
0xd3: {  	[sflag:s5] =	ssyncset.done $0x0  }
0xd4: {  	[sflag:s5] =	ssyncadd.s32 $0xFFFFC000  }
0xd5: {  	[tilespmem:s9], [sflag:$0x2] =	stream.indirect.gather [hbm4b:s3+s11], $0x80, s24, s11, $0xb8;
	[tilespmem:$0x10800] =	vst v63  }
0xd6: {  	_ =	swait.ge [sflag:s12], $0x4000  }
0xd7: {  	[sflag:s12] =	ssyncset.done $0x0  }
0xd8: {  	s0 =	rddreg [dreg:$0x9];
	[sflag:s12] =	ssyncadd.s32 $0xFFFFC000  }
0xd9: {  	[hbm4b:s0+s2] =	stream.linear.scatter [tilespmem:s13], [sflag:$0x3], $0x4000, $0x38;
	[tilespmem:$0x10800] =	vst v63  }
0xda: {  	_ =	swait.ge [sflag:s7], $0x4000  }
0xdb: {  	[sflag:s7] =	ssyncset.done $0x0  }
0xdc: {  	[sflag:s7] =	ssyncadd.s32 $0xFFFFC000  }
0xdd: {  	[tilespmem:s15], [sflag:$0x1] =	stream.indirect.gather [hbm4b:s3+s11], $0x80, s23, s11, $0xb8;
	[tilespmem:$0x10800] =	vst v63  }
0xde: {  	_ =	swait.ge [sflag:s8], $0x4000  }
0xdf: {  	[sflag:s8] =	ssyncset.done $0x0  }
0xe0: {  	s0 =	rddreg [dreg:$0xa];
	[sflag:s8] =	ssyncadd.s32 $0xFFFFC000  }
0xe1: {  	[hbm4b:s0+s2] =	stream.linear.scatter [tilespmem:s9], [sflag:$0x4], $0x4000, $0x38;
	[tilespmem:$0x10800] =	vst v63  }
0xe2: {  	_ =	swait.ge [sflag:s5], $0x4000  }
0xe3: {  	[sflag:s5] =	ssyncset.done $0x0  }
0xe4: {  	[sflag:s5] =	ssyncadd.s32 $0xFFFFC000  }
0xe5: {  	[tilespmem:s14], [sflag:$0x2] =	stream.indirect.gather [hbm4b:s3+s11], $0x80, s22, s11, $0xb8;
	[tilespmem:$0x10800] =	vst v63  }
0xe6: {  	_ =	swait.ge [sflag:s12], $0x4000  }
0xe7: {  	[sflag:s12] =	ssyncset.done $0x0  }
0xe8: {  	s0 =	rddreg [dreg:$0xb];
	[sflag:s12] =	ssyncadd.s32 $0xFFFFC000  }
0xe9: {  	[hbm4b:s0+s2] =	stream.linear.scatter [tilespmem:s15], [sflag:$0x3], $0x4000, $0x38;
	[tilespmem:$0x10800] =	vst v63  }
0xea: {  	_ =	swait.ge [sflag:s7], $0x4000  }
0xeb: {  	[sflag:s7] =	ssyncset.done $0x0  }
0xec: {  	[sflag:s7] =	ssyncadd.s32 $0xFFFFC000  }
0xed: {  	[tilespmem:s13], [sflag:$0x1] =	stream.indirect.gather [hbm4b:s3+s11], $0x80, s21, s11, $0xb8;
	[tilespmem:$0x10800] =	vst v63  }
0xee: {  	_ =	swait.ge [sflag:s8], $0x4000  }
0xef: {  	[sflag:s8] =	ssyncset.done $0x0  }
0xf0: {  	s0 =	rddreg [dreg:$0xc];
	[sflag:s8] =	ssyncadd.s32 $0xFFFFC000  }
0xf1: {  	[hbm4b:s0+s2] =	stream.linear.scatter [tilespmem:s14], [sflag:$0x4], $0x4000, $0x38;
	[tilespmem:$0x10800] =	vst v63  }
0xf2: {  	_ =	swait.ge [sflag:s5], $0x4000  }
0xf3: {  	[sflag:s5] =	ssyncset.done $0x0  }
0xf4: {  	[sflag:s5] =	ssyncadd.s32 $0xFFFFC000  }
0xf5: {  	[tilespmem:s9], [sflag:$0x2] =	stream.indirect.gather [hbm4b:s3+s11], $0x80, s20, s11, $0xb8;
	[tilespmem:$0x10800] =	vst v63  }
0xf6: {  	_ =	swait.ge [sflag:s12], $0x4000  }
0xf7: {  	[sflag:s12] =	ssyncset.done $0x0  }
0xf8: {  	s0 =	rddreg [dreg:$0xd];
	[sflag:s12] =	ssyncadd.s32 $0xFFFFC000  }
0xf9: {  	[hbm4b:s0+s2] =	stream.linear.scatter [tilespmem:s13], [sflag:$0x3], $0x4000, $0x38;
	[tilespmem:$0x10800] =	vst v63  }
0xfa: {  	_ =	swait.ge [sflag:s7], $0x4000  }
0xfb: {  	[sflag:s7] =	ssyncset.done $0x0  }
0xfc: {  	[sflag:s7] =	ssyncadd.s32 $0xFFFFC000  }
0xfd: {  	[tilespmem:s15], [sflag:$0x1] =	stream.indirect.gather [hbm4b:s3+s11], $0x80, s19, s11, $0xb8;
	[tilespmem:$0x10800] =	vst v63  }
0xfe: {  	_ =	swait.ge [sflag:s8], $0x4000  }
0xff: {  	[sflag:s8] =	ssyncset.done $0x0  }
0x100: {  	s0 =	rddreg [dreg:$0xe];
	[sflag:s8] =	ssyncadd.s32 $0xFFFFC000  }
0x101: {  	[hbm4b:s0+s2] =	stream.linear.scatter [tilespmem:s9], [sflag:$0x4], $0x4000, $0x38;
	[tilespmem:$0x10800] =	vst v63  }
0x102: {  	_ =	swait.ge [sflag:s5], $0x4000  }
0x103: {  	[sflag:s5] =	ssyncset.done $0x0  }
0x104: {  	[sflag:s5] =	ssyncadd.s32 $0xFFFFC000  }
0x105: {  	[tilespmem:s14], [sflag:$0x2] =	stream.indirect.gather [hbm4b:s3+s11], $0x80, s18, s11, $0xb8;
	[tilespmem:$0x10800] =	vst v63  }
0x106: {  	_ =	swait.ge [sflag:s12], $0x4000  }
0x107: {  	[sflag:s12] =	ssyncset.done $0x0  }
0x108: {  	s0 =	rddreg [dreg:$0xf];
	[sflag:s12] =	ssyncadd.s32 $0xFFFFC000  }
0x109: {  	[hbm4b:s0+s2] =	stream.linear.scatter [tilespmem:s15], [sflag:$0x3], $0x4000, $0x38;
	[tilespmem:$0x10800] =	vst v63  }
0x10a: {  	_ =	swait.ge [sflag:s7], $0x4000  }
0x10b: {  	[sflag:s7] =	ssyncset.done $0x0  }
0x10c: {  	[sflag:s7] =	ssyncadd.s32 $0xFFFFC000  }
0x10d: {  	[tilespmem:s13], [sflag:$0x1] =	stream.indirect.gather [hbm4b:s3+s11], $0x80, s17, s11, $0xb8;
	[tilespmem:$0x10800] =	vst v63  }
0x10e: {  	_ =	swait.ge [sflag:s8], $0x4000  }
0x10f: {  	[sflag:s8] =	ssyncset.done $0x0  }
0x110: {  	[sflag:s8] =	ssyncadd.s32 $0xFFFFC000  }
0x111: {  	[hbm4b:s10+s2] =	stream.linear.scatter [tilespmem:s14], [sflag:$0x4], $0x4000, $0x38;
	[tilespmem:$0x10800] =	vst v63  }
0x112: {  	_ =	swait.ge [sflag:s5], $0x4000  }
0x113: {  	[sflag:s5] =	ssyncset.done $0x0  }
0x114: {  	[sflag:s5] =	ssyncadd.s32 $0xFFFFC000  }
0x115: {  	[tilespmem:s9], [sflag:$0x2] =	stream.indirect.gather [hbm4b:s3+s11], $0x80, s16, s11, $0xb8;
	[tilespmem:$0x10800] =	vst v63  }
0x116: {  	_ =	swait.ge [sflag:s12], $0x4000  }
0x117: {  	[sflag:s12] =	ssyncset.done $0x0  }
0x118: {  	[sflag:s12] =	ssyncadd.s32 $0xFFFFC000  }
0x119: {  	[hbm4b:s6+s2] =	stream.linear.scatter [tilespmem:s13], [sflag:$0x3], $0x4000, $0x38;
	[tilespmem:$0x10800] =	vst v63  }
0x11a: {  	_ =	swait.ge [sflag:s7], $0x4000  }
0x11b: {  	[sflag:s7] =	ssyncset.done $0x0  }
0x11c: {  	[sflag:s7] =	ssyncadd.s32 $0xFFFFC000  }
0x11d: {  	_ =	swait.ge [sflag:s8], $0x4000  }
0x11e: {  	[sflag:s8] =	ssyncset.done $0x0  }
0x11f: {  	[sflag:s8] =	ssyncadd.s32 $0xFFFFC000  }
0x120: {  	[hbm4b:s4+s2] =	stream.linear.scatter [tilespmem:s9], [sflag:$0x4], $0x4000, $0x38;
	[tilespmem:$0x10800] =	vst v63  }
0x121: {  	_ =	swait.ge [sflag:s5], $0x4000  }
0x122: {  	[sflag:s5] =	ssyncset.done $0x0  }
0x123: {  	p1 =	sne.s32 s1, $0x1;
	[sflag:s5] =	ssyncadd.s32 $0xFFFFC000  }
.Ltmp2:
0x124: {  	_ =	swait.ge [sflag:s7], $0x4000;
	(pc) =	sbr.rel @p1 .LBB2_2-.Ltmp2, $4  }
0x125: {  	[sflag:s7] =	ssyncset.done $0x0  }
0x126: {  	[sflag:s7] =	ssyncadd.s32 $0xFFFFC000  }
0x127: {  	_ =	swait.ge [sflag:s5], $0x4000  }
0x128: {  	s1 =	sadd.s32 $0xFFFFFFFF, s1;
	s0 =	rddreg [dreg:$0x2];
	[sflag:s5] =	ssyncset.done $0x0  }
.LBB2_3:
0x129: {  	[sflag:s5] =	ssyncadd.s32 @p0 $0xFFFFC000  }
0x12a: {  	[tilespmem:s2], [sflag:$0x5] =	stream.linear.gather [hbm4b:s0+s2], $0x800, $0x38;
	[tilespmem:$0x10800] =	vst v63  }
0x12b: {  	_ =	swait.ge [sflag:s31], $0x800  }
0x12c: {  	[sflag:s31] =	ssyncset.done $0x0  }
0x12d: {  	[sflag:s31] =	ssyncadd.s32 $0xFFFFF800  }
0x12e: {  	[tilespmem:s15], [sflag:$0x1] =	stream.indirect.gather [hbm4b:s3+s11], $0x80, s2, s11, $0xb8;
	[tilespmem:$0x10800] =	vst v63  }
0x12f: {  	_ = 	snop  }
0x130: {  	[tilespmem:s14], [sflag:$0x2] =	stream.indirect.gather [hbm4b:s3+s11], $0x80, s11, s11, $0xb8;
	[tilespmem:$0x10800] =	vst v63  }
0x131: {  	_ =	swait.ge [sflag:s12], $0x4000  }
0x132: {  	[sflag:s12] =	ssyncset.done $0x0  }
0x133: {  	s1 =	rddreg [dreg:$0x3];
	[sflag:s12] =	ssyncadd.s32 $0xFFFFC000  }
0x134: {  	[hbm4b:s1+s2] =	stream.linear.scatter [tilespmem:s15], [sflag:$0x3], $0x4000, $0x38;
	[tilespmem:$0x10800] =	vst v63  }
0x135: {  	_ = 	snop  }
0x136: {  	[tilespmem:s13], [sflag:$0x1] =	stream.indirect.gather [hbm4b:s3+s11], $0x80, s30, s11, $0xb8;
	[tilespmem:$0x10800] =	vst v63  }
0x137: {  	_ =	swait.ge [sflag:s8], $0x4000  }
0x138: {  	[sflag:s8] =	ssyncset.done $0x0  }
0x139: {  	s31 =	rddreg [dreg:$0x4];
	[sflag:s8] =	ssyncadd.s32 $0xFFFFC000  }
0x13a: {  	[hbm4b:s31+s2] =	stream.linear.scatter [tilespmem:s14], [sflag:$0x4], $0x4000, $0x38;
	[tilespmem:$0x10800] =	vst v63  }
0x13b: {  	_ = 	snop  }
0x13c: {  	[tilespmem:s9], [sflag:$0x2] =	stream.indirect.gather [hbm4b:s3+s11], $0x80, s29, s11, $0xb8;
	[tilespmem:$0x10800] =	vst v63  }
0x13d: {  	_ =	swait.ge [sflag:s12], $0x4000  }
0x13e: {  	[sflag:s12] =	ssyncset.done $0x0  }
0x13f: {  	s1 =	rddreg [dreg:$0x5];
	[sflag:s12] =	ssyncadd.s32 $0xFFFFC000  }
0x140: {  	[hbm4b:s1+s2] =	stream.linear.scatter [tilespmem:s13], [sflag:$0x3], $0x4000, $0x38;
	[tilespmem:$0x10800] =	vst v63  }
0x141: {  	_ =	swait.ge [sflag:s7], $0x4000  }
0x142: {  	[sflag:s7] =	ssyncset.done $0x0  }
0x143: {  	[sflag:s7] =	ssyncadd.s32 $0xFFFFC000  }
0x144: {  	[tilespmem:s15], [sflag:$0x1] =	stream.indirect.gather [hbm4b:s3+s11], $0x80, s28, s11, $0xb8;
	[tilespmem:$0x10800] =	vst v63  }
0x145: {  	_ =	swait.ge [sflag:s8], $0x4000  }
0x146: {  	[sflag:s8] =	ssyncset.done $0x0  }
0x147: {  	s29 =	rddreg [dreg:$0x6];
	[sflag:s8] =	ssyncadd.s32 $0xFFFFC000  }
0x148: {  	[hbm4b:s29+s2] =	stream.linear.scatter [tilespmem:s9], [sflag:$0x4], $0x4000, $0x38;
	[tilespmem:$0x10800] =	vst v63  }
0x149: {  	_ =	swait.ge [sflag:s5], $0x4000  }
0x14a: {  	[sflag:s5] =	ssyncset.done $0x0  }
0x14b: {  	[sflag:s5] =	ssyncadd.s32 $0xFFFFC000  }
0x14c: {  	[tilespmem:s14], [sflag:$0x2] =	stream.indirect.gather [hbm4b:s3+s11], $0x80, s26, s11, $0xb8;
	[tilespmem:$0x10800] =	vst v63  }
0x14d: {  	_ =	swait.ge [sflag:s12], $0x4000  }
0x14e: {  	[sflag:s12] =	ssyncset.done $0x0  }
0x14f: {  	s30 =	rddreg [dreg:$0x7];
	[sflag:s12] =	ssyncadd.s32 $0xFFFFC000  }
0x150: {  	[hbm4b:s30+s2] =	stream.linear.scatter [tilespmem:s15], [sflag:$0x3], $0x4000, $0x38;
	[tilespmem:$0x10800] =	vst v63  }
0x151: {  	_ =	swait.ge [sflag:s7], $0x4000  }
0x152: {  	[sflag:s7] =	ssyncset.done $0x0  }
0x153: {  	[sflag:s7] =	ssyncadd.s32 $0xFFFFC000  }
0x154: {  	[tilespmem:s13], [sflag:$0x1] =	stream.indirect.gather [hbm4b:s3+s11], $0x80, s25, s11, $0xb8;
	[tilespmem:$0x10800] =	vst v63  }
0x155: {  	_ =	swait.ge [sflag:s8], $0x4000  }
0x156: {  	[sflag:s8] =	ssyncset.done $0x0  }
0x157: {  	s31 =	rddreg [dreg:$0x8];
	[sflag:s8] =	ssyncadd.s32 $0xFFFFC000  }
0x158: {  	[hbm4b:s31+s2] =	stream.linear.scatter [tilespmem:s14], [sflag:$0x4], $0x4000, $0x38;
	[tilespmem:$0x10800] =	vst v63  }
0x159: {  	_ =	swait.ge [sflag:s5], $0x4000  }
0x15a: {  	[sflag:s5] =	ssyncset.done $0x0  }
0x15b: {  	[sflag:s5] =	ssyncadd.s32 $0xFFFFC000  }
0x15c: {  	[tilespmem:s9], [sflag:$0x2] =	stream.indirect.gather [hbm4b:s3+s11], $0x80, s24, s11, $0xb8;
	[tilespmem:$0x10800] =	vst v63  }
0x15d: {  	_ =	swait.ge [sflag:s12], $0x4000  }
0x15e: {  	[sflag:s12] =	ssyncset.done $0x0  }
0x15f: {  	s1 =	rddreg [dreg:$0x9];
	[sflag:s12] =	ssyncadd.s32 $0xFFFFC000  }
0x160: {  	[hbm4b:s1+s2] =	stream.linear.scatter [tilespmem:s13], [sflag:$0x3], $0x4000, $0x38;
	[tilespmem:$0x10800] =	vst v63  }
0x161: {  	_ =	swait.ge [sflag:s7], $0x4000  }
0x162: {  	[sflag:s7] =	ssyncset.done $0x0  }
0x163: {  	[sflag:s7] =	ssyncadd.s32 $0xFFFFC000  }
0x164: {  	[tilespmem:s15], [sflag:$0x1] =	stream.indirect.gather [hbm4b:s3+s11], $0x80, s23, s11, $0xb8;
	[tilespmem:$0x10800] =	vst v63  }
0x165: {  	_ =	swait.ge [sflag:s8], $0x4000  }
0x166: {  	[sflag:s8] =	ssyncset.done $0x0  }
0x167: {  	s24 =	rddreg [dreg:$0xa];
	[sflag:s8] =	ssyncadd.s32 $0xFFFFC000  }
0x168: {  	[hbm4b:s24+s2] =	stream.linear.scatter [tilespmem:s9], [sflag:$0x4], $0x4000, $0x38;
	[tilespmem:$0x10800] =	vst v63  }
0x169: {  	_ =	swait.ge [sflag:s5], $0x4000  }
0x16a: {  	[sflag:s5] =	ssyncset.done $0x0  }
0x16b: {  	[sflag:s5] =	ssyncadd.s32 $0xFFFFC000  }
0x16c: {  	[tilespmem:s14], [sflag:$0x2] =	stream.indirect.gather [hbm4b:s3+s11], $0x80, s22, s11, $0xb8;
	[tilespmem:$0x10800] =	vst v63  }
0x16d: {  	_ =	swait.ge [sflag:s12], $0x4000  }
0x16e: {  	[sflag:s12] =	ssyncset.done $0x0  }
0x16f: {  	s25 =	rddreg [dreg:$0xb];
	[sflag:s12] =	ssyncadd.s32 $0xFFFFC000  }
0x170: {  	[hbm4b:s25+s2] =	stream.linear.scatter [tilespmem:s15], [sflag:$0x3], $0x4000, $0x38;
	[tilespmem:$0x10800] =	vst v63  }
0x171: {  	_ =	swait.ge [sflag:s7], $0x4000  }
0x172: {  	[sflag:s7] =	ssyncset.done $0x0  }
0x173: {  	[sflag:s7] =	ssyncadd.s32 $0xFFFFC000  }
0x174: {  	[tilespmem:s13], [sflag:$0x1] =	stream.indirect.gather [hbm4b:s3+s11], $0x80, s21, s11, $0xb8;
	[tilespmem:$0x10800] =	vst v63  }
0x175: {  	_ =	swait.ge [sflag:s8], $0x4000  }
0x176: {  	[sflag:s8] =	ssyncset.done $0x0  }
0x177: {  	s26 =	rddreg [dreg:$0xc];
	[sflag:s8] =	ssyncadd.s32 $0xFFFFC000  }
0x178: {  	[hbm4b:s26+s2] =	stream.linear.scatter [tilespmem:s14], [sflag:$0x4], $0x4000, $0x38;
	[tilespmem:$0x10800] =	vst v63  }
0x179: {  	_ =	swait.ge [sflag:s5], $0x4000  }
0x17a: {  	[sflag:s5] =	ssyncset.done $0x0  }
0x17b: {  	[sflag:s5] =	ssyncadd.s32 $0xFFFFC000  }
0x17c: {  	[tilespmem:s9], [sflag:$0x2] =	stream.indirect.gather [hbm4b:s3+s11], $0x80, s20, s11, $0xb8;
	[tilespmem:$0x10800] =	vst v63  }
0x17d: {  	_ =	swait.ge [sflag:s12], $0x4000  }
0x17e: {  	[sflag:s12] =	ssyncset.done $0x0  }
0x17f: {  	s28 =	rddreg [dreg:$0xd];
	[sflag:s12] =	ssyncadd.s32 $0xFFFFC000  }
0x180: {  	[hbm4b:s28+s2] =	stream.linear.scatter [tilespmem:s13], [sflag:$0x3], $0x4000, $0x38;
	[tilespmem:$0x10800] =	vst v63  }
0x181: {  	_ =	swait.ge [sflag:s7], $0x4000  }
0x182: {  	[sflag:s7] =	ssyncset.done $0x0  }
0x183: {  	[sflag:s7] =	ssyncadd.s32 $0xFFFFC000  }
0x184: {  	[tilespmem:s15], [sflag:$0x1] =	stream.indirect.gather [hbm4b:s3+s11], $0x80, s19, s11, $0xb8;
	[tilespmem:$0x10800] =	vst v63  }
0x185: {  	_ =	swait.ge [sflag:s8], $0x4000  }
0x186: {  	[sflag:s8] =	ssyncset.done $0x0  }
0x187: {  	s29 =	rddreg [dreg:$0xe];
	[sflag:s8] =	ssyncadd.s32 $0xFFFFC000  }
0x188: {  	[hbm4b:s29+s2] =	stream.linear.scatter [tilespmem:s9], [sflag:$0x4], $0x4000, $0x38;
	[tilespmem:$0x10800] =	vst v63  }
0x189: {  	_ =	swait.ge [sflag:s5], $0x4000  }
0x18a: {  	[sflag:s5] =	ssyncset.done $0x0  }
0x18b: {  	[sflag:s5] =	ssyncadd.s32 $0xFFFFC000  }
0x18c: {  	[tilespmem:s14], [sflag:$0x2] =	stream.indirect.gather [hbm4b:s3+s11], $0x80, s18, s11, $0xb8;
	[tilespmem:$0x10800] =	vst v63  }
0x18d: {  	_ =	swait.ge [sflag:s12], $0x4000  }
0x18e: {  	[sflag:s12] =	ssyncset.done $0x0  }
0x18f: {  	s30 =	rddreg [dreg:$0xf];
	[sflag:s12] =	ssyncadd.s32 $0xFFFFC000  }
0x190: {  	[hbm4b:s30+s2] =	stream.linear.scatter [tilespmem:s15], [sflag:$0x3], $0x4000, $0x38;
	[tilespmem:$0x10800] =	vst v63  }
0x191: {  	_ =	swait.ge [sflag:s7], $0x4000  }
0x192: {  	[sflag:s7] =	ssyncset.done $0x0  }
0x193: {  	[sflag:s7] =	ssyncadd.s32 $0xFFFFC000  }
0x194: {  	[tilespmem:s13], [sflag:$0x1] =	stream.indirect.gather [hbm4b:s3+s11], $0x80, s17, s11, $0xb8;
	[tilespmem:$0x10800] =	vst v63  }
0x195: {  	_ =	swait.ge [sflag:s8], $0x4000  }
0x196: {  	[sflag:s8] =	ssyncset.done $0x0  }
0x197: {  	[sflag:s8] =	ssyncadd.s32 $0xFFFFC000  }
0x198: {  	[hbm4b:s10+s2] =	stream.linear.scatter [tilespmem:s14], [sflag:$0x4], $0x4000, $0x38;
	[tilespmem:$0x10800] =	vst v63  }
0x199: {  	_ =	swait.ge [sflag:s5], $0x4000  }
0x19a: {  	[sflag:s5] =	ssyncset.done $0x0  }
0x19b: {  	[sflag:s5] =	ssyncadd.s32 $0xFFFFC000  }
0x19c: {  	[tilespmem:s9], [sflag:$0x2] =	stream.indirect.gather [hbm4b:s3+s11], $0x80, s16, s11, $0xb8;
	[tilespmem:$0x10800] =	vst v63  }
0x19d: {  	_ =	swait.ge [sflag:s12], $0x4000  }
0x19e: {  	[sflag:s12] =	ssyncset.done $0x0  }
0x19f: {  	[sflag:s12] =	ssyncadd.s32 $0xFFFFC000  }
0x1a0: {  	[hbm4b:s6+s2] =	stream.linear.scatter [tilespmem:s13], [sflag:$0x3], $0x4000, $0x38;
	[tilespmem:$0x10800] =	vst v63  }
0x1a1: {  	_ =	swait.ge [sflag:s7], $0x4000  }
0x1a2: {  	[sflag:s7] =	ssyncset.done $0x0  }
0x1a3: {  	[sflag:s7] =	ssyncadd.s32 $0xFFFFC000  }
0x1a4: {  	_ =	swait.ge [sflag:s8], $0x4000  }
0x1a5: {  	[sflag:s8] =	ssyncset.done $0x0  }
0x1a6: {  	[sflag:s8] =	ssyncadd.s32 $0xFFFFC000  }
0x1a7: {  	[hbm4b:s4+s2] =	stream.linear.scatter [tilespmem:s9], [sflag:$0x4], $0x4000, $0x38;
	[tilespmem:$0x10800] =	vst v63  }
0x1a8: {  	_ =	swait.ge [sflag:s5], $0x4000  }
0x1a9: {  	[sflag:s5] =	ssyncset.done $0x0  }
0x1aa: {  	[sflag:s5] =	ssyncadd.s32 $0xFFFFC000  }
0x1ab: {  	_ =	swait.ge [sflag:s7], $0x4000  }
0x1ac: {  	[sflag:s7] =	ssyncset.done $0x0  }
0x1ad: {  	[sflag:s7] =	ssyncadd.s32 $0xFFFFC000  }
0x1ae: {  	_ =	swait.ge [sflag:s5], $0x4000  }
0x1af: {  	[sflag:s5] =	ssyncset.done $0x0  }
0x1b0: {  	[sflag:s5] =	ssyncadd.s32 $0xFFFFC000  }
0x1b1: {  	_ =	sfence.sel $0x180000  }
0x1b2: {  	[bflag:$0x0] =	sbarrier.arrive $0xFFFF  }
0x1b3: {  	_ =	strace $0x90000047  }
0x1b4: {  	s31 =	stileid.u32;
	[bflag:$0x2] =	sbarrier.arrive $0xFFFF  }
0x1b5: {  	p0 =	sne.s32 s31, $0x0;
	s0 =	rddreg [dreg:$0x1]  }
0x1b6: {  	s0 =	sadd.s32 @!p0 $0x100000, s0  }
0x1b7: {  	[sflag:s0] =	ssyncadd.tile.s32 @!p0 $0x1;
	_ =	shalt  }
.Lfunc_end2:
_tile_overlayer_lowered:
.L_overlay_start_2:
0x1b8: {  	(tag) =	ssettag $0x2  }
0x1b9: {  	s0 =	rddreg [dreg:$0x0];
	s2 =	stileid.u32  }
0x1ba: {  	s1 =	rddreg [dreg:$0x1];
	p0 =	sne.s32 s2, $0x0  }
0x1bb: {  	s3 =	rddreg [dreg:$0x2];
	[bflag:$0x3] =	sbarrier.arrive $0xFFFF;
	s2 =	simm.s32 @!p0 $0x1C05  }
0x1bc: {  	[timem:s3], [sflag:s2] =	dma.local @!p0 [hbm:s0], s1  }
0x1bd: {  	s0 =	simm.s32 @!p0 $0x5  }
0x1be: {  	_ =	swait.ge @!p0 [sflag:s0], s1  }
0x1bf: {  	s1 =	ssub.s32 @!p0 $0x0, s1;
	[sflag:s0] =	ssyncset.done @!p0 $0x0  }
0x1c0: {  	[sflag:s0] =	ssyncadd.s32 @!p0 s1  }
0x1c1: {  	[bflag:$0x3] =	sbarrier.arrive $0xFFFF  }
0x1c2: {  	_ =	shalt  }

</sc_bundles>
